<compile_context>
chip_gen: v7x
topology: tpu7x:2x2x1
jax: 0.10.2.dev20260603
libtpu: 0.0.44.dev20260713+nightly
codegen_flags: <defaults>
</compile_context>

<pallas_src>
import functools

import jax
import jax.numpy as jnp
from jax import lax
from jax.experimental import pallas as pl
from jax.experimental.pallas import tpu as pltpu
from jax.experimental.pallas import tpu_sc as plsc

_B, _L, _D = 16, 4096, 64
_CROP_RATE = 0.2
_REORDER_RATE = 0.2
_MASK_RATE = 0.3

_DPW = _D // 2
_DBLK = 8
_NBLK = _DPW // _DBLK
_NCW = 2 * _B + _B * (_L // 32)

_mesh = plsc.VectorSubcoreMesh(core_axis_name="c", subcore_axis_name="s")


def _sc_body(seq_hbm, len_hbm, me_hbm, cst_hbm,
             out_hbm, olen_hbm,
             len_v, me_v, cst_v, src_v,
             inbuf, outa, outb, olen_v, par_v,
             isem0, isem1, osema, osemb):
    cid = lax.axis_index("c")
    sid = lax.axis_index("s")
    wid = sid * 2 + cid
    b = wid // 2
    half = wid % 2
    d0 = half * _DPW

    isems = [isem0, isem1]
    ins = [None, None]
    ins[0] = pltpu.async_copy(
        seq_hbm.at[b, pl.ds(d0, _DBLK)], inbuf.at[0], isems[0])

    pltpu.sync_copy(len_hbm, len_v)
    pltpu.sync_copy(me_hbm, me_v)
    pltpu.sync_copy(cst_hbm, cst_v)

    lenv = len_v[...]
    lenf = lenv.astype(jnp.float32)
    ucv = plsc.bitcast(cst_v[pl.ds(0, 16)], jnp.float32)
    urv = plsc.bitcast(cst_v[pl.ds(16, 16)], jnp.float32)
    newlen = jnp.maximum(1, (lenf * (1.0 - _CROP_RATE)).astype(jnp.int32))
    maxst = jnp.maximum(lenv - newlen, 0)
    startv = (ucv * (maxst.astype(jnp.float32) + 1.0)).astype(jnp.int32)
    segv = (newlen.astype(jnp.float32) * _REORDER_RATE).astype(jnp.int32)
    maxs2 = jnp.maximum(newlen - segv, 0)
    s2v = (urv * (maxs2.astype(jnp.float32) + 1.0)).astype(jnp.int32)

    lane = lax.iota(jnp.int32, 16)

    par_v[pl.ds(0, 16)] = newlen
    par_v[pl.ds(16, 16)] = startv
    par_v[pl.ds(32, 16)] = s2v
    par_v[pl.ds(48, 16)] = segv
    bidx = jnp.full((16,), b, jnp.int32)
    s_new = plsc.load_gather(par_v, [bidx])
    s_start = plsc.load_gather(par_v, [bidx + 16])
    s_s2 = plsc.load_gather(par_v, [bidx + 32])
    s_seg = plsc.load_gather(par_v, [bidx + 48])

    @pl.when(wid == 0)
    def _():
        olen_v[...] = newlen
        pltpu.sync_copy(olen_v, olen_hbm)

    mwbase = 32 + b * (_L // 32)

    def gen(j, carry):
        pos = j * 16 + lane
        inseg = (pos >= s_s2) & (pos < s_s2 + s_seg)
        ridx = jnp.where(inseg, 2 * s_s2 + s_seg - 1 - pos, pos)
        src = jnp.clip(s_start + ridx, 0, _L - 1)
        word = plsc.load_gather(
            cst_v, [jnp.full((16,), mwbase + (j >> 1), jnp.int32)])
        mbit = lax.shift_right_logical(word, (j & 1) * 16 + lane) & 1
        valid = pos < s_new
        masked = valid & (mbit != 0)
        passed = valid & (mbit == 0)
        sx = (src | jnp.where(masked, 1 << 14, 0)
              | jnp.where(passed, 1 << 13, 0))
        src_v[pl.ds(j * 16, 16)] = sx
        return carry

    lax.fori_loop(0, _L // 16, gen, 0)

    def half_compute(ibuf, obuf, jlo, me_bc):
        zero = jnp.zeros((16,), jnp.float32)

        def prefetch(j):
            return src_v[pl.ds(j * 16, 16)]

        def body(j, sx):
            srcv = sx & 0x1FFF
            mask_b = (sx & (1 << 14)) != 0
            pass_b = (sx & (1 << 13)) != 0
            vals = [
                plsc.load_gather(ibuf, [jnp.full((16,), dd, jnp.int32), srcv])
                for dd in range(_DBLK)
            ]
            nxt = prefetch(j + 1)
            for dd in range(_DBLK):
                r = jnp.where(mask_b, me_bc[dd],
                              jnp.where(pass_b, vals[dd], zero))
                obuf[dd, pl.ds((j - jlo) * 16, 16)] = r
            return nxt

        lax.fori_loop(jlo, jlo + _L // 32, body, prefetch(jlo))

    outs = [None, None]
    for t in range(_NBLK):
        s = t % 2
        ins[s].wait()
        if t + 1 < _NBLK:
            ins[1 - s] = pltpu.async_copy(
                seq_hbm.at[b, pl.ds(d0 + (t + 1) * _DBLK, _DBLK)],
                inbuf.at[1 - s], isems[1 - s])
        me_bc = [
            plsc.load_gather(me_v, [jnp.full((16,), d0 + t * _DBLK + dd,
                                             jnp.int32)])
            for dd in range(_DBLK)
        ]
        if outs[0] is not None:
            outs[0].wait()
        half_compute(inbuf.at[s], outa, 0, me_bc)
        outs[0] = pltpu.async_copy(
            outa, out_hbm.at[b, pl.ds(d0 + t * _DBLK, _DBLK),
                             pl.ds(0, _L // 2)], osema)
        if outs[1] is not None:
            outs[1].wait()
        half_compute(inbuf.at[s], outb, _L // 32, me_bc)
        outs[1] = pltpu.async_copy(
            outb, out_hbm.at[b, pl.ds(d0 + t * _DBLK, _DBLK),
                             pl.ds(_L // 2, _L // 2)], osemb)
    outs[0].wait()
    outs[1].wait()


@functools.partial(
    pl.kernel,
    out_type=[
        jax.ShapeDtypeStruct((_B, _D, _L), jnp.float32),
        jax.ShapeDtypeStruct((_B,), jnp.int32),
    ],
    mesh=_mesh,
    compiler_params=pltpu.CompilerParams(
        needs_layout_passes=False, use_tc_tiling_on_sc=True),
    scratch_types=[
        pltpu.VMEM((_B,), jnp.int32),
        pltpu.VMEM((_D,), jnp.float32),
        pltpu.VMEM((_NCW,), jnp.int32),
        pltpu.VMEM((_L + 16,), jnp.int32),
        pltpu.VMEM((2, _DBLK, _L), jnp.float32),
        pltpu.VMEM((_DBLK, _L // 2), jnp.float32),
        pltpu.VMEM((_DBLK, _L // 2), jnp.float32),
        pltpu.VMEM((_B,), jnp.int32),
        pltpu.VMEM((4 * 16,), jnp.int32),
        pltpu.SemaphoreType.DMA,
        pltpu.SemaphoreType.DMA,
        pltpu.SemaphoreType.DMA,
        pltpu.SemaphoreType.DMA,
    ],
)
def _sc_augment(*refs):
    _sc_body(*refs)


def _fixed_draws():
    import numpy as np

    def compute():
        key = jax.random.key(42)
        kc, kr, km = jax.random.split(key, 3)
        u = np.asarray(jax.random.uniform(kc, (_B,)), dtype=np.float32)
        u2 = np.asarray(jax.random.uniform(kr, (_B,)), dtype=np.float32)
        m = np.asarray(
            jax.random.bernoulli(km, _MASK_RATE, (_B, _L)),
        ).astype(np.uint32).reshape(-1, 32)
        mbits = (m * (np.uint32(1) << np.arange(32, dtype=np.uint32))[None, :]
                 ).sum(axis=1, dtype=np.uint64).astype(np.uint32)
        return np.concatenate(
            [u.view(np.int32), u2.view(np.int32), mbits.view(np.int32)])

    try:
        with jax.default_device(jax.devices("cpu")[0]):
            return compute()
    except Exception:
        pass
    try:
        return compute()
    except Exception:
        return None


_CONSTS = _fixed_draws()


def _traced_draws():
    key = jax.random.key(42)
    kc, kr, km = jax.random.split(key, 3)
    u = jax.random.uniform(kc, (_B,))
    u2 = jax.random.uniform(kr, (_B,))
    m = jax.random.bernoulli(km, _MASK_RATE, (_B, _L))
    m = m.astype(jnp.uint32).reshape(-1, 32)
    weights = (jnp.uint32(1) << jnp.arange(32, dtype=jnp.uint32))[None, :]
    mbits = (m * weights).sum(axis=1, dtype=jnp.uint32)
    return jnp.concatenate([
        lax.bitcast_convert_type(u, jnp.int32),
        lax.bitcast_convert_type(u2, jnp.int32),
        lax.bitcast_convert_type(mbits, jnp.int32),
    ])


def kernel(seq_input, seq_len, mask_emb):
    cst = _CONSTS if _CONSTS is not None else _traced_draws()

    seq_t = jnp.transpose(seq_input, (0, 2, 1))
    out_t, olen = _sc_augment(
        seq_t, seq_len.astype(jnp.int32), mask_emb, cst)
    return jnp.transpose(out_t, (0, 2, 1)), olen

# --- scband reference (transcript-rebuilt; emitter-appended) ---
"""Pipeline reference for scband-seq-augment-ops-52767968199029 (READ-ONLY COPY).

The authoritative reference and input builder live on the scoring server;
editing this copy changes nothing except your own understanding.
"""

import jax, jax.numpy as jnp
import numpy as np

CROP_RATE = 0.2
REORDER_RATE = 0.2
MASK_RATE = 0.3
B, L, D = 16, 4096, 64


def setup_inputs(seed: int = 0):
    key = jax.random.key(seed)
    k1, k2, k3 = jax.random.split(key, 3)
    seq_input = jax.random.normal(k1, (B, L, D), dtype=jnp.float32)
    seq_len = jax.random.randint(k2, (B,), 1, L, dtype=jnp.int32)
    mask_emb = jax.random.normal(k3, (D,), dtype=jnp.float32) * 0.02
    return {"seq_input": seq_input, "seq_len": seq_len, "mask_emb": mask_emb}


def _augment(seq_input, seq_len, mask_emb):
    # CL4SRec-style sequence augmentation: crop -> reorder (reverse segment) -> mask.
    # Randomness drawn from a fixed PRNG key to mimic the stateful custom op deterministically.
    b, l, d = seq_input.shape
    key = jax.random.key(42)
    kc, kr, km = jax.random.split(key, 3)
    pos = jnp.arange(l)[None, :]  # [1, L]
    seq_len = seq_len.astype(jnp.int32)

    # 1) Crop: keep a random contiguous window of new_len = max(1, floor(len*(1-crop_rate)))
    new_len = jnp.maximum(1, jnp.floor(seq_len.astype(jnp.float32) * (1.0 - CROP_RATE)).astype(jnp.int32))
    max_start = jnp.maximum(seq_len - new_len, 0)
    u = jax.random.uniform(kc, (b,))
    start = (u * (max_start.astype(jnp.float32) + 1.0)).astype(jnp.int32)
    gather_idx = jnp.clip(start[:, None] + pos, 0, l - 1)  # [B, L]
    cropped = jnp.take_along_axis(seq_input, gather_idx[:, :, None], axis=1)
    valid = pos < new_len[:, None]  # [B, L]
    cropped = jnp.where(valid[:, :, None], cropped, 0.0)

    # 2) Reorder: reverse a random segment of length floor(new_len * reorder_rate)
    seg_len = jnp.floor(new_len.astype(jnp.float32) * REORDER_RATE).astype(jnp.int32)
    max_s2 = jnp.maximum(new_len - seg_len, 0)
    u2 = jax.random.uniform(kr, (b,))
    s2 = (u2 * (max_s2.astype(jnp.float32) + 1.0)).astype(jnp.int32)
    in_seg = (pos >= s2[:, None]) & (pos < (s2 + seg_len)[:, None])
    rev_idx = jnp.clip(2 * s2[:, None] + seg_len[:, None] - 1 - pos, 0, l - 1)
    reorder_idx = jnp.where(in_seg, rev_idx, pos)
    reordered = jnp.take_along_axis(cropped, reorder_idx[:, :, None], axis=1)

    # 3) Mask: replace bernoulli(mask_rate) valid positions with learned mask embedding
    m = jax.random.bernoulli(km, MASK_RATE, (b, l))
    do_mask = m & valid
    aug_seq = jnp.where(do_mask[:, :, None], mask_emb[None, None, :], reordered)
    aug_seq = jnp.where(valid[:, :, None], aug_seq, 0.0)
    return aug_seq, new_len


def reference(seq_input, seq_len, mask_emb):
    aug_seq, aug_len = _augment(seq_input, seq_len, mask_emb)
    return aug_seq, aug_len

if __name__ == "__main__":
    import jax
    _d = setup_inputs()
    print(jax.jit(kernel)(*tuple(_d.values())))

</pallas_src>

<mosaic_0001>
#map = affine_map<(d0, d1) -> (0, 0, 0)>
#map1 = affine_map<(d0, d1) -> (0)>
module attributes {stable_mosaic.version = 14 : i64} {
  func.func @_sc_augment(%arg0: i32, %arg1: i32, %arg2: memref<16x64x4096xf32, #tpu.memory_space<hbm>>, %arg3: memref<16xi32, #tpu.memory_space<hbm>>, %arg4: memref<64xf32, #tpu.memory_space<hbm>>, %arg5: memref<2080xi32, #tpu.memory_space<hbm>>, %arg6: memref<16x64x4096xf32, #tpu.memory_space<hbm>>, %arg7: memref<16xi32, #tpu.memory_space<hbm>>, %arg8: memref<16xi32, #tpu.memory_space<vmem>>, %arg9: memref<64xf32, #tpu.memory_space<vmem>>, %arg10: memref<2080xi32, #tpu.memory_space<vmem>>, %arg11: memref<4112xi32, #tpu.memory_space<vmem>>, %arg12: memref<2x8x4096xf32, #tpu.memory_space<vmem>>, %arg13: memref<8x2048xf32, #tpu.memory_space<vmem>>, %arg14: memref<8x2048xf32, #tpu.memory_space<vmem>>, %arg15: memref<16xi32, #tpu.memory_space<vmem>>, %arg16: memref<64xi32, #tpu.memory_space<vmem>>, %arg17: memref<!tpu.dma_semaphore, #tpu.memory_space<semaphore_mem>>, %arg18: memref<!tpu.dma_semaphore, #tpu.memory_space<semaphore_mem>>, %arg19: memref<!tpu.dma_semaphore, #tpu.memory_space<semaphore_mem>>, %arg20: memref<!tpu.dma_semaphore, #tpu.memory_space<semaphore_mem>>) attributes {dimension_semantics = [#tpu.dimension_semantics<core_parallel>, #tpu.dimension_semantics<subcore_parallel>], iteration_bounds = array<i64: 2, 16>, scalar_prefetch = 0 : i64, scratch_operands = 13 : i64, tpu.core_type = #tpu.core_type<sc_vector_subcore>, window_params = [{transform_indices = #map}, {transform_indices = #map1}, {transform_indices = #map1}, {transform_indices = #map1}, {transform_indices = #map}, {transform_indices = #map1}]} {
    %mul3A = arith.constant 2 : i32
    %mul3A_0 = arith.muli %arg1, %mul3A : i32
    %add3A = arith.addi %mul3A_0, %arg0 : i32
    %jit3A = arith.constant 2 : i32
    %div3A = arith.divsi %add3A, %jit3A : i32
    %sign3A = arith.constant 0 : i32
    %sign3A_1 = arith.cmpi sgt, %add3A, %sign3A : i32
    %sign3A_2 = arith.extui %sign3A_1 : i1 to i32
    %sign3A_3 = arith.constant 0 : i32
    %sign3A_4 = arith.cmpi slt, %add3A, %sign3A_3 : i32
    %sign3A_5 = arith.extui %sign3A_4 : i1 to i32
    %sign3A_6 = arith.subi %sign3A_2, %sign3A_5 : i32
    %sign3A_7 = arith.constant 0 : i32
    %sign3A_8 = arith.cmpi sgt, %jit3A, %sign3A_7 : i32
    %sign3A_9 = arith.extui %sign3A_8 : i1 to i32
    %sign3A_10 = arith.constant 0 : i32
    %sign3A_11 = arith.cmpi slt, %jit3A, %sign3A_10 : i32
    %sign3A_12 = arith.extui %sign3A_11 : i1 to i32
    %sign3A_13 = arith.subi %sign3A_9, %sign3A_12 : i32
    %ne3A = arith.cmpi ne, %sign3A_6, %sign3A_13 : i32
    %rem3A = arith.remsi %add3A, %jit3A : i32
    %ne3A_14 = arith.constant 0 : i32
    %ne3A_15 = arith.cmpi ne, %rem3A, %ne3A_14 : i32
    %and3A = arith.andi %ne3A, %ne3A_15 : i1
    %sub3A = arith.constant 1 : i32
    %sub3A_16 = arith.subi %div3A, %sub3A : i32
    %select_n3A = arith.select %and3A, %sub3A_16, %div3A : i32
    %jit3A_17 = arith.constant 2 : i32
    %eq3A = arith.constant 0 : i32
    %eq3A_18 = arith.cmpi eq, %jit3A_17, %eq3A : i32
    %jit3A_19 = arith.constant 1 : i32
    %select_n3A_20 = arith.select %eq3A_18, %jit3A_19, %jit3A_17 : i32
    %rem3A_21 = arith.remsi %add3A, %select_n3A_20 : i32
    %ne3A_22 = arith.constant 0 : i32
    %ne3A_23 = arith.cmpi ne, %rem3A_21, %ne3A_22 : i32
    %lt3A = arith.constant 0 : i32
    %lt3A_24 = arith.cmpi slt, %rem3A_21, %lt3A : i32
    %lt3A_25 = arith.constant 0 : i32
    %lt3A_26 = arith.cmpi slt, %select_n3A_20, %lt3A_25 : i32
    %ne3A_27 = arith.xori %lt3A_24, %lt3A_26 : i1
    %and3A_28 = arith.andi %ne3A_27, %ne3A_23 : i1
    %add3A_29 = arith.addi %rem3A_21, %select_n3A_20 : i32
    %select_n3A_30 = arith.select %and3A_28, %add3A_29, %rem3A_21 : i32
    %mul3A_31 = arith.constant 32 : i32
    %mul3A_32 = arith.muli %select_n3A_30, %mul3A_31 : i32
    %dma_start3A = arith.constant 0 : i32
    %dma_start3A_33 = arith.constant 0 : i32
    %dma_start3A_34 = arith.constant 0 : i32
    %dma_start3A_35 = tpu.memref_slice %arg12[%dma_start3A, %dma_start3A_33, %dma_start3A_34] : memref<2x8x4096xf32, #tpu.memory_space<vmem>> -> memref<1x8x4096xf32, #tpu.memory_space<vmem>>
    %dma_start3A_36 = tpu.memref_squeeze %dma_start3A_35 : memref<1x8x4096xf32, #tpu.memory_space<vmem>> -> memref<8x4096xf32, #tpu.memory_space<vmem>>
    %dma_start3A_37 = arith.constant 0 : i32
    %dma_start3A_38 = tpu.memref_slice %arg2[%select_n3A, %mul3A_32, %dma_start3A_37] : memref<16x64x4096xf32, #tpu.memory_space<hbm>> -> memref<1x8x4096xf32, #tpu.memory_space<hbm>>
    %dma_start3A_39 = tpu.memref_squeeze %dma_start3A_38 : memref<1x8x4096xf32, #tpu.memory_space<hbm>> -> memref<8x4096xf32, #tpu.memory_space<hbm>>
    %dma_start3A_40 = arith.constant 0 : i32
    %dma_start3A_41 = arith.constant 0 : i32
    %dma_start3A_42 = tpu.memref_slice %arg12[%dma_start3A, %dma_start3A_40, %dma_start3A_41] : memref<2x8x4096xf32, #tpu.memory_space<vmem>> -> memref<1x8x4096xf32, #tpu.memory_space<vmem>>
    %dma_start3A_43 = tpu.memref_squeeze %dma_start3A_42 : memref<1x8x4096xf32, #tpu.memory_space<vmem>> -> memref<8x4096xf32, #tpu.memory_space<vmem>>
    %dma_start3A_44 = arith.constant 0 : i32
    %dma_start3A_45 = tpu.memref_slice %arg2[%select_n3A, %mul3A_32, %dma_start3A_44] : memref<16x64x4096xf32, #tpu.memory_space<hbm>> -> memref<1x8x4096xf32, #tpu.memory_space<hbm>>
    %dma_start3A_46 = tpu.memref_squeeze %dma_start3A_45 : memref<1x8x4096xf32, #tpu.memory_space<hbm>> -> memref<8x4096xf32, #tpu.memory_space<hbm>>
    tpu.enqueue_dma source(%dma_start3A_46 : memref<8x4096xf32, #tpu.memory_space<hbm>>) target(%dma_start3A_43 : memref<8x4096xf32, #tpu.memory_space<vmem>>) target_semaphore(%arg17 : memref<!tpu.dma_semaphore, #tpu.memory_space<semaphore_mem>>)
    "tpu.region"() ({
      %run_scoped3A = tpu.sem_alloc : memref<!tpu.dma_semaphore, #tpu.memory_space<semaphore_mem>>
      tpu.enqueue_dma source(%arg3 : memref<16xi32, #tpu.memory_space<hbm>>) target(%arg8 : memref<16xi32, #tpu.memory_space<vmem>>) target_semaphore(%run_scoped3A : memref<!tpu.dma_semaphore, #tpu.memory_space<semaphore_mem>>)
      tpu.wait_dma2 semaphore(%run_scoped3A : memref<!tpu.dma_semaphore, #tpu.memory_space<semaphore_mem>>) src(%arg3 : memref<16xi32, #tpu.memory_space<hbm>>) dst(%arg8 : memref<16xi32, #tpu.memory_space<vmem>>)
      tpu.yield
    }) : () -> ()
    "tpu.region"() ({
      %run_scoped3A = tpu.sem_alloc : memref<!tpu.dma_semaphore, #tpu.memory_space<semaphore_mem>>
      tpu.enqueue_dma source(%arg4 : memref<64xf32, #tpu.memory_space<hbm>>) target(%arg9 : memref<64xf32, #tpu.memory_space<vmem>>) target_semaphore(%run_scoped3A : memref<!tpu.dma_semaphore, #tpu.memory_space<semaphore_mem>>)
      tpu.wait_dma2 semaphore(%run_scoped3A : memref<!tpu.dma_semaphore, #tpu.memory_space<semaphore_mem>>) src(%arg4 : memref<64xf32, #tpu.memory_space<hbm>>) dst(%arg9 : memref<64xf32, #tpu.memory_space<vmem>>)
      tpu.yield
    }) : () -> ()
    "tpu.region"() ({
      %run_scoped3A = tpu.sem_alloc : memref<!tpu.dma_semaphore, #tpu.memory_space<semaphore_mem>>
      tpu.enqueue_dma source(%arg5 : memref<2080xi32, #tpu.memory_space<hbm>>) target(%arg10 : memref<2080xi32, #tpu.memory_space<vmem>>) target_semaphore(%run_scoped3A : memref<!tpu.dma_semaphore, #tpu.memory_space<semaphore_mem>>)
      tpu.wait_dma2 semaphore(%run_scoped3A : memref<!tpu.dma_semaphore, #tpu.memory_space<semaphore_mem>>) src(%arg5 : memref<2080xi32, #tpu.memory_space<hbm>>) dst(%arg10 : memref<2080xi32, #tpu.memory_space<vmem>>)
      tpu.yield
    }) : () -> ()
    %get3A = arith.constant 0 : index
    %get3A_47 = tpu.vector_load %arg8[%get3A] {strides = array<i32>} : memref<16xi32, #tpu.memory_space<vmem>>, vector<16xi32>,
    %convert_element_type3A = arith.sitofp %get3A_47 : vector<16xi32> to vector<16xf32>
    %get3A_48 = arith.constant 0 : index
    %get3A_49 = tpu.vector_load %arg10[%get3A_48] {strides = array<i32>} : memref<2080xi32, #tpu.memory_space<vmem>>, vector<16xi32>,
    %bitcast3A = vector.bitcast %get3A_49 : vector<16xi32> to vector<16xf32>
    %get3A_50 = arith.constant 16 : index
    %get3A_51 = tpu.vector_load %arg10[%get3A_50] {strides = array<i32>} : memref<2080xi32, #tpu.memory_space<vmem>>, vector<16xi32>,
    %bitcast3A_52 = vector.bitcast %get3A_51 : vector<16xi32> to vector<16xf32>
    %mul3A_53 = arith.constant 8.000000e-01 : f32
    %mul3A_54 = vector.broadcast %mul3A_53 : f32 to vector<16xf32>
    %mul3A_55 = arith.mulf %convert_element_type3A, %mul3A_54 : vector<16xf32>
    %convert_element_type3A_56 = arith.fptosi %mul3A_55 : vector<16xf32> to vector<16xi32>
    %max3A = arith.constant 1 : i32
    %max3A_57 = vector.broadcast %max3A : i32 to vector<16xi32>
    %max3A_58 = arith.maxsi %max3A_57, %convert_element_type3A_56 : vector<16xi32>
    %sub3A_59 = arith.subi %get3A_47, %max3A_58 : vector<16xi32>
    %max3A_60 = arith.constant 0 : i32
    %max3A_61 = vector.broadcast %max3A_60 : i32 to vector<16xi32>
    %max3A_62 = arith.maxsi %sub3A_59, %max3A_61 : vector<16xi32>
    %convert_element_type3A_63 = arith.sitofp %max3A_62 : vector<16xi32> to vector<16xf32>
    %add3A_64 = arith.constant 1.000000e+00 : f32
    %add3A_65 = vector.broadcast %add3A_64 : f32 to vector<16xf32>
    %add3A_66 = arith.addf %convert_element_type3A_63, %add3A_65 : vector<16xf32>
    %mul3A_67 = arith.mulf %bitcast3A, %add3A_66 : vector<16xf32>
    %convert_element_type3A_68 = arith.fptosi %mul3A_67 : vector<16xf32> to vector<16xi32>
    %convert_element_type3A_69 = arith.sitofp %max3A_58 : vector<16xi32> to vector<16xf32>
    %mul3A_70 = arith.constant 2.000000e-01 : f32
    %mul3A_71 = vector.broadcast %mul3A_70 : f32 to vector<16xf32>
    %mul3A_72 = arith.mulf %convert_element_type3A_69, %mul3A_71 : vector<16xf32>
    %convert_element_type3A_73 = arith.fptosi %mul3A_72 : vector<16xf32> to vector<16xi32>
    %sub3A_74 = arith.subi %max3A_58, %convert_element_type3A_73 : vector<16xi32>
    %max3A_75 = arith.constant 0 : i32
    %max3A_76 = vector.broadcast %max3A_75 : i32 to vector<16xi32>
    %max3A_77 = arith.maxsi %sub3A_74, %max3A_76 : vector<16xi32>
    %convert_element_type3A_78 = arith.sitofp %max3A_77 : vector<16xi32> to vector<16xf32>
    %add3A_79 = arith.constant 1.000000e+00 : f32
    %add3A_80 = vector.broadcast %add3A_79 : f32 to vector<16xf32>
    %add3A_81 = arith.addf %convert_element_type3A_78, %add3A_80 : vector<16xf32>
    %mul3A_82 = arith.mulf %bitcast3A_52, %add3A_81 : vector<16xf32>
    %convert_element_type3A_83 = arith.fptosi %mul3A_82 : vector<16xf32> to vector<16xi32>
    %iota3A = tpu.iota {dimensions = array<i32: 0>} : vector<16xi32>
    %swap3A = arith.constant 0 : index
    %swap3A_84 = tpu.vector_load %arg16[%swap3A] {strides = array<i32>} : memref<64xi32, #tpu.memory_space<vmem>>, vector<16xi32>,
    tpu.vector_store %arg16[%swap3A], %max3A_58 {strides = array<i32>} : memref<64xi32, #tpu.memory_space<vmem>>, vector<16xi32>,
    %swap3A_85 = arith.constant 16 : index
    %swap3A_86 = tpu.vector_load %arg16[%swap3A_85] {strides = array<i32>} : memref<64xi32, #tpu.memory_space<vmem>>, vector<16xi32>,
    tpu.vector_store %arg16[%swap3A_85], %convert_element_type3A_68 {strides = array<i32>} : memref<64xi32, #tpu.memory_space<vmem>>, vector<16xi32>,
    %swap3A_87 = arith.constant 32 : index
    %swap3A_88 = tpu.vector_load %arg16[%swap3A_87] {strides = array<i32>} : memref<64xi32, #tpu.memory_space<vmem>>, vector<16xi32>,
    tpu.vector_store %arg16[%swap3A_87], %convert_element_type3A_83 {strides = array<i32>} : memref<64xi32, #tpu.memory_space<vmem>>, vector<16xi32>,
    %swap3A_89 = arith.constant 48 : index
    %swap3A_90 = tpu.vector_load %arg16[%swap3A_89] {strides = array<i32>} : memref<64xi32, #tpu.memory_space<vmem>>, vector<16xi32>,
    tpu.vector_store %arg16[%swap3A_89], %convert_element_type3A_73 {strides = array<i32>} : memref<64xi32, #tpu.memory_space<vmem>>, vector<16xi32>,
    %broadcast_in_dim3A = vector.broadcast %select_n3A : i32 to vector<16xi32>
    %gather3A = tpu.vector_load_idx %arg16[%broadcast_in_dim3A] : memref<64xi32, #tpu.memory_space<vmem>>[vector<16xi32>], vector<16xi32>,
    %add3A_91 = arith.constant 16 : i32
    %add3A_92 = vector.broadcast %add3A_91 : i32 to vector<16xi32>
    %add3A_93 = arith.addi %broadcast_in_dim3A, %add3A_92 : vector<16xi32>
    %gather3A_94 = tpu.vector_load_idx %arg16[%add3A_93] : memref<64xi32, #tpu.memory_space<vmem>>[vector<16xi32>], vector<16xi32>,
    %add3A_95 = arith.constant 32 : i32
    %add3A_96 = vector.broadcast %add3A_95 : i32 to vector<16xi32>
    %add3A_97 = arith.addi %broadcast_in_dim3A, %add3A_96 : vector<16xi32>
    %gather3A_98 = tpu.vector_load_idx %arg16[%add3A_97] : memref<64xi32, #tpu.memory_space<vmem>>[vector<16xi32>], vector<16xi32>,
    %add3A_99 = arith.constant 48 : i32
    %add3A_100 = vector.broadcast %add3A_99 : i32 to vector<16xi32>
    %add3A_101 = arith.addi %broadcast_in_dim3A, %add3A_100 : vector<16xi32>
    %gather3A_102 = tpu.vector_load_idx %arg16[%add3A_101] : memref<64xi32, #tpu.memory_space<vmem>>[vector<16xi32>], vector<16xi32>,
    %eq3A_103 = arith.constant 0 : i32
    %eq3A_104 = arith.cmpi eq, %add3A, %eq3A_103 : i32
    %convert_element_type3A_105 = arith.extui %eq3A_104 : i1 to i32
    %cond3A = arith.constant 0 : i32
    %cond3A_106 = arith.cmpi ne, %convert_element_type3A_105, %cond3A : i32
    scf.if %cond3A_106 {
      %swap3A_618 = arith.constant 0 : index
      %swap3A_619 = tpu.vector_load %arg15[%swap3A_618] {strides = array<i32>} : memref<16xi32, #tpu.memory_space<vmem>>, vector<16xi32>,
      tpu.vector_store %arg15[%swap3A_618], %max3A_58 {strides = array<i32>} : memref<16xi32, #tpu.memory_space<vmem>>, vector<16xi32>,
      "tpu.region"() ({
        %run_scoped3A = tpu.sem_alloc : memref<!tpu.dma_semaphore, #tpu.memory_space<semaphore_mem>>
        tpu.enqueue_dma source(%arg15 : memref<16xi32, #tpu.memory_space<vmem>>) target(%arg7 : memref<16xi32, #tpu.memory_space<hbm>>) target_semaphore(%run_scoped3A : memref<!tpu.dma_semaphore, #tpu.memory_space<semaphore_mem>>)
        tpu.wait_dma2 semaphore(%run_scoped3A : memref<!tpu.dma_semaphore, #tpu.memory_space<semaphore_mem>>) src(%arg15 : memref<16xi32, #tpu.memory_space<vmem>>) dst(%arg7 : memref<16xi32, #tpu.memory_space<hbm>>)
        tpu.yield
      }) : () -> ()
    } else {
    }
    %mul3A_107 = arith.constant 128 : i32
    %mul3A_108 = arith.muli %select_n3A, %mul3A_107 : i32
    %add3A_109 = arith.constant 32 : i32
    %add3A_110 = arith.addi %add3A_109, %mul3A_108 : i32
    %scan3A = arith.constant 0 : i32
    %scan3A_111 = arith.constant 0 : i32
    %scan3A_112 = arith.constant 256 : i32
    %scan3A_113 = arith.addi %scan3A_111, %scan3A_112 : i32
    %scan3A_114 = arith.constant 1 : i32
    scf.for %scan3A_618 = %scan3A_111 to %scan3A_113 step %scan3A_114  : i32 {
      %mul3A_619 = arith.constant 16 : i32
      %mul3A_620 = arith.muli %scan3A_618, %mul3A_619 : i32
      %add3A_621 = vector.broadcast %mul3A_620 : i32 to vector<16xi32>
      %add3A_622 = arith.addi %add3A_621, %iota3A : vector<16xi32>
      %ge3A = arith.cmpi sge, %add3A_622, %gather3A_98 : vector<16xi32>
      %add3A_623 = arith.addi %gather3A_98, %gather3A_102 : vector<16xi32>
      %lt3A_624 = arith.cmpi slt, %add3A_622, %add3A_623 : vector<16xi32>
      %and3A_625 = arith.andi %ge3A, %lt3A_624 : vector<16xi1>
      %mul3A_626 = arith.constant 2 : i32
      %mul3A_627 = vector.broadcast %mul3A_626 : i32 to vector<16xi32>
      %mul3A_628 = arith.muli %mul3A_627, %gather3A_98 : vector<16xi32>
      %add3A_629 = arith.addi %mul3A_628, %gather3A_102 : vector<16xi32>
      %sub3A_630 = arith.constant 1 : i32
      %sub3A_631 = vector.broadcast %sub3A_630 : i32 to vector<16xi32>
      %sub3A_632 = arith.subi %add3A_629, %sub3A_631 : vector<16xi32>
      %sub3A_633 = arith.subi %sub3A_632, %add3A_622 : vector<16xi32>
      %select_n3A_634 = arith.select %and3A_625, %sub3A_633, %add3A_622 : vector<16xi1>, vector<16xi32>
      %add3A_635 = arith.addi %gather3A_94, %select_n3A_634 : vector<16xi32>
      %jit3A_636 = arith.constant 0 : i32
      %jit3A_637 = arith.constant 4095 : i32
      %max3A_638 = vector.broadcast %jit3A_636 : i32 to vector<16xi32>
      %max3A_639 = arith.maxsi %max3A_638, %add3A_635 : vector<16xi32>
      %min3A = vector.broadcast %jit3A_637 : i32 to vector<16xi32>
      %min3A_640 = arith.minsi %min3A, %max3A_639 : vector<16xi32>
      %shift_right_arithmetic3A = arith.constant 1 : i32
      %shift_right_arithmetic3A_641 = arith.shrsi %scan3A_618, %shift_right_arithmetic3A : i32
      %add3A_642 = arith.addi %add3A_110, %shift_right_arithmetic3A_641 : i32
      %broadcast_in_dim3A_643 = vector.broadcast %add3A_642 : i32 to vector<16xi32>
      %gather3A_644 = tpu.vector_load_idx %arg10[%broadcast_in_dim3A_643] : memref<2080xi32, #tpu.memory_space<vmem>>[vector<16xi32>], vector<16xi32>,
      %and3A_645 = arith.constant 1 : i32
      %and3A_646 = arith.andi %scan3A_618, %and3A_645 : i32
      %mul3A_647 = arith.constant 16 : i32
      %mul3A_648 = arith.muli %and3A_646, %mul3A_647 : i32
      %add3A_649 = vector.broadcast %mul3A_648 : i32 to vector<16xi32>
      %add3A_650 = arith.addi %add3A_649, %iota3A : vector<16xi32>
      %shift_right_logical3A = arith.shrui %gather3A_644, %add3A_650 : vector<16xi32>
      %and3A_651 = arith.constant 1 : i32
      %and3A_652 = vector.broadcast %and3A_651 : i32 to vector<16xi32>
      %and3A_653 = arith.andi %shift_right_logical3A, %and3A_652 : vector<16xi32>
      %lt3A_654 = arith.cmpi slt, %add3A_622, %gather3A : vector<16xi32>
      %ne3A_655 = arith.constant 0 : i32
      %ne3A_656 = vector.broadcast %ne3A_655 : i32 to vector<16xi32>
      %ne3A_657 = arith.cmpi ne, %and3A_653, %ne3A_656 : vector<16xi32>
      %and3A_658 = arith.andi %lt3A_654, %ne3A_657 : vector<16xi1>
      %eq3A_659 = arith.constant 0 : i32
      %eq3A_660 = vector.broadcast %eq3A_659 : i32 to vector<16xi32>
      %eq3A_661 = arith.cmpi eq, %and3A_653, %eq3A_660 : vector<16xi32>
      %and3A_662 = arith.andi %lt3A_654, %eq3A_661 : vector<16xi1>
      %jit3A_663 = arith.constant 16384 : i32
      %jit3A_664 = arith.constant 0 : i32
      %broadcast_in_dim3A_665 = vector.broadcast %jit3A_663 : i32 to vector<16xi32>
      %broadcast_in_dim3A_666 = vector.broadcast %jit3A_664 : i32 to vector<16xi32>
      %select_n3A_667 = arith.select %and3A_658, %broadcast_in_dim3A_665, %broadcast_in_dim3A_666 : vector<16xi1>, vector<16xi32>
      %or3A = arith.ori %min3A_640, %select_n3A_667 : vector<16xi32>
      %jit3A_668 = arith.constant 8192 : i32
      %jit3A_669 = arith.constant 0 : i32
      %broadcast_in_dim3A_670 = vector.broadcast %jit3A_668 : i32 to vector<16xi32>
      %broadcast_in_dim3A_671 = vector.broadcast %jit3A_669 : i32 to vector<16xi32>
      %select_n3A_672 = arith.select %and3A_662, %broadcast_in_dim3A_670, %broadcast_in_dim3A_671 : vector<16xi1>, vector<16xi32>
      %or3A_673 = arith.ori %or3A, %select_n3A_672 : vector<16xi32>
      %mul3A_674 = arith.constant 16 : i32
      %mul3A_675 = arith.muli %scan3A_618, %mul3A_674 : i32
      %swap3A_676 = arith.index_cast %mul3A_675 : i32 to index
      %swap3A_677 = tpu.vector_load %arg11[%swap3A_676] {strides = array<i32>} : memref<4112xi32, #tpu.memory_space<vmem>>, vector<16xi32>,
      tpu.vector_store %arg11[%swap3A_676], %or3A_673 {strides = array<i32>} : memref<4112xi32, #tpu.memory_space<vmem>>, vector<16xi32>,
    }
    %scan3A_115 = arith.constant 256 : i32
    %dma_wait3A = arith.constant 0 : i32
    %dma_wait3A_116 = arith.constant 0 : i32
    %dma_wait3A_117 = arith.constant 0 : i32
    %dma_wait3A_118 = tpu.memref_slice %arg12[%dma_wait3A, %dma_wait3A_116, %dma_wait3A_117] : memref<2x8x4096xf32, #tpu.memory_space<vmem>> -> memref<1x8x4096xf32, #tpu.memory_space<vmem>>
    %dma_wait3A_119 = tpu.memref_squeeze %dma_wait3A_118 : memref<1x8x4096xf32, #tpu.memory_space<vmem>> -> memref<8x4096xf32, #tpu.memory_space<vmem>>
    %dma_wait3A_120 = arith.constant 0 : i32
    %dma_wait3A_121 = tpu.memref_slice %arg2[%select_n3A, %mul3A_32, %dma_wait3A_120] : memref<16x64x4096xf32, #tpu.memory_space<hbm>> -> memref<1x8x4096xf32, #tpu.memory_space<hbm>>
    %dma_wait3A_122 = tpu.memref_squeeze %dma_wait3A_121 : memref<1x8x4096xf32, #tpu.memory_space<hbm>> -> memref<8x4096xf32, #tpu.memory_space<hbm>>
    %dma_wait3A_123 = arith.constant 0 : i32
    %dma_wait3A_124 = arith.constant 0 : i32
    %dma_wait3A_125 = tpu.memref_slice %arg12[%dma_wait3A, %dma_wait3A_123, %dma_wait3A_124] : memref<2x8x4096xf32, #tpu.memory_space<vmem>> -> memref<1x8x4096xf32, #tpu.memory_space<vmem>>
    %dma_wait3A_126 = tpu.memref_squeeze %dma_wait3A_125 : memref<1x8x4096xf32, #tpu.memory_space<vmem>> -> memref<8x4096xf32, #tpu.memory_space<vmem>>
    %dma_wait3A_127 = arith.constant 0 : i32
    %dma_wait3A_128 = tpu.memref_slice %arg2[%select_n3A, %mul3A_32, %dma_wait3A_127] : memref<16x64x4096xf32, #tpu.memory_space<hbm>> -> memref<1x8x4096xf32, #tpu.memory_space<hbm>>
    %dma_wait3A_129 = tpu.memref_squeeze %dma_wait3A_128 : memref<1x8x4096xf32, #tpu.memory_space<hbm>> -> memref<8x4096xf32, #tpu.memory_space<hbm>>
    tpu.wait_dma2 semaphore(%arg17 : memref<!tpu.dma_semaphore, #tpu.memory_space<semaphore_mem>>) src(%dma_wait3A_129 : memref<8x4096xf32, #tpu.memory_space<hbm>>) dst(%dma_wait3A_126 : memref<8x4096xf32, #tpu.memory_space<vmem>>)
    %add3A_130 = arith.constant 8 : i32
    %add3A_131 = arith.addi %mul3A_32, %add3A_130 : i32
    %dma_start3A_132 = arith.constant 1 : i32
    %dma_start3A_133 = arith.constant 0 : i32
    %dma_start3A_134 = arith.constant 0 : i32
    %dma_start3A_135 = tpu.memref_slice %arg12[%dma_start3A_132, %dma_start3A_133, %dma_start3A_134] : memref<2x8x4096xf32, #tpu.memory_space<vmem>> -> memref<1x8x4096xf32, #tpu.memory_space<vmem>>
    %dma_start3A_136 = tpu.memref_squeeze %dma_start3A_135 : memref<1x8x4096xf32, #tpu.memory_space<vmem>> -> memref<8x4096xf32, #tpu.memory_space<vmem>>
    %dma_start3A_137 = arith.constant 0 : i32
    %dma_start3A_138 = tpu.memref_slice %arg2[%select_n3A, %add3A_131, %dma_start3A_137] : memref<16x64x4096xf32, #tpu.memory_space<hbm>> -> memref<1x8x4096xf32, #tpu.memory_space<hbm>>
    %dma_start3A_139 = tpu.memref_squeeze %dma_start3A_138 : memref<1x8x4096xf32, #tpu.memory_space<hbm>> -> memref<8x4096xf32, #tpu.memory_space<hbm>>
    %dma_start3A_140 = arith.constant 0 : i32
    %dma_start3A_141 = arith.constant 0 : i32
    %dma_start3A_142 = tpu.memref_slice %arg12[%dma_start3A_132, %dma_start3A_140, %dma_start3A_141] : memref<2x8x4096xf32, #tpu.memory_space<vmem>> -> memref<1x8x4096xf32, #tpu.memory_space<vmem>>
    %dma_start3A_143 = tpu.memref_squeeze %dma_start3A_142 : memref<1x8x4096xf32, #tpu.memory_space<vmem>> -> memref<8x4096xf32, #tpu.memory_space<vmem>>
    %dma_start3A_144 = arith.constant 0 : i32
    %dma_start3A_145 = tpu.memref_slice %arg2[%select_n3A, %add3A_131, %dma_start3A_144] : memref<16x64x4096xf32, #tpu.memory_space<hbm>> -> memref<1x8x4096xf32, #tpu.memory_space<hbm>>
    %dma_start3A_146 = tpu.memref_squeeze %dma_start3A_145 : memref<1x8x4096xf32, #tpu.memory_space<hbm>> -> memref<8x4096xf32, #tpu.memory_space<hbm>>
    tpu.enqueue_dma source(%dma_start3A_146 : memref<8x4096xf32, #tpu.memory_space<hbm>>) target(%dma_start3A_143 : memref<8x4096xf32, #tpu.memory_space<vmem>>) target_semaphore(%arg18 : memref<!tpu.dma_semaphore, #tpu.memory_space<semaphore_mem>>)
    %add3A_147 = arith.constant 0 : i32
    %add3A_148 = arith.addi %mul3A_32, %add3A_147 : i32
    %add3A_149 = arith.constant 0 : i32
    %add3A_150 = arith.addi %add3A_148, %add3A_149 : i32
    %broadcast_in_dim3A_151 = vector.broadcast %add3A_150 : i32 to vector<16xi32>
    %gather3A_152 = tpu.vector_load_idx %arg9[%broadcast_in_dim3A_151] : memref<64xf32, #tpu.memory_space<vmem>>[vector<16xi32>], vector<16xf32>,
    %add3A_153 = arith.constant 0 : i32
    %add3A_154 = arith.addi %mul3A_32, %add3A_153 : i32
    %add3A_155 = arith.constant 1 : i32
    %add3A_156 = arith.addi %add3A_154, %add3A_155 : i32
    %broadcast_in_dim3A_157 = vector.broadcast %add3A_156 : i32 to vector<16xi32>
    %gather3A_158 = tpu.vector_load_idx %arg9[%broadcast_in_dim3A_157] : memref<64xf32, #tpu.memory_space<vmem>>[vector<16xi32>], vector<16xf32>,
    %add3A_159 = arith.constant 0 : i32
    %add3A_160 = arith.addi %mul3A_32, %add3A_159 : i32
    %add3A_161 = arith.constant 2 : i32
    %add3A_162 = arith.addi %add3A_160, %add3A_161 : i32
    %broadcast_in_dim3A_163 = vector.broadcast %add3A_162 : i32 to vector<16xi32>
    %gather3A_164 = tpu.vector_load_idx %arg9[%broadcast_in_dim3A_163] : memref<64xf32, #tpu.memory_space<vmem>>[vector<16xi32>], vector<16xf32>,
    %add3A_165 = arith.constant 0 : i32
    %add3A_166 = arith.addi %mul3A_32, %add3A_165 : i32
    %add3A_167 = arith.constant 3 : i32
    %add3A_168 = arith.addi %add3A_166, %add3A_167 : i32
    %broadcast_in_dim3A_169 = vector.broadcast %add3A_168 : i32 to vector<16xi32>
    %gather3A_170 = tpu.vector_load_idx %arg9[%broadcast_in_dim3A_169] : memref<64xf32, #tpu.memory_space<vmem>>[vector<16xi32>], vector<16xf32>,
    %add3A_171 = arith.constant 0 : i32
    %add3A_172 = arith.addi %mul3A_32, %add3A_171 : i32
    %add3A_173 = arith.constant 4 : i32
    %add3A_174 = arith.addi %add3A_172, %add3A_173 : i32
    %broadcast_in_dim3A_175 = vector.broadcast %add3A_174 : i32 to vector<16xi32>
    %gather3A_176 = tpu.vector_load_idx %arg9[%broadcast_in_dim3A_175] : memref<64xf32, #tpu.memory_space<vmem>>[vector<16xi32>], vector<16xf32>,
    %add3A_177 = arith.constant 0 : i32
    %add3A_178 = arith.addi %mul3A_32, %add3A_177 : i32
    %add3A_179 = arith.constant 5 : i32
    %add3A_180 = arith.addi %add3A_178, %add3A_179 : i32
    %broadcast_in_dim3A_181 = vector.broadcast %add3A_180 : i32 to vector<16xi32>
    %gather3A_182 = tpu.vector_load_idx %arg9[%broadcast_in_dim3A_181] : memref<64xf32, #tpu.memory_space<vmem>>[vector<16xi32>], vector<16xf32>,
    %add3A_183 = arith.constant 0 : i32
    %add3A_184 = arith.addi %mul3A_32, %add3A_183 : i32
    %add3A_185 = arith.constant 6 : i32
    %add3A_186 = arith.addi %add3A_184, %add3A_185 : i32
    %broadcast_in_dim3A_187 = vector.broadcast %add3A_186 : i32 to vector<16xi32>
    %gather3A_188 = tpu.vector_load_idx %arg9[%broadcast_in_dim3A_187] : memref<64xf32, #tpu.memory_space<vmem>>[vector<16xi32>], vector<16xf32>,
    %add3A_189 = arith.constant 0 : i32
    %add3A_190 = arith.addi %mul3A_32, %add3A_189 : i32
    %add3A_191 = arith.constant 7 : i32
    %add3A_192 = arith.addi %add3A_190, %add3A_191 : i32
    %broadcast_in_dim3A_193 = vector.broadcast %add3A_192 : i32 to vector<16xi32>
    %gather3A_194 = tpu.vector_load_idx %arg9[%broadcast_in_dim3A_193] : memref<64xf32, #tpu.memory_space<vmem>>[vector<16xi32>], vector<16xf32>,
    %broadcast_in_dim3A_195 = arith.constant 0.000000e+00 : f32
    %broadcast_in_dim3A_196 = vector.broadcast %broadcast_in_dim3A_195 : f32 to vector<16xf32>
    %get3A_197 = arith.constant 0 : index
    %get3A_198 = tpu.vector_load %arg11[%get3A_197] {strides = array<i32>} : memref<4112xi32, #tpu.memory_space<vmem>>, vector<16xi32>,
    %scan3A_199 = arith.constant 0 : i32
    %scan3A_200 = arith.constant 0 : i32
    %scan3A_201 = arith.constant 128 : i32
    %scan3A_202 = arith.addi %scan3A_200, %scan3A_201 : i32
    %scan3A_203 = arith.constant 1 : i32
    %scan3A_204 = scf.for %scan3A_618 = %scan3A_200 to %scan3A_202 step %scan3A_203 iter_args(%scan3A_619 = %get3A_198) -> (vector<16xi32>)  : i32 {
      %and3A_620 = arith.constant 8191 : i32
      %and3A_621 = vector.broadcast %and3A_620 : i32 to vector<16xi32>
      %and3A_622 = arith.andi %scan3A_619, %and3A_621 : vector<16xi32>
      %and3A_623 = arith.constant 16384 : i32
      %and3A_624 = vector.broadcast %and3A_623 : i32 to vector<16xi32>
      %and3A_625 = arith.andi %scan3A_619, %and3A_624 : vector<16xi32>
      %ne3A_626 = arith.constant 0 : i32
      %ne3A_627 = vector.broadcast %ne3A_626 : i32 to vector<16xi32>
      %ne3A_628 = arith.cmpi ne, %and3A_625, %ne3A_627 : vector<16xi32>
      %and3A_629 = arith.constant 8192 : i32
      %and3A_630 = vector.broadcast %and3A_629 : i32 to vector<16xi32>
      %and3A_631 = arith.andi %scan3A_619, %and3A_630 : vector<16xi32>
      %ne3A_632 = arith.constant 0 : i32
      %ne3A_633 = vector.broadcast %ne3A_632 : i32 to vector<16xi32>
      %ne3A_634 = arith.cmpi ne, %and3A_631, %ne3A_633 : vector<16xi32>
      %broadcast_in_dim3A_635 = arith.constant 0 : i32
      %broadcast_in_dim3A_636 = vector.broadcast %broadcast_in_dim3A_635 : i32 to vector<16xi32>
      %gather3A_637 = arith.constant 0 : i32
      %gather3A_638 = arith.constant 0 : i32
      %gather3A_639 = tpu.memref_slice %arg12[%scan3A_199, %gather3A_637, %gather3A_638] : memref<2x8x4096xf32, #tpu.memory_space<vmem>> -> memref<1x8x4096xf32, #tpu.memory_space<vmem>>
      %gather3A_640 = tpu.memref_squeeze %gather3A_639 : memref<1x8x4096xf32, #tpu.memory_space<vmem>> -> memref<8x4096xf32, #tpu.memory_space<vmem>>
      %gather3A_641 = tpu.vector_load_idx %gather3A_640[%broadcast_in_dim3A_636, %and3A_622] : memref<8x4096xf32, #tpu.memory_space<vmem>>[vector<16xi32>, vector<16xi32>], vector<16xf32>,
      %broadcast_in_dim3A_642 = arith.constant 1 : i32
      %broadcast_in_dim3A_643 = vector.broadcast %broadcast_in_dim3A_642 : i32 to vector<16xi32>
      %gather3A_644 = arith.constant 0 : i32
      %gather3A_645 = arith.constant 0 : i32
      %gather3A_646 = tpu.memref_slice %arg12[%scan3A_199, %gather3A_644, %gather3A_645] : memref<2x8x4096xf32, #tpu.memory_space<vmem>> -> memref<1x8x4096xf32, #tpu.memory_space<vmem>>
      %gather3A_647 = tpu.memref_squeeze %gather3A_646 : memref<1x8x4096xf32, #tpu.memory_space<vmem>> -> memref<8x4096xf32, #tpu.memory_space<vmem>>
      %gather3A_648 = tpu.vector_load_idx %gather3A_647[%broadcast_in_dim3A_643, %and3A_622] : memref<8x4096xf32, #tpu.memory_space<vmem>>[vector<16xi32>, vector<16xi32>], vector<16xf32>,
      %broadcast_in_dim3A_649 = arith.constant 2 : i32
      %broadcast_in_dim3A_650 = vector.broadcast %broadcast_in_dim3A_649 : i32 to vector<16xi32>
      %gather3A_651 = arith.constant 0 : i32
      %gather3A_652 = arith.constant 0 : i32
      %gather3A_653 = tpu.memref_slice %arg12[%scan3A_199, %gather3A_651, %gather3A_652] : memref<2x8x4096xf32, #tpu.memory_space<vmem>> -> memref<1x8x4096xf32, #tpu.memory_space<vmem>>
      %gather3A_654 = tpu.memref_squeeze %gather3A_653 : memref<1x8x4096xf32, #tpu.memory_space<vmem>> -> memref<8x4096xf32, #tpu.memory_space<vmem>>
      %gather3A_655 = tpu.vector_load_idx %gather3A_654[%broadcast_in_dim3A_650, %and3A_622] : memref<8x4096xf32, #tpu.memory_space<vmem>>[vector<16xi32>, vector<16xi32>], vector<16xf32>,
      %broadcast_in_dim3A_656 = arith.constant 3 : i32
      %broadcast_in_dim3A_657 = vector.broadcast %broadcast_in_dim3A_656 : i32 to vector<16xi32>
      %gather3A_658 = arith.constant 0 : i32
      %gather3A_659 = arith.constant 0 : i32
      %gather3A_660 = tpu.memref_slice %arg12[%scan3A_199, %gather3A_658, %gather3A_659] : memref<2x8x4096xf32, #tpu.memory_space<vmem>> -> memref<1x8x4096xf32, #tpu.memory_space<vmem>>
      %gather3A_661 = tpu.memref_squeeze %gather3A_660 : memref<1x8x4096xf32, #tpu.memory_space<vmem>> -> memref<8x4096xf32, #tpu.memory_space<vmem>>
      %gather3A_662 = tpu.vector_load_idx %gather3A_661[%broadcast_in_dim3A_657, %and3A_622] : memref<8x4096xf32, #tpu.memory_space<vmem>>[vector<16xi32>, vector<16xi32>], vector<16xf32>,
      %broadcast_in_dim3A_663 = arith.constant 4 : i32
      %broadcast_in_dim3A_664 = vector.broadcast %broadcast_in_dim3A_663 : i32 to vector<16xi32>
      %gather3A_665 = arith.constant 0 : i32
      %gather3A_666 = arith.constant 0 : i32
      %gather3A_667 = tpu.memref_slice %arg12[%scan3A_199, %gather3A_665, %gather3A_666] : memref<2x8x4096xf32, #tpu.memory_space<vmem>> -> memref<1x8x4096xf32, #tpu.memory_space<vmem>>
      %gather3A_668 = tpu.memref_squeeze %gather3A_667 : memref<1x8x4096xf32, #tpu.memory_space<vmem>> -> memref<8x4096xf32, #tpu.memory_space<vmem>>
      %gather3A_669 = tpu.vector_load_idx %gather3A_668[%broadcast_in_dim3A_664, %and3A_622] : memref<8x4096xf32, #tpu.memory_space<vmem>>[vector<16xi32>, vector<16xi32>], vector<16xf32>,
      %broadcast_in_dim3A_670 = arith.constant 5 : i32
      %broadcast_in_dim3A_671 = vector.broadcast %broadcast_in_dim3A_670 : i32 to vector<16xi32>
      %gather3A_672 = arith.constant 0 : i32
      %gather3A_673 = arith.constant 0 : i32
      %gather3A_674 = tpu.memref_slice %arg12[%scan3A_199, %gather3A_672, %gather3A_673] : memref<2x8x4096xf32, #tpu.memory_space<vmem>> -> memref<1x8x4096xf32, #tpu.memory_space<vmem>>
      %gather3A_675 = tpu.memref_squeeze %gather3A_674 : memref<1x8x4096xf32, #tpu.memory_space<vmem>> -> memref<8x4096xf32, #tpu.memory_space<vmem>>
      %gather3A_676 = tpu.vector_load_idx %gather3A_675[%broadcast_in_dim3A_671, %and3A_622] : memref<8x4096xf32, #tpu.memory_space<vmem>>[vector<16xi32>, vector<16xi32>], vector<16xf32>,
      %broadcast_in_dim3A_677 = arith.constant 6 : i32
      %broadcast_in_dim3A_678 = vector.broadcast %broadcast_in_dim3A_677 : i32 to vector<16xi32>
      %gather3A_679 = arith.constant 0 : i32
      %gather3A_680 = arith.constant 0 : i32
      %gather3A_681 = tpu.memref_slice %arg12[%scan3A_199, %gather3A_679, %gather3A_680] : memref<2x8x4096xf32, #tpu.memory_space<vmem>> -> memref<1x8x4096xf32, #tpu.memory_space<vmem>>
      %gather3A_682 = tpu.memref_squeeze %gather3A_681 : memref<1x8x4096xf32, #tpu.memory_space<vmem>> -> memref<8x4096xf32, #tpu.memory_space<vmem>>
      %gather3A_683 = tpu.vector_load_idx %gather3A_682[%broadcast_in_dim3A_678, %and3A_622] : memref<8x4096xf32, #tpu.memory_space<vmem>>[vector<16xi32>, vector<16xi32>], vector<16xf32>,
      %broadcast_in_dim3A_684 = arith.constant 7 : i32
      %broadcast_in_dim3A_685 = vector.broadcast %broadcast_in_dim3A_684 : i32 to vector<16xi32>
      %gather3A_686 = arith.constant 0 : i32
      %gather3A_687 = arith.constant 0 : i32
      %gather3A_688 = tpu.memref_slice %arg12[%scan3A_199, %gather3A_686, %gather3A_687] : memref<2x8x4096xf32, #tpu.memory_space<vmem>> -> memref<1x8x4096xf32, #tpu.memory_space<vmem>>
      %gather3A_689 = tpu.memref_squeeze %gather3A_688 : memref<1x8x4096xf32, #tpu.memory_space<vmem>> -> memref<8x4096xf32, #tpu.memory_space<vmem>>
      %gather3A_690 = tpu.vector_load_idx %gather3A_689[%broadcast_in_dim3A_685, %and3A_622] : memref<8x4096xf32, #tpu.memory_space<vmem>>[vector<16xi32>, vector<16xi32>], vector<16xf32>,
      %add3A_691 = arith.constant 1 : i32
      %add3A_692 = arith.addi %scan3A_618, %add3A_691 : i32
      %mul3A_693 = arith.constant 16 : i32
      %mul3A_694 = arith.muli %add3A_692, %mul3A_693 : i32
      %get3A_695 = arith.index_cast %mul3A_694 : i32 to index
      %get3A_696 = tpu.vector_load %arg11[%get3A_695] {strides = array<i32>} : memref<4112xi32, #tpu.memory_space<vmem>>, vector<16xi32>,
      %select_n3A_697 = arith.select %ne3A_634, %gather3A_641, %broadcast_in_dim3A_196 : vector<16xi1>, vector<16xf32>
      %select_n3A_698 = arith.select %ne3A_628, %gather3A_152, %select_n3A_697 : vector<16xi1>, vector<16xf32>
      %sub3A_699 = arith.constant 0 : i32
      %sub3A_700 = arith.subi %scan3A_618, %sub3A_699 : i32
      %mul3A_701 = arith.constant 16 : i32
      %mul3A_702 = arith.muli %sub3A_700, %mul3A_701 : i32
      %swap3A_703 = arith.constant 0 : i32
      %swap3A_704 = arith.index_cast %swap3A_703 : i32 to index
      %swap3A_705 = arith.index_cast %mul3A_702 : i32 to index
      %swap3A_706 = tpu.vector_load %arg13[%swap3A_704, %swap3A_705] {strides = array<i32>} : memref<8x2048xf32, #tpu.memory_space<vmem>>, vector<16xf32>,
      tpu.vector_store %arg13[%swap3A_704, %swap3A_705], %select_n3A_698 {strides = array<i32>} : memref<8x2048xf32, #tpu.memory_space<vmem>>, vector<16xf32>,
      %select_n3A_707 = arith.select %ne3A_634, %gather3A_648, %broadcast_in_dim3A_196 : vector<16xi1>, vector<16xf32>
      %select_n3A_708 = arith.select %ne3A_628, %gather3A_158, %select_n3A_707 : vector<16xi1>, vector<16xf32>
      %sub3A_709 = arith.constant 0 : i32
      %sub3A_710 = arith.subi %scan3A_618, %sub3A_709 : i32
      %mul3A_711 = arith.constant 16 : i32
      %mul3A_712 = arith.muli %sub3A_710, %mul3A_711 : i32
      %swap3A_713 = arith.constant 1 : i32
      %swap3A_714 = arith.index_cast %swap3A_713 : i32 to index
      %swap3A_715 = arith.index_cast %mul3A_712 : i32 to index
      %swap3A_716 = tpu.vector_load %arg13[%swap3A_714, %swap3A_715] {strides = array<i32>} : memref<8x2048xf32, #tpu.memory_space<vmem>>, vector<16xf32>,
      tpu.vector_store %arg13[%swap3A_714, %swap3A_715], %select_n3A_708 {strides = array<i32>} : memref<8x2048xf32, #tpu.memory_space<vmem>>, vector<16xf32>,
      %select_n3A_717 = arith.select %ne3A_634, %gather3A_655, %broadcast_in_dim3A_196 : vector<16xi1>, vector<16xf32>
      %select_n3A_718 = arith.select %ne3A_628, %gather3A_164, %select_n3A_717 : vector<16xi1>, vector<16xf32>
      %sub3A_719 = arith.constant 0 : i32
      %sub3A_720 = arith.subi %scan3A_618, %sub3A_719 : i32
      %mul3A_721 = arith.constant 16 : i32
      %mul3A_722 = arith.muli %sub3A_720, %mul3A_721 : i32
      %swap3A_723 = arith.constant 2 : i32
      %swap3A_724 = arith.index_cast %swap3A_723 : i32 to index
      %swap3A_725 = arith.index_cast %mul3A_722 : i32 to index
      %swap3A_726 = tpu.vector_load %arg13[%swap3A_724, %swap3A_725] {strides = array<i32>} : memref<8x2048xf32, #tpu.memory_space<vmem>>, vector<16xf32>,
      tpu.vector_store %arg13[%swap3A_724, %swap3A_725], %select_n3A_718 {strides = array<i32>} : memref<8x2048xf32, #tpu.memory_space<vmem>>, vector<16xf32>,
      %select_n3A_727 = arith.select %ne3A_634, %gather3A_662, %broadcast_in_dim3A_196 : vector<16xi1>, vector<16xf32>
      %select_n3A_728 = arith.select %ne3A_628, %gather3A_170, %select_n3A_727 : vector<16xi1>, vector<16xf32>
      %sub3A_729 = arith.constant 0 : i32
      %sub3A_730 = arith.subi %scan3A_618, %sub3A_729 : i32
      %mul3A_731 = arith.constant 16 : i32
      %mul3A_732 = arith.muli %sub3A_730, %mul3A_731 : i32
      %swap3A_733 = arith.constant 3 : i32
      %swap3A_734 = arith.index_cast %swap3A_733 : i32 to index
      %swap3A_735 = arith.index_cast %mul3A_732 : i32 to index
      %swap3A_736 = tpu.vector_load %arg13[%swap3A_734, %swap3A_735] {strides = array<i32>} : memref<8x2048xf32, #tpu.memory_space<vmem>>, vector<16xf32>,
      tpu.vector_store %arg13[%swap3A_734, %swap3A_735], %select_n3A_728 {strides = array<i32>} : memref<8x2048xf32, #tpu.memory_space<vmem>>, vector<16xf32>,
      %select_n3A_737 = arith.select %ne3A_634, %gather3A_669, %broadcast_in_dim3A_196 : vector<16xi1>, vector<16xf32>
      %select_n3A_738 = arith.select %ne3A_628, %gather3A_176, %select_n3A_737 : vector<16xi1>, vector<16xf32>
      %sub3A_739 = arith.constant 0 : i32
      %sub3A_740 = arith.subi %scan3A_618, %sub3A_739 : i32
      %mul3A_741 = arith.constant 16 : i32
      %mul3A_742 = arith.muli %sub3A_740, %mul3A_741 : i32
      %swap3A_743 = arith.constant 4 : i32
      %swap3A_744 = arith.index_cast %swap3A_743 : i32 to index
      %swap3A_745 = arith.index_cast %mul3A_742 : i32 to index
      %swap3A_746 = tpu.vector_load %arg13[%swap3A_744, %swap3A_745] {strides = array<i32>} : memref<8x2048xf32, #tpu.memory_space<vmem>>, vector<16xf32>,
      tpu.vector_store %arg13[%swap3A_744, %swap3A_745], %select_n3A_738 {strides = array<i32>} : memref<8x2048xf32, #tpu.memory_space<vmem>>, vector<16xf32>,
      %select_n3A_747 = arith.select %ne3A_634, %gather3A_676, %broadcast_in_dim3A_196 : vector<16xi1>, vector<16xf32>
      %select_n3A_748 = arith.select %ne3A_628, %gather3A_182, %select_n3A_747 : vector<16xi1>, vector<16xf32>
      %sub3A_749 = arith.constant 0 : i32
      %sub3A_750 = arith.subi %scan3A_618, %sub3A_749 : i32
      %mul3A_751 = arith.constant 16 : i32
      %mul3A_752 = arith.muli %sub3A_750, %mul3A_751 : i32
      %swap3A_753 = arith.constant 5 : i32
      %swap3A_754 = arith.index_cast %swap3A_753 : i32 to index
      %swap3A_755 = arith.index_cast %mul3A_752 : i32 to index
      %swap3A_756 = tpu.vector_load %arg13[%swap3A_754, %swap3A_755] {strides = array<i32>} : memref<8x2048xf32, #tpu.memory_space<vmem>>, vector<16xf32>,
      tpu.vector_store %arg13[%swap3A_754, %swap3A_755], %select_n3A_748 {strides = array<i32>} : memref<8x2048xf32, #tpu.memory_space<vmem>>, vector<16xf32>,
      %select_n3A_757 = arith.select %ne3A_634, %gather3A_683, %broadcast_in_dim3A_196 : vector<16xi1>, vector<16xf32>
      %select_n3A_758 = arith.select %ne3A_628, %gather3A_188, %select_n3A_757 : vector<16xi1>, vector<16xf32>
      %sub3A_759 = arith.constant 0 : i32
      %sub3A_760 = arith.subi %scan3A_618, %sub3A_759 : i32
      %mul3A_761 = arith.constant 16 : i32
      %mul3A_762 = arith.muli %sub3A_760, %mul3A_761 : i32
      %swap3A_763 = arith.constant 6 : i32
      %swap3A_764 = arith.index_cast %swap3A_763 : i32 to index
      %swap3A_765 = arith.index_cast %mul3A_762 : i32 to index
      %swap3A_766 = tpu.vector_load %arg13[%swap3A_764, %swap3A_765] {strides = array<i32>} : memref<8x2048xf32, #tpu.memory_space<vmem>>, vector<16xf32>,
      tpu.vector_store %arg13[%swap3A_764, %swap3A_765], %select_n3A_758 {strides = array<i32>} : memref<8x2048xf32, #tpu.memory_space<vmem>>, vector<16xf32>,
      %select_n3A_767 = arith.select %ne3A_634, %gather3A_690, %broadcast_in_dim3A_196 : vector<16xi1>, vector<16xf32>
      %select_n3A_768 = arith.select %ne3A_628, %gather3A_194, %select_n3A_767 : vector<16xi1>, vector<16xf32>
      %sub3A_769 = arith.constant 0 : i32
      %sub3A_770 = arith.subi %scan3A_618, %sub3A_769 : i32
      %mul3A_771 = arith.constant 16 : i32
      %mul3A_772 = arith.muli %sub3A_770, %mul3A_771 : i32
      %swap3A_773 = arith.constant 7 : i32
      %swap3A_774 = arith.index_cast %swap3A_773 : i32 to index
      %swap3A_775 = arith.index_cast %mul3A_772 : i32 to index
      %swap3A_776 = tpu.vector_load %arg13[%swap3A_774, %swap3A_775] {strides = array<i32>} : memref<8x2048xf32, #tpu.memory_space<vmem>>, vector<16xf32>,
      tpu.vector_store %arg13[%swap3A_774, %swap3A_775], %select_n3A_768 {strides = array<i32>} : memref<8x2048xf32, #tpu.memory_space<vmem>>, vector<16xf32>,
      scf.yield %get3A_696 : vector<16xi32>
    }
    %scan3A_205 = arith.constant 128 : i32
    %add3A_206 = arith.constant 0 : i32
    %add3A_207 = arith.addi %mul3A_32, %add3A_206 : i32
    %dma_start3A_208 = arith.constant 0 : i32
    %dma_start3A_209 = tpu.memref_slice %arg6[%select_n3A, %add3A_207, %dma_start3A_208] : memref<16x64x4096xf32, #tpu.memory_space<hbm>> -> memref<1x8x2048xf32, #tpu.memory_space<hbm>>
    %dma_start3A_210 = tpu.memref_squeeze %dma_start3A_209 : memref<1x8x2048xf32, #tpu.memory_space<hbm>> -> memref<8x2048xf32, #tpu.memory_space<hbm>>
    %dma_start3A_211 = arith.constant 0 : i32
    %dma_start3A_212 = tpu.memref_slice %arg6[%select_n3A, %add3A_207, %dma_start3A_211] : memref<16x64x4096xf32, #tpu.memory_space<hbm>> -> memref<1x8x2048xf32, #tpu.memory_space<hbm>>
    %dma_start3A_213 = tpu.memref_squeeze %dma_start3A_212 : memref<1x8x2048xf32, #tpu.memory_space<hbm>> -> memref<8x2048xf32, #tpu.memory_space<hbm>>
    tpu.enqueue_dma source(%arg13 : memref<8x2048xf32, #tpu.memory_space<vmem>>) target(%dma_start3A_213 : memref<8x2048xf32, #tpu.memory_space<hbm>>) target_semaphore(%arg19 : memref<!tpu.dma_semaphore, #tpu.memory_space<semaphore_mem>>)
    %broadcast_in_dim3A_214 = arith.constant 0.000000e+00 : f32
    %broadcast_in_dim3A_215 = vector.broadcast %broadcast_in_dim3A_214 : f32 to vector<16xf32>
    %get3A_216 = arith.constant 2048 : index
    %get3A_217 = tpu.vector_load %arg11[%get3A_216] {strides = array<i32>} : memref<4112xi32, #tpu.memory_space<vmem>>, vector<16xi32>,
    %scan3A_218 = arith.constant 0 : i32
    %scan3A_219 = arith.constant 128 : i32
    %scan3A_220 = arith.constant 128 : i32
    %scan3A_221 = arith.addi %scan3A_219, %scan3A_220 : i32
    %scan3A_222 = arith.constant 1 : i32
    %scan3A_223 = scf.for %scan3A_618 = %scan3A_219 to %scan3A_221 step %scan3A_222 iter_args(%scan3A_619 = %get3A_217) -> (vector<16xi32>)  : i32 {
      %and3A_620 = arith.constant 8191 : i32
      %and3A_621 = vector.broadcast %and3A_620 : i32 to vector<16xi32>
      %and3A_622 = arith.andi %scan3A_619, %and3A_621 : vector<16xi32>
      %and3A_623 = arith.constant 16384 : i32
      %and3A_624 = vector.broadcast %and3A_623 : i32 to vector<16xi32>
      %and3A_625 = arith.andi %scan3A_619, %and3A_624 : vector<16xi32>
      %ne3A_626 = arith.constant 0 : i32
      %ne3A_627 = vector.broadcast %ne3A_626 : i32 to vector<16xi32>
      %ne3A_628 = arith.cmpi ne, %and3A_625, %ne3A_627 : vector<16xi32>
      %and3A_629 = arith.constant 8192 : i32
      %and3A_630 = vector.broadcast %and3A_629 : i32 to vector<16xi32>
      %and3A_631 = arith.andi %scan3A_619, %and3A_630 : vector<16xi32>
      %ne3A_632 = arith.constant 0 : i32
      %ne3A_633 = vector.broadcast %ne3A_632 : i32 to vector<16xi32>
      %ne3A_634 = arith.cmpi ne, %and3A_631, %ne3A_633 : vector<16xi32>
      %broadcast_in_dim3A_635 = arith.constant 0 : i32
      %broadcast_in_dim3A_636 = vector.broadcast %broadcast_in_dim3A_635 : i32 to vector<16xi32>
      %gather3A_637 = arith.constant 0 : i32
      %gather3A_638 = arith.constant 0 : i32
      %gather3A_639 = tpu.memref_slice %arg12[%scan3A_218, %gather3A_637, %gather3A_638] : memref<2x8x4096xf32, #tpu.memory_space<vmem>> -> memref<1x8x4096xf32, #tpu.memory_space<vmem>>
      %gather3A_640 = tpu.memref_squeeze %gather3A_639 : memref<1x8x4096xf32, #tpu.memory_space<vmem>> -> memref<8x4096xf32, #tpu.memory_space<vmem>>
      %gather3A_641 = tpu.vector_load_idx %gather3A_640[%broadcast_in_dim3A_636, %and3A_622] : memref<8x4096xf32, #tpu.memory_space<vmem>>[vector<16xi32>, vector<16xi32>], vector<16xf32>,
      %broadcast_in_dim3A_642 = arith.constant 1 : i32
      %broadcast_in_dim3A_643 = vector.broadcast %broadcast_in_dim3A_642 : i32 to vector<16xi32>
      %gather3A_644 = arith.constant 0 : i32
      %gather3A_645 = arith.constant 0 : i32
      %gather3A_646 = tpu.memref_slice %arg12[%scan3A_218, %gather3A_644, %gather3A_645] : memref<2x8x4096xf32, #tpu.memory_space<vmem>> -> memref<1x8x4096xf32, #tpu.memory_space<vmem>>
      %gather3A_647 = tpu.memref_squeeze %gather3A_646 : memref<1x8x4096xf32, #tpu.memory_space<vmem>> -> memref<8x4096xf32, #tpu.memory_space<vmem>>
      %gather3A_648 = tpu.vector_load_idx %gather3A_647[%broadcast_in_dim3A_643, %and3A_622] : memref<8x4096xf32, #tpu.memory_space<vmem>>[vector<16xi32>, vector<16xi32>], vector<16xf32>,
      %broadcast_in_dim3A_649 = arith.constant 2 : i32
      %broadcast_in_dim3A_650 = vector.broadcast %broadcast_in_dim3A_649 : i32 to vector<16xi32>
      %gather3A_651 = arith.constant 0 : i32
      %gather3A_652 = arith.constant 0 : i32
      %gather3A_653 = tpu.memref_slice %arg12[%scan3A_218, %gather3A_651, %gather3A_652] : memref<2x8x4096xf32, #tpu.memory_space<vmem>> -> memref<1x8x4096xf32, #tpu.memory_space<vmem>>
      %gather3A_654 = tpu.memref_squeeze %gather3A_653 : memref<1x8x4096xf32, #tpu.memory_space<vmem>> -> memref<8x4096xf32, #tpu.memory_space<vmem>>
      %gather3A_655 = tpu.vector_load_idx %gather3A_654[%broadcast_in_dim3A_650, %and3A_622] : memref<8x4096xf32, #tpu.memory_space<vmem>>[vector<16xi32>, vector<16xi32>], vector<16xf32>,
      %broadcast_in_dim3A_656 = arith.constant 3 : i32
      %broadcast_in_dim3A_657 = vector.broadcast %broadcast_in_dim3A_656 : i32 to vector<16xi32>
      %gather3A_658 = arith.constant 0 : i32
      %gather3A_659 = arith.constant 0 : i32
      %gather3A_660 = tpu.memref_slice %arg12[%scan3A_218, %gather3A_658, %gather3A_659] : memref<2x8x4096xf32, #tpu.memory_space<vmem>> -> memref<1x8x4096xf32, #tpu.memory_space<vmem>>
      %gather3A_661 = tpu.memref_squeeze %gather3A_660 : memref<1x8x4096xf32, #tpu.memory_space<vmem>> -> memref<8x4096xf32, #tpu.memory_space<vmem>>
      %gather3A_662 = tpu.vector_load_idx %gather3A_661[%broadcast_in_dim3A_657, %and3A_622] : memref<8x4096xf32, #tpu.memory_space<vmem>>[vector<16xi32>, vector<16xi32>], vector<16xf32>,
      %broadcast_in_dim3A_663 = arith.constant 4 : i32
      %broadcast_in_dim3A_664 = vector.broadcast %broadcast_in_dim3A_663 : i32 to vector<16xi32>
      %gather3A_665 = arith.constant 0 : i32
      %gather3A_666 = arith.constant 0 : i32
      %gather3A_667 = tpu.memref_slice %arg12[%scan3A_218, %gather3A_665, %gather3A_666] : memref<2x8x4096xf32, #tpu.memory_space<vmem>> -> memref<1x8x4096xf32, #tpu.memory_space<vmem>>
      %gather3A_668 = tpu.memref_squeeze %gather3A_667 : memref<1x8x4096xf32, #tpu.memory_space<vmem>> -> memref<8x4096xf32, #tpu.memory_space<vmem>>
      %gather3A_669 = tpu.vector_load_idx %gather3A_668[%broadcast_in_dim3A_664, %and3A_622] : memref<8x4096xf32, #tpu.memory_space<vmem>>[vector<16xi32>, vector<16xi32>], vector<16xf32>,
      %broadcast_in_dim3A_670 = arith.constant 5 : i32
      %broadcast_in_dim3A_671 = vector.broadcast %broadcast_in_dim3A_670 : i32 to vector<16xi32>
      %gather3A_672 = arith.constant 0 : i32
      %gather3A_673 = arith.constant 0 : i32
      %gather3A_674 = tpu.memref_slice %arg12[%scan3A_218, %gather3A_672, %gather3A_673] : memref<2x8x4096xf32, #tpu.memory_space<vmem>> -> memref<1x8x4096xf32, #tpu.memory_space<vmem>>
      %gather3A_675 = tpu.memref_squeeze %gather3A_674 : memref<1x8x4096xf32, #tpu.memory_space<vmem>> -> memref<8x4096xf32, #tpu.memory_space<vmem>>
      %gather3A_676 = tpu.vector_load_idx %gather3A_675[%broadcast_in_dim3A_671, %and3A_622] : memref<8x4096xf32, #tpu.memory_space<vmem>>[vector<16xi32>, vector<16xi32>], vector<16xf32>,
      %broadcast_in_dim3A_677 = arith.constant 6 : i32
      %broadcast_in_dim3A_678 = vector.broadcast %broadcast_in_dim3A_677 : i32 to vector<16xi32>
      %gather3A_679 = arith.constant 0 : i32
      %gather3A_680 = arith.constant 0 : i32
      %gather3A_681 = tpu.memref_slice %arg12[%scan3A_218, %gather3A_679, %gather3A_680] : memref<2x8x4096xf32, #tpu.memory_space<vmem>> -> memref<1x8x4096xf32, #tpu.memory_space<vmem>>
      %gather3A_682 = tpu.memref_squeeze %gather3A_681 : memref<1x8x4096xf32, #tpu.memory_space<vmem>> -> memref<8x4096xf32, #tpu.memory_space<vmem>>
      %gather3A_683 = tpu.vector_load_idx %gather3A_682[%broadcast_in_dim3A_678, %and3A_622] : memref<8x4096xf32, #tpu.memory_space<vmem>>[vector<16xi32>, vector<16xi32>], vector<16xf32>,
      %broadcast_in_dim3A_684 = arith.constant 7 : i32
      %broadcast_in_dim3A_685 = vector.broadcast %broadcast_in_dim3A_684 : i32 to vector<16xi32>
      %gather3A_686 = arith.constant 0 : i32
      %gather3A_687 = arith.constant 0 : i32
      %gather3A_688 = tpu.memref_slice %arg12[%scan3A_218, %gather3A_686, %gather3A_687] : memref<2x8x4096xf32, #tpu.memory_space<vmem>> -> memref<1x8x4096xf32, #tpu.memory_space<vmem>>
      %gather3A_689 = tpu.memref_squeeze %gather3A_688 : memref<1x8x4096xf32, #tpu.memory_space<vmem>> -> memref<8x4096xf32, #tpu.memory_space<vmem>>
      %gather3A_690 = tpu.vector_load_idx %gather3A_689[%broadcast_in_dim3A_685, %and3A_622] : memref<8x4096xf32, #tpu.memory_space<vmem>>[vector<16xi32>, vector<16xi32>], vector<16xf32>,
      %add3A_691 = arith.constant 1 : i32
      %add3A_692 = arith.addi %scan3A_618, %add3A_691 : i32
      %mul3A_693 = arith.constant 16 : i32
      %mul3A_694 = arith.muli %add3A_692, %mul3A_693 : i32
      %get3A_695 = arith.index_cast %mul3A_694 : i32 to index
      %get3A_696 = tpu.vector_load %arg11[%get3A_695] {strides = array<i32>} : memref<4112xi32, #tpu.memory_space<vmem>>, vector<16xi32>,
      %select_n3A_697 = arith.select %ne3A_634, %gather3A_641, %broadcast_in_dim3A_215 : vector<16xi1>, vector<16xf32>
      %select_n3A_698 = arith.select %ne3A_628, %gather3A_152, %select_n3A_697 : vector<16xi1>, vector<16xf32>
      %sub3A_699 = arith.constant 128 : i32
      %sub3A_700 = arith.subi %scan3A_618, %sub3A_699 : i32
      %mul3A_701 = arith.constant 16 : i32
      %mul3A_702 = arith.muli %sub3A_700, %mul3A_701 : i32
      %swap3A_703 = arith.constant 0 : i32
      %swap3A_704 = arith.index_cast %swap3A_703 : i32 to index
      %swap3A_705 = arith.index_cast %mul3A_702 : i32 to index
      %swap3A_706 = tpu.vector_load %arg14[%swap3A_704, %swap3A_705] {strides = array<i32>} : memref<8x2048xf32, #tpu.memory_space<vmem>>, vector<16xf32>,
      tpu.vector_store %arg14[%swap3A_704, %swap3A_705], %select_n3A_698 {strides = array<i32>} : memref<8x2048xf32, #tpu.memory_space<vmem>>, vector<16xf32>,
      %select_n3A_707 = arith.select %ne3A_634, %gather3A_648, %broadcast_in_dim3A_215 : vector<16xi1>, vector<16xf32>
      %select_n3A_708 = arith.select %ne3A_628, %gather3A_158, %select_n3A_707 : vector<16xi1>, vector<16xf32>
      %sub3A_709 = arith.constant 128 : i32
      %sub3A_710 = arith.subi %scan3A_618, %sub3A_709 : i32
      %mul3A_711 = arith.constant 16 : i32
      %mul3A_712 = arith.muli %sub3A_710, %mul3A_711 : i32
      %swap3A_713 = arith.constant 1 : i32
      %swap3A_714 = arith.index_cast %swap3A_713 : i32 to index
      %swap3A_715 = arith.index_cast %mul3A_712 : i32 to index
      %swap3A_716 = tpu.vector_load %arg14[%swap3A_714, %swap3A_715] {strides = array<i32>} : memref<8x2048xf32, #tpu.memory_space<vmem>>, vector<16xf32>,
      tpu.vector_store %arg14[%swap3A_714, %swap3A_715], %select_n3A_708 {strides = array<i32>} : memref<8x2048xf32, #tpu.memory_space<vmem>>, vector<16xf32>,
      %select_n3A_717 = arith.select %ne3A_634, %gather3A_655, %broadcast_in_dim3A_215 : vector<16xi1>, vector<16xf32>
      %select_n3A_718 = arith.select %ne3A_628, %gather3A_164, %select_n3A_717 : vector<16xi1>, vector<16xf32>
      %sub3A_719 = arith.constant 128 : i32
      %sub3A_720 = arith.subi %scan3A_618, %sub3A_719 : i32
      %mul3A_721 = arith.constant 16 : i32
      %mul3A_722 = arith.muli %sub3A_720, %mul3A_721 : i32
      %swap3A_723 = arith.constant 2 : i32
      %swap3A_724 = arith.index_cast %swap3A_723 : i32 to index
      %swap3A_725 = arith.index_cast %mul3A_722 : i32 to index
      %swap3A_726 = tpu.vector_load %arg14[%swap3A_724, %swap3A_725] {strides = array<i32>} : memref<8x2048xf32, #tpu.memory_space<vmem>>, vector<16xf32>,
      tpu.vector_store %arg14[%swap3A_724, %swap3A_725], %select_n3A_718 {strides = array<i32>} : memref<8x2048xf32, #tpu.memory_space<vmem>>, vector<16xf32>,
      %select_n3A_727 = arith.select %ne3A_634, %gather3A_662, %broadcast_in_dim3A_215 : vector<16xi1>, vector<16xf32>
      %select_n3A_728 = arith.select %ne3A_628, %gather3A_170, %select_n3A_727 : vector<16xi1>, vector<16xf32>
      %sub3A_729 = arith.constant 128 : i32
      %sub3A_730 = arith.subi %scan3A_618, %sub3A_729 : i32
      %mul3A_731 = arith.constant 16 : i32
      %mul3A_732 = arith.muli %sub3A_730, %mul3A_731 : i32
      %swap3A_733 = arith.constant 3 : i32
      %swap3A_734 = arith.index_cast %swap3A_733 : i32 to index
      %swap3A_735 = arith.index_cast %mul3A_732 : i32 to index
      %swap3A_736 = tpu.vector_load %arg14[%swap3A_734, %swap3A_735] {strides = array<i32>} : memref<8x2048xf32, #tpu.memory_space<vmem>>, vector<16xf32>,
      tpu.vector_store %arg14[%swap3A_734, %swap3A_735], %select_n3A_728 {strides = array<i32>} : memref<8x2048xf32, #tpu.memory_space<vmem>>, vector<16xf32>,
      %select_n3A_737 = arith.select %ne3A_634, %gather3A_669, %broadcast_in_dim3A_215 : vector<16xi1>, vector<16xf32>
      %select_n3A_738 = arith.select %ne3A_628, %gather3A_176, %select_n3A_737 : vector<16xi1>, vector<16xf32>
      %sub3A_739 = arith.constant 128 : i32
      %sub3A_740 = arith.subi %scan3A_618, %sub3A_739 : i32
      %mul3A_741 = arith.constant 16 : i32
      %mul3A_742 = arith.muli %sub3A_740, %mul3A_741 : i32
      %swap3A_743 = arith.constant 4 : i32
      %swap3A_744 = arith.index_cast %swap3A_743 : i32 to index
      %swap3A_745 = arith.index_cast %mul3A_742 : i32 to index
      %swap3A_746 = tpu.vector_load %arg14[%swap3A_744, %swap3A_745] {strides = array<i32>} : memref<8x2048xf32, #tpu.memory_space<vmem>>, vector<16xf32>,
      tpu.vector_store %arg14[%swap3A_744, %swap3A_745], %select_n3A_738 {strides = array<i32>} : memref<8x2048xf32, #tpu.memory_space<vmem>>, vector<16xf32>,
      %select_n3A_747 = arith.select %ne3A_634, %gather3A_676, %broadcast_in_dim3A_215 : vector<16xi1>, vector<16xf32>
      %select_n3A_748 = arith.select %ne3A_628, %gather3A_182, %select_n3A_747 : vector<16xi1>, vector<16xf32>
      %sub3A_749 = arith.constant 128 : i32
      %sub3A_750 = arith.subi %scan3A_618, %sub3A_749 : i32
      %mul3A_751 = arith.constant 16 : i32
      %mul3A_752 = arith.muli %sub3A_750, %mul3A_751 : i32
      %swap3A_753 = arith.constant 5 : i32
      %swap3A_754 = arith.index_cast %swap3A_753 : i32 to index
      %swap3A_755 = arith.index_cast %mul3A_752 : i32 to index
      %swap3A_756 = tpu.vector_load %arg14[%swap3A_754, %swap3A_755] {strides = array<i32>} : memref<8x2048xf32, #tpu.memory_space<vmem>>, vector<16xf32>,
      tpu.vector_store %arg14[%swap3A_754, %swap3A_755], %select_n3A_748 {strides = array<i32>} : memref<8x2048xf32, #tpu.memory_space<vmem>>, vector<16xf32>,
      %select_n3A_757 = arith.select %ne3A_634, %gather3A_683, %broadcast_in_dim3A_215 : vector<16xi1>, vector<16xf32>
      %select_n3A_758 = arith.select %ne3A_628, %gather3A_188, %select_n3A_757 : vector<16xi1>, vector<16xf32>
      %sub3A_759 = arith.constant 128 : i32
      %sub3A_760 = arith.subi %scan3A_618, %sub3A_759 : i32
      %mul3A_761 = arith.constant 16 : i32
      %mul3A_762 = arith.muli %sub3A_760, %mul3A_761 : i32
      %swap3A_763 = arith.constant 6 : i32
      %swap3A_764 = arith.index_cast %swap3A_763 : i32 to index
      %swap3A_765 = arith.index_cast %mul3A_762 : i32 to index
      %swap3A_766 = tpu.vector_load %arg14[%swap3A_764, %swap3A_765] {strides = array<i32>} : memref<8x2048xf32, #tpu.memory_space<vmem>>, vector<16xf32>,
      tpu.vector_store %arg14[%swap3A_764, %swap3A_765], %select_n3A_758 {strides = array<i32>} : memref<8x2048xf32, #tpu.memory_space<vmem>>, vector<16xf32>,
      %select_n3A_767 = arith.select %ne3A_634, %gather3A_690, %broadcast_in_dim3A_215 : vector<16xi1>, vector<16xf32>
      %select_n3A_768 = arith.select %ne3A_628, %gather3A_194, %select_n3A_767 : vector<16xi1>, vector<16xf32>
      %sub3A_769 = arith.constant 128 : i32
      %sub3A_770 = arith.subi %scan3A_618, %sub3A_769 : i32
      %mul3A_771 = arith.constant 16 : i32
      %mul3A_772 = arith.muli %sub3A_770, %mul3A_771 : i32
      %swap3A_773 = arith.constant 7 : i32
      %swap3A_774 = arith.index_cast %swap3A_773 : i32 to index
      %swap3A_775 = arith.index_cast %mul3A_772 : i32 to index
      %swap3A_776 = tpu.vector_load %arg14[%swap3A_774, %swap3A_775] {strides = array<i32>} : memref<8x2048xf32, #tpu.memory_space<vmem>>, vector<16xf32>,
      tpu.vector_store %arg14[%swap3A_774, %swap3A_775], %select_n3A_768 {strides = array<i32>} : memref<8x2048xf32, #tpu.memory_space<vmem>>, vector<16xf32>,
      scf.yield %get3A_696 : vector<16xi32>
    }
    %scan3A_224 = arith.constant 128 : i32
    %add3A_225 = arith.constant 0 : i32
    %add3A_226 = arith.addi %mul3A_32, %add3A_225 : i32
    %dma_start3A_227 = arith.constant 2048 : i32
    %dma_start3A_228 = tpu.memref_slice %arg6[%select_n3A, %add3A_226, %dma_start3A_227] : memref<16x64x4096xf32, #tpu.memory_space<hbm>> -> memref<1x8x2048xf32, #tpu.memory_space<hbm>>
    %dma_start3A_229 = tpu.memref_squeeze %dma_start3A_228 : memref<1x8x2048xf32, #tpu.memory_space<hbm>> -> memref<8x2048xf32, #tpu.memory_space<hbm>>
    %dma_start3A_230 = arith.constant 2048 : i32
    %dma_start3A_231 = tpu.memref_slice %arg6[%select_n3A, %add3A_226, %dma_start3A_230] : memref<16x64x4096xf32, #tpu.memory_space<hbm>> -> memref<1x8x2048xf32, #tpu.memory_space<hbm>>
    %dma_start3A_232 = tpu.memref_squeeze %dma_start3A_231 : memref<1x8x2048xf32, #tpu.memory_space<hbm>> -> memref<8x2048xf32, #tpu.memory_space<hbm>>
    tpu.enqueue_dma source(%arg14 : memref<8x2048xf32, #tpu.memory_space<vmem>>) target(%dma_start3A_232 : memref<8x2048xf32, #tpu.memory_space<hbm>>) target_semaphore(%arg20 : memref<!tpu.dma_semaphore, #tpu.memory_space<semaphore_mem>>)
    %dma_wait3A_233 = arith.constant 1 : i32
    %dma_wait3A_234 = arith.constant 0 : i32
    %dma_wait3A_235 = arith.constant 0 : i32
    %dma_wait3A_236 = tpu.memref_slice %arg12[%dma_wait3A_233, %dma_wait3A_234, %dma_wait3A_235] : memref<2x8x4096xf32, #tpu.memory_space<vmem>> -> memref<1x8x4096xf32, #tpu.memory_space<vmem>>
    %dma_wait3A_237 = tpu.memref_squeeze %dma_wait3A_236 : memref<1x8x4096xf32, #tpu.memory_space<vmem>> -> memref<8x4096xf32, #tpu.memory_space<vmem>>
    %dma_wait3A_238 = arith.constant 0 : i32
    %dma_wait3A_239 = tpu.memref_slice %arg2[%select_n3A, %add3A_131, %dma_wait3A_238] : memref<16x64x4096xf32, #tpu.memory_space<hbm>> -> memref<1x8x4096xf32, #tpu.memory_space<hbm>>
    %dma_wait3A_240 = tpu.memref_squeeze %dma_wait3A_239 : memref<1x8x4096xf32, #tpu.memory_space<hbm>> -> memref<8x4096xf32, #tpu.memory_space<hbm>>
    %dma_wait3A_241 = arith.constant 0 : i32
    %dma_wait3A_242 = arith.constant 0 : i32
    %dma_wait3A_243 = tpu.memref_slice %arg12[%dma_wait3A_233, %dma_wait3A_241, %dma_wait3A_242] : memref<2x8x4096xf32, #tpu.memory_space<vmem>> -> memref<1x8x4096xf32, #tpu.memory_space<vmem>>
    %dma_wait3A_244 = tpu.memref_squeeze %dma_wait3A_243 : memref<1x8x4096xf32, #tpu.memory_space<vmem>> -> memref<8x4096xf32, #tpu.memory_space<vmem>>
    %dma_wait3A_245 = arith.constant 0 : i32
    %dma_wait3A_246 = tpu.memref_slice %arg2[%select_n3A, %add3A_131, %dma_wait3A_245] : memref<16x64x4096xf32, #tpu.memory_space<hbm>> -> memref<1x8x4096xf32, #tpu.memory_space<hbm>>
    %dma_wait3A_247 = tpu.memref_squeeze %dma_wait3A_246 : memref<1x8x4096xf32, #tpu.memory_space<hbm>> -> memref<8x4096xf32, #tpu.memory_space<hbm>>
    tpu.wait_dma2 semaphore(%arg18 : memref<!tpu.dma_semaphore, #tpu.memory_space<semaphore_mem>>) src(%dma_wait3A_247 : memref<8x4096xf32, #tpu.memory_space<hbm>>) dst(%dma_wait3A_244 : memref<8x4096xf32, #tpu.memory_space<vmem>>)
    %add3A_248 = arith.constant 16 : i32
    %add3A_249 = arith.addi %mul3A_32, %add3A_248 : i32
    %dma_start3A_250 = arith.constant 0 : i32
    %dma_start3A_251 = arith.constant 0 : i32
    %dma_start3A_252 = arith.constant 0 : i32
    %dma_start3A_253 = tpu.memref_slice %arg12[%dma_start3A_250, %dma_start3A_251, %dma_start3A_252] : memref<2x8x4096xf32, #tpu.memory_space<vmem>> -> memref<1x8x4096xf32, #tpu.memory_space<vmem>>
    %dma_start3A_254 = tpu.memref_squeeze %dma_start3A_253 : memref<1x8x4096xf32, #tpu.memory_space<vmem>> -> memref<8x4096xf32, #tpu.memory_space<vmem>>
    %dma_start3A_255 = arith.constant 0 : i32
    %dma_start3A_256 = tpu.memref_slice %arg2[%select_n3A, %add3A_249, %dma_start3A_255] : memref<16x64x4096xf32, #tpu.memory_space<hbm>> -> memref<1x8x4096xf32, #tpu.memory_space<hbm>>
    %dma_start3A_257 = tpu.memref_squeeze %dma_start3A_256 : memref<1x8x4096xf32, #tpu.memory_space<hbm>> -> memref<8x4096xf32, #tpu.memory_space<hbm>>
    %dma_start3A_258 = arith.constant 0 : i32
    %dma_start3A_259 = arith.constant 0 : i32
    %dma_start3A_260 = tpu.memref_slice %arg12[%dma_start3A_250, %dma_start3A_258, %dma_start3A_259] : memref<2x8x4096xf32, #tpu.memory_space<vmem>> -> memref<1x8x4096xf32, #tpu.memory_space<vmem>>
    %dma_start3A_261 = tpu.memref_squeeze %dma_start3A_260 : memref<1x8x4096xf32, #tpu.memory_space<vmem>> -> memref<8x4096xf32, #tpu.memory_space<vmem>>
    %dma_start3A_262 = arith.constant 0 : i32
    %dma_start3A_263 = tpu.memref_slice %arg2[%select_n3A, %add3A_249, %dma_start3A_262] : memref<16x64x4096xf32, #tpu.memory_space<hbm>> -> memref<1x8x4096xf32, #tpu.memory_space<hbm>>
    %dma_start3A_264 = tpu.memref_squeeze %dma_start3A_263 : memref<1x8x4096xf32, #tpu.memory_space<hbm>> -> memref<8x4096xf32, #tpu.memory_space<hbm>>
    tpu.enqueue_dma source(%dma_start3A_264 : memref<8x4096xf32, #tpu.memory_space<hbm>>) target(%dma_start3A_261 : memref<8x4096xf32, #tpu.memory_space<vmem>>) target_semaphore(%arg17 : memref<!tpu.dma_semaphore, #tpu.memory_space<semaphore_mem>>)
    %add3A_265 = arith.constant 8 : i32
    %add3A_266 = arith.addi %mul3A_32, %add3A_265 : i32
    %add3A_267 = arith.constant 0 : i32
    %add3A_268 = arith.addi %add3A_266, %add3A_267 : i32
    %broadcast_in_dim3A_269 = vector.broadcast %add3A_268 : i32 to vector<16xi32>
    %gather3A_270 = tpu.vector_load_idx %arg9[%broadcast_in_dim3A_269] : memref<64xf32, #tpu.memory_space<vmem>>[vector<16xi32>], vector<16xf32>,
    %add3A_271 = arith.constant 8 : i32
    %add3A_272 = arith.addi %mul3A_32, %add3A_271 : i32
    %add3A_273 = arith.constant 1 : i32
    %add3A_274 = arith.addi %add3A_272, %add3A_273 : i32
    %broadcast_in_dim3A_275 = vector.broadcast %add3A_274 : i32 to vector<16xi32>
    %gather3A_276 = tpu.vector_load_idx %arg9[%broadcast_in_dim3A_275] : memref<64xf32, #tpu.memory_space<vmem>>[vector<16xi32>], vector<16xf32>,
    %add3A_277 = arith.constant 8 : i32
    %add3A_278 = arith.addi %mul3A_32, %add3A_277 : i32
    %add3A_279 = arith.constant 2 : i32
    %add3A_280 = arith.addi %add3A_278, %add3A_279 : i32
    %broadcast_in_dim3A_281 = vector.broadcast %add3A_280 : i32 to vector<16xi32>
    %gather3A_282 = tpu.vector_load_idx %arg9[%broadcast_in_dim3A_281] : memref<64xf32, #tpu.memory_space<vmem>>[vector<16xi32>], vector<16xf32>,
    %add3A_283 = arith.constant 8 : i32
    %add3A_284 = arith.addi %mul3A_32, %add3A_283 : i32
    %add3A_285 = arith.constant 3 : i32
    %add3A_286 = arith.addi %add3A_284, %add3A_285 : i32
    %broadcast_in_dim3A_287 = vector.broadcast %add3A_286 : i32 to vector<16xi32>
    %gather3A_288 = tpu.vector_load_idx %arg9[%broadcast_in_dim3A_287] : memref<64xf32, #tpu.memory_space<vmem>>[vector<16xi32>], vector<16xf32>,
    %add3A_289 = arith.constant 8 : i32
    %add3A_290 = arith.addi %mul3A_32, %add3A_289 : i32
    %add3A_291 = arith.constant 4 : i32
    %add3A_292 = arith.addi %add3A_290, %add3A_291 : i32
    %broadcast_in_dim3A_293 = vector.broadcast %add3A_292 : i32 to vector<16xi32>
    %gather3A_294 = tpu.vector_load_idx %arg9[%broadcast_in_dim3A_293] : memref<64xf32, #tpu.memory_space<vmem>>[vector<16xi32>], vector<16xf32>,
    %add3A_295 = arith.constant 8 : i32
    %add3A_296 = arith.addi %mul3A_32, %add3A_295 : i32
    %add3A_297 = arith.constant 5 : i32
    %add3A_298 = arith.addi %add3A_296, %add3A_297 : i32
    %broadcast_in_dim3A_299 = vector.broadcast %add3A_298 : i32 to vector<16xi32>
    %gather3A_300 = tpu.vector_load_idx %arg9[%broadcast_in_dim3A_299] : memref<64xf32, #tpu.memory_space<vmem>>[vector<16xi32>], vector<16xf32>,
    %add3A_301 = arith.constant 8 : i32
    %add3A_302 = arith.addi %mul3A_32, %add3A_301 : i32
    %add3A_303 = arith.constant 6 : i32
    %add3A_304 = arith.addi %add3A_302, %add3A_303 : i32
    %broadcast_in_dim3A_305 = vector.broadcast %add3A_304 : i32 to vector<16xi32>
    %gather3A_306 = tpu.vector_load_idx %arg9[%broadcast_in_dim3A_305] : memref<64xf32, #tpu.memory_space<vmem>>[vector<16xi32>], vector<16xf32>,
    %add3A_307 = arith.constant 8 : i32
    %add3A_308 = arith.addi %mul3A_32, %add3A_307 : i32
    %add3A_309 = arith.constant 7 : i32
    %add3A_310 = arith.addi %add3A_308, %add3A_309 : i32
    %broadcast_in_dim3A_311 = vector.broadcast %add3A_310 : i32 to vector<16xi32>
    %gather3A_312 = tpu.vector_load_idx %arg9[%broadcast_in_dim3A_311] : memref<64xf32, #tpu.memory_space<vmem>>[vector<16xi32>], vector<16xf32>,
    %dma_wait3A_313 = arith.constant 0 : i32
    %dma_wait3A_314 = tpu.memref_slice %arg6[%select_n3A, %add3A_207, %dma_wait3A_313] : memref<16x64x4096xf32, #tpu.memory_space<hbm>> -> memref<1x8x2048xf32, #tpu.memory_space<hbm>>
    %dma_wait3A_315 = tpu.memref_squeeze %dma_wait3A_314 : memref<1x8x2048xf32, #tpu.memory_space<hbm>> -> memref<8x2048xf32, #tpu.memory_space<hbm>>
    %dma_wait3A_316 = arith.constant 0 : i32
    %dma_wait3A_317 = tpu.memref_slice %arg6[%select_n3A, %add3A_207, %dma_wait3A_316] : memref<16x64x4096xf32, #tpu.memory_space<hbm>> -> memref<1x8x2048xf32, #tpu.memory_space<hbm>>
    %dma_wait3A_318 = tpu.memref_squeeze %dma_wait3A_317 : memref<1x8x2048xf32, #tpu.memory_space<hbm>> -> memref<8x2048xf32, #tpu.memory_space<hbm>>
    tpu.wait_dma2 semaphore(%arg19 : memref<!tpu.dma_semaphore, #tpu.memory_space<semaphore_mem>>) src(%arg13 : memref<8x2048xf32, #tpu.memory_space<vmem>>) dst(%dma_wait3A_318 : memref<8x2048xf32, #tpu.memory_space<hbm>>)
    %broadcast_in_dim3A_319 = arith.constant 0.000000e+00 : f32
    %broadcast_in_dim3A_320 = vector.broadcast %broadcast_in_dim3A_319 : f32 to vector<16xf32>
    %get3A_321 = arith.constant 0 : index
    %get3A_322 = tpu.vector_load %arg11[%get3A_321] {strides = array<i32>} : memref<4112xi32, #tpu.memory_space<vmem>>, vector<16xi32>,
    %scan3A_323 = arith.constant 1 : i32
    %scan3A_324 = arith.constant 0 : i32
    %scan3A_325 = arith.constant 128 : i32
    %scan3A_326 = arith.addi %scan3A_324, %scan3A_325 : i32
    %scan3A_327 = arith.constant 1 : i32
    %scan3A_328 = scf.for %scan3A_618 = %scan3A_324 to %scan3A_326 step %scan3A_327 iter_args(%scan3A_619 = %get3A_322) -> (vector<16xi32>)  : i32 {
      %and3A_620 = arith.constant 8191 : i32
      %and3A_621 = vector.broadcast %and3A_620 : i32 to vector<16xi32>
      %and3A_622 = arith.andi %scan3A_619, %and3A_621 : vector<16xi32>
      %and3A_623 = arith.constant 16384 : i32
      %and3A_624 = vector.broadcast %and3A_623 : i32 to vector<16xi32>
      %and3A_625 = arith.andi %scan3A_619, %and3A_624 : vector<16xi32>
      %ne3A_626 = arith.constant 0 : i32
      %ne3A_627 = vector.broadcast %ne3A_626 : i32 to vector<16xi32>
      %ne3A_628 = arith.cmpi ne, %and3A_625, %ne3A_627 : vector<16xi32>
      %and3A_629 = arith.constant 8192 : i32
      %and3A_630 = vector.broadcast %and3A_629 : i32 to vector<16xi32>
      %and3A_631 = arith.andi %scan3A_619, %and3A_630 : vector<16xi32>
      %ne3A_632 = arith.constant 0 : i32
      %ne3A_633 = vector.broadcast %ne3A_632 : i32 to vector<16xi32>
      %ne3A_634 = arith.cmpi ne, %and3A_631, %ne3A_633 : vector<16xi32>
      %broadcast_in_dim3A_635 = arith.constant 0 : i32
      %broadcast_in_dim3A_636 = vector.broadcast %broadcast_in_dim3A_635 : i32 to vector<16xi32>
      %gather3A_637 = arith.constant 0 : i32
      %gather3A_638 = arith.constant 0 : i32
      %gather3A_639 = tpu.memref_slice %arg12[%scan3A_323, %gather3A_637, %gather3A_638] : memref<2x8x4096xf32, #tpu.memory_space<vmem>> -> memref<1x8x4096xf32, #tpu.memory_space<vmem>>
      %gather3A_640 = tpu.memref_squeeze %gather3A_639 : memref<1x8x4096xf32, #tpu.memory_space<vmem>> -> memref<8x4096xf32, #tpu.memory_space<vmem>>
      %gather3A_641 = tpu.vector_load_idx %gather3A_640[%broadcast_in_dim3A_636, %and3A_622] : memref<8x4096xf32, #tpu.memory_space<vmem>>[vector<16xi32>, vector<16xi32>], vector<16xf32>,
      %broadcast_in_dim3A_642 = arith.constant 1 : i32
      %broadcast_in_dim3A_643 = vector.broadcast %broadcast_in_dim3A_642 : i32 to vector<16xi32>
      %gather3A_644 = arith.constant 0 : i32
      %gather3A_645 = arith.constant 0 : i32
      %gather3A_646 = tpu.memref_slice %arg12[%scan3A_323, %gather3A_644, %gather3A_645] : memref<2x8x4096xf32, #tpu.memory_space<vmem>> -> memref<1x8x4096xf32, #tpu.memory_space<vmem>>
      %gather3A_647 = tpu.memref_squeeze %gather3A_646 : memref<1x8x4096xf32, #tpu.memory_space<vmem>> -> memref<8x4096xf32, #tpu.memory_space<vmem>>
      %gather3A_648 = tpu.vector_load_idx %gather3A_647[%broadcast_in_dim3A_643, %and3A_622] : memref<8x4096xf32, #tpu.memory_space<vmem>>[vector<16xi32>, vector<16xi32>], vector<16xf32>,
      %broadcast_in_dim3A_649 = arith.constant 2 : i32
      %broadcast_in_dim3A_650 = vector.broadcast %broadcast_in_dim3A_649 : i32 to vector<16xi32>
      %gather3A_651 = arith.constant 0 : i32
      %gather3A_652 = arith.constant 0 : i32
      %gather3A_653 = tpu.memref_slice %arg12[%scan3A_323, %gather3A_651, %gather3A_652] : memref<2x8x4096xf32, #tpu.memory_space<vmem>> -> memref<1x8x4096xf32, #tpu.memory_space<vmem>>
      %gather3A_654 = tpu.memref_squeeze %gather3A_653 : memref<1x8x4096xf32, #tpu.memory_space<vmem>> -> memref<8x4096xf32, #tpu.memory_space<vmem>>
      %gather3A_655 = tpu.vector_load_idx %gather3A_654[%broadcast_in_dim3A_650, %and3A_622] : memref<8x4096xf32, #tpu.memory_space<vmem>>[vector<16xi32>, vector<16xi32>], vector<16xf32>,
      %broadcast_in_dim3A_656 = arith.constant 3 : i32
      %broadcast_in_dim3A_657 = vector.broadcast %broadcast_in_dim3A_656 : i32 to vector<16xi32>
      %gather3A_658 = arith.constant 0 : i32
      %gather3A_659 = arith.constant 0 : i32
      %gather3A_660 = tpu.memref_slice %arg12[%scan3A_323, %gather3A_658, %gather3A_659] : memref<2x8x4096xf32, #tpu.memory_space<vmem>> -> memref<1x8x4096xf32, #tpu.memory_space<vmem>>
      %gather3A_661 = tpu.memref_squeeze %gather3A_660 : memref<1x8x4096xf32, #tpu.memory_space<vmem>> -> memref<8x4096xf32, #tpu.memory_space<vmem>>
      %gather3A_662 = tpu.vector_load_idx %gather3A_661[%broadcast_in_dim3A_657, %and3A_622] : memref<8x4096xf32, #tpu.memory_space<vmem>>[vector<16xi32>, vector<16xi32>], vector<16xf32>,
      %broadcast_in_dim3A_663 = arith.constant 4 : i32
      %broadcast_in_dim3A_664 = vector.broadcast %broadcast_in_dim3A_663 : i32 to vector<16xi32>
      %gather3A_665 = arith.constant 0 : i32
      %gather3A_666 = arith.constant 0 : i32
      %gather3A_667 = tpu.memref_slice %arg12[%scan3A_323, %gather3A_665, %gather3A_666] : memref<2x8x4096xf32, #tpu.memory_space<vmem>> -> memref<1x8x4096xf32, #tpu.memory_space<vmem>>
      %gather3A_668 = tpu.memref_squeeze %gather3A_667 : memref<1x8x4096xf32, #tpu.memory_space<vmem>> -> memref<8x4096xf32, #tpu.memory_space<vmem>>
      %gather3A_669 = tpu.vector_load_idx %gather3A_668[%broadcast_in_dim3A_664, %and3A_622] : memref<8x4096xf32, #tpu.memory_space<vmem>>[vector<16xi32>, vector<16xi32>], vector<16xf32>,
      %broadcast_in_dim3A_670 = arith.constant 5 : i32
      %broadcast_in_dim3A_671 = vector.broadcast %broadcast_in_dim3A_670 : i32 to vector<16xi32>
      %gather3A_672 = arith.constant 0 : i32
      %gather3A_673 = arith.constant 0 : i32
      %gather3A_674 = tpu.memref_slice %arg12[%scan3A_323, %gather3A_672, %gather3A_673] : memref<2x8x4096xf32, #tpu.memory_space<vmem>> -> memref<1x8x4096xf32, #tpu.memory_space<vmem>>
      %gather3A_675 = tpu.memref_squeeze %gather3A_674 : memref<1x8x4096xf32, #tpu.memory_space<vmem>> -> memref<8x4096xf32, #tpu.memory_space<vmem>>
      %gather3A_676 = tpu.vector_load_idx %gather3A_675[%broadcast_in_dim3A_671, %and3A_622] : memref<8x4096xf32, #tpu.memory_space<vmem>>[vector<16xi32>, vector<16xi32>], vector<16xf32>,
      %broadcast_in_dim3A_677 = arith.constant 6 : i32
      %broadcast_in_dim3A_678 = vector.broadcast %broadcast_in_dim3A_677 : i32 to vector<16xi32>
      %gather3A_679 = arith.constant 0 : i32
      %gather3A_680 = arith.constant 0 : i32
      %gather3A_681 = tpu.memref_slice %arg12[%scan3A_323, %gather3A_679, %gather3A_680] : memref<2x8x4096xf32, #tpu.memory_space<vmem>> -> memref<1x8x4096xf32, #tpu.memory_space<vmem>>
      %gather3A_682 = tpu.memref_squeeze %gather3A_681 : memref<1x8x4096xf32, #tpu.memory_space<vmem>> -> memref<8x4096xf32, #tpu.memory_space<vmem>>
      %gather3A_683 = tpu.vector_load_idx %gather3A_682[%broadcast_in_dim3A_678, %and3A_622] : memref<8x4096xf32, #tpu.memory_space<vmem>>[vector<16xi32>, vector<16xi32>], vector<16xf32>,
      %broadcast_in_dim3A_684 = arith.constant 7 : i32
      %broadcast_in_dim3A_685 = vector.broadcast %broadcast_in_dim3A_684 : i32 to vector<16xi32>
      %gather3A_686 = arith.constant 0 : i32
      %gather3A_687 = arith.constant 0 : i32
      %gather3A_688 = tpu.memref_slice %arg12[%scan3A_323, %gather3A_686, %gather3A_687] : memref<2x8x4096xf32, #tpu.memory_space<vmem>> -> memref<1x8x4096xf32, #tpu.memory_space<vmem>>
      %gather3A_689 = tpu.memref_squeeze %gather3A_688 : memref<1x8x4096xf32, #tpu.memory_space<vmem>> -> memref<8x4096xf32, #tpu.memory_space<vmem>>
      %gather3A_690 = tpu.vector_load_idx %gather3A_689[%broadcast_in_dim3A_685, %and3A_622] : memref<8x4096xf32, #tpu.memory_space<vmem>>[vector<16xi32>, vector<16xi32>], vector<16xf32>,
      %add3A_691 = arith.constant 1 : i32
      %add3A_692 = arith.addi %scan3A_618, %add3A_691 : i32
      %mul3A_693 = arith.constant 16 : i32
      %mul3A_694 = arith.muli %add3A_692, %mul3A_693 : i32
      %get3A_695 = arith.index_cast %mul3A_694 : i32 to index
      %get3A_696 = tpu.vector_load %arg11[%get3A_695] {strides = array<i32>} : memref<4112xi32, #tpu.memory_space<vmem>>, vector<16xi32>,
      %select_n3A_697 = arith.select %ne3A_634, %gather3A_641, %broadcast_in_dim3A_320 : vector<16xi1>, vector<16xf32>
      %select_n3A_698 = arith.select %ne3A_628, %gather3A_270, %select_n3A_697 : vector<16xi1>, vector<16xf32>
      %sub3A_699 = arith.constant 0 : i32
      %sub3A_700 = arith.subi %scan3A_618, %sub3A_699 : i32
      %mul3A_701 = arith.constant 16 : i32
      %mul3A_702 = arith.muli %sub3A_700, %mul3A_701 : i32
      %swap3A_703 = arith.constant 0 : i32
      %swap3A_704 = arith.index_cast %swap3A_703 : i32 to index
      %swap3A_705 = arith.index_cast %mul3A_702 : i32 to index
      %swap3A_706 = tpu.vector_load %arg13[%swap3A_704, %swap3A_705] {strides = array<i32>} : memref<8x2048xf32, #tpu.memory_space<vmem>>, vector<16xf32>,
      tpu.vector_store %arg13[%swap3A_704, %swap3A_705], %select_n3A_698 {strides = array<i32>} : memref<8x2048xf32, #tpu.memory_space<vmem>>, vector<16xf32>,
      %select_n3A_707 = arith.select %ne3A_634, %gather3A_648, %broadcast_in_dim3A_320 : vector<16xi1>, vector<16xf32>
      %select_n3A_708 = arith.select %ne3A_628, %gather3A_276, %select_n3A_707 : vector<16xi1>, vector<16xf32>
      %sub3A_709 = arith.constant 0 : i32
      %sub3A_710 = arith.subi %scan3A_618, %sub3A_709 : i32
      %mul3A_711 = arith.constant 16 : i32
      %mul3A_712 = arith.muli %sub3A_710, %mul3A_711 : i32
      %swap3A_713 = arith.constant 1 : i32
      %swap3A_714 = arith.index_cast %swap3A_713 : i32 to index
      %swap3A_715 = arith.index_cast %mul3A_712 : i32 to index
      %swap3A_716 = tpu.vector_load %arg13[%swap3A_714, %swap3A_715] {strides = array<i32>} : memref<8x2048xf32, #tpu.memory_space<vmem>>, vector<16xf32>,
      tpu.vector_store %arg13[%swap3A_714, %swap3A_715], %select_n3A_708 {strides = array<i32>} : memref<8x2048xf32, #tpu.memory_space<vmem>>, vector<16xf32>,
      %select_n3A_717 = arith.select %ne3A_634, %gather3A_655, %broadcast_in_dim3A_320 : vector<16xi1>, vector<16xf32>
      %select_n3A_718 = arith.select %ne3A_628, %gather3A_282, %select_n3A_717 : vector<16xi1>, vector<16xf32>
      %sub3A_719 = arith.constant 0 : i32
      %sub3A_720 = arith.subi %scan3A_618, %sub3A_719 : i32
      %mul3A_721 = arith.constant 16 : i32
      %mul3A_722 = arith.muli %sub3A_720, %mul3A_721 : i32
      %swap3A_723 = arith.constant 2 : i32
      %swap3A_724 = arith.index_cast %swap3A_723 : i32 to index
      %swap3A_725 = arith.index_cast %mul3A_722 : i32 to index
      %swap3A_726 = tpu.vector_load %arg13[%swap3A_724, %swap3A_725] {strides = array<i32>} : memref<8x2048xf32, #tpu.memory_space<vmem>>, vector<16xf32>,
      tpu.vector_store %arg13[%swap3A_724, %swap3A_725], %select_n3A_718 {strides = array<i32>} : memref<8x2048xf32, #tpu.memory_space<vmem>>, vector<16xf32>,
      %select_n3A_727 = arith.select %ne3A_634, %gather3A_662, %broadcast_in_dim3A_320 : vector<16xi1>, vector<16xf32>
      %select_n3A_728 = arith.select %ne3A_628, %gather3A_288, %select_n3A_727 : vector<16xi1>, vector<16xf32>
      %sub3A_729 = arith.constant 0 : i32
      %sub3A_730 = arith.subi %scan3A_618, %sub3A_729 : i32
      %mul3A_731 = arith.constant 16 : i32
      %mul3A_732 = arith.muli %sub3A_730, %mul3A_731 : i32
      %swap3A_733 = arith.constant 3 : i32
      %swap3A_734 = arith.index_cast %swap3A_733 : i32 to index
      %swap3A_735 = arith.index_cast %mul3A_732 : i32 to index
      %swap3A_736 = tpu.vector_load %arg13[%swap3A_734, %swap3A_735] {strides = array<i32>} : memref<8x2048xf32, #tpu.memory_space<vmem>>, vector<16xf32>,
      tpu.vector_store %arg13[%swap3A_734, %swap3A_735], %select_n3A_728 {strides = array<i32>} : memref<8x2048xf32, #tpu.memory_space<vmem>>, vector<16xf32>,
      %select_n3A_737 = arith.select %ne3A_634, %gather3A_669, %broadcast_in_dim3A_320 : vector<16xi1>, vector<16xf32>
      %select_n3A_738 = arith.select %ne3A_628, %gather3A_294, %select_n3A_737 : vector<16xi1>, vector<16xf32>
      %sub3A_739 = arith.constant 0 : i32
      %sub3A_740 = arith.subi %scan3A_618, %sub3A_739 : i32
      %mul3A_741 = arith.constant 16 : i32
      %mul3A_742 = arith.muli %sub3A_740, %mul3A_741 : i32
      %swap3A_743 = arith.constant 4 : i32
      %swap3A_744 = arith.index_cast %swap3A_743 : i32 to index
      %swap3A_745 = arith.index_cast %mul3A_742 : i32 to index
      %swap3A_746 = tpu.vector_load %arg13[%swap3A_744, %swap3A_745] {strides = array<i32>} : memref<8x2048xf32, #tpu.memory_space<vmem>>, vector<16xf32>,
      tpu.vector_store %arg13[%swap3A_744, %swap3A_745], %select_n3A_738 {strides = array<i32>} : memref<8x2048xf32, #tpu.memory_space<vmem>>, vector<16xf32>,
      %select_n3A_747 = arith.select %ne3A_634, %gather3A_676, %broadcast_in_dim3A_320 : vector<16xi1>, vector<16xf32>
      %select_n3A_748 = arith.select %ne3A_628, %gather3A_300, %select_n3A_747 : vector<16xi1>, vector<16xf32>
      %sub3A_749 = arith.constant 0 : i32
      %sub3A_750 = arith.subi %scan3A_618, %sub3A_749 : i32
      %mul3A_751 = arith.constant 16 : i32
      %mul3A_752 = arith.muli %sub3A_750, %mul3A_751 : i32
      %swap3A_753 = arith.constant 5 : i32
      %swap3A_754 = arith.index_cast %swap3A_753 : i32 to index
      %swap3A_755 = arith.index_cast %mul3A_752 : i32 to index
      %swap3A_756 = tpu.vector_load %arg13[%swap3A_754, %swap3A_755] {strides = array<i32>} : memref<8x2048xf32, #tpu.memory_space<vmem>>, vector<16xf32>,
      tpu.vector_store %arg13[%swap3A_754, %swap3A_755], %select_n3A_748 {strides = array<i32>} : memref<8x2048xf32, #tpu.memory_space<vmem>>, vector<16xf32>,
      %select_n3A_757 = arith.select %ne3A_634, %gather3A_683, %broadcast_in_dim3A_320 : vector<16xi1>, vector<16xf32>
      %select_n3A_758 = arith.select %ne3A_628, %gather3A_306, %select_n3A_757 : vector<16xi1>, vector<16xf32>
      %sub3A_759 = arith.constant 0 : i32
      %sub3A_760 = arith.subi %scan3A_618, %sub3A_759 : i32
      %mul3A_761 = arith.constant 16 : i32
      %mul3A_762 = arith.muli %sub3A_760, %mul3A_761 : i32
      %swap3A_763 = arith.constant 6 : i32
      %swap3A_764 = arith.index_cast %swap3A_763 : i32 to index
      %swap3A_765 = arith.index_cast %mul3A_762 : i32 to index
      %swap3A_766 = tpu.vector_load %arg13[%swap3A_764, %swap3A_765] {strides = array<i32>} : memref<8x2048xf32, #tpu.memory_space<vmem>>, vector<16xf32>,
      tpu.vector_store %arg13[%swap3A_764, %swap3A_765], %select_n3A_758 {strides = array<i32>} : memref<8x2048xf32, #tpu.memory_space<vmem>>, vector<16xf32>,
      %select_n3A_767 = arith.select %ne3A_634, %gather3A_690, %broadcast_in_dim3A_320 : vector<16xi1>, vector<16xf32>
      %select_n3A_768 = arith.select %ne3A_628, %gather3A_312, %select_n3A_767 : vector<16xi1>, vector<16xf32>
      %sub3A_769 = arith.constant 0 : i32
      %sub3A_770 = arith.subi %scan3A_618, %sub3A_769 : i32
      %mul3A_771 = arith.constant 16 : i32
      %mul3A_772 = arith.muli %sub3A_770, %mul3A_771 : i32
      %swap3A_773 = arith.constant 7 : i32
      %swap3A_774 = arith.index_cast %swap3A_773 : i32 to index
      %swap3A_775 = arith.index_cast %mul3A_772 : i32 to index
      %swap3A_776 = tpu.vector_load %arg13[%swap3A_774, %swap3A_775] {strides = array<i32>} : memref<8x2048xf32, #tpu.memory_space<vmem>>, vector<16xf32>,
      tpu.vector_store %arg13[%swap3A_774, %swap3A_775], %select_n3A_768 {strides = array<i32>} : memref<8x2048xf32, #tpu.memory_space<vmem>>, vector<16xf32>,
      scf.yield %get3A_696 : vector<16xi32>
    }
    %scan3A_329 = arith.constant 128 : i32
    %add3A_330 = arith.constant 8 : i32
    %add3A_331 = arith.addi %mul3A_32, %add3A_330 : i32
    %dma_start3A_332 = arith.constant 0 : i32
    %dma_start3A_333 = tpu.memref_slice %arg6[%select_n3A, %add3A_331, %dma_start3A_332] : memref<16x64x4096xf32, #tpu.memory_space<hbm>> -> memref<1x8x2048xf32, #tpu.memory_space<hbm>>
    %dma_start3A_334 = tpu.memref_squeeze %dma_start3A_333 : memref<1x8x2048xf32, #tpu.memory_space<hbm>> -> memref<8x2048xf32, #tpu.memory_space<hbm>>
    %dma_start3A_335 = arith.constant 0 : i32
    %dma_start3A_336 = tpu.memref_slice %arg6[%select_n3A, %add3A_331, %dma_start3A_335] : memref<16x64x4096xf32, #tpu.memory_space<hbm>> -> memref<1x8x2048xf32, #tpu.memory_space<hbm>>
    %dma_start3A_337 = tpu.memref_squeeze %dma_start3A_336 : memref<1x8x2048xf32, #tpu.memory_space<hbm>> -> memref<8x2048xf32, #tpu.memory_space<hbm>>
    tpu.enqueue_dma source(%arg13 : memref<8x2048xf32, #tpu.memory_space<vmem>>) target(%dma_start3A_337 : memref<8x2048xf32, #tpu.memory_space<hbm>>) target_semaphore(%arg19 : memref<!tpu.dma_semaphore, #tpu.memory_space<semaphore_mem>>)
    %dma_wait3A_338 = arith.constant 2048 : i32
    %dma_wait3A_339 = tpu.memref_slice %arg6[%select_n3A, %add3A_226, %dma_wait3A_338] : memref<16x64x4096xf32, #tpu.memory_space<hbm>> -> memref<1x8x2048xf32, #tpu.memory_space<hbm>>
    %dma_wait3A_340 = tpu.memref_squeeze %dma_wait3A_339 : memref<1x8x2048xf32, #tpu.memory_space<hbm>> -> memref<8x2048xf32, #tpu.memory_space<hbm>>
    %dma_wait3A_341 = arith.constant 2048 : i32
    %dma_wait3A_342 = tpu.memref_slice %arg6[%select_n3A, %add3A_226, %dma_wait3A_341] : memref<16x64x4096xf32, #tpu.memory_space<hbm>> -> memref<1x8x2048xf32, #tpu.memory_space<hbm>>
    %dma_wait3A_343 = tpu.memref_squeeze %dma_wait3A_342 : memref<1x8x2048xf32, #tpu.memory_space<hbm>> -> memref<8x2048xf32, #tpu.memory_space<hbm>>
    tpu.wait_dma2 semaphore(%arg20 : memref<!tpu.dma_semaphore, #tpu.memory_space<semaphore_mem>>) src(%arg14 : memref<8x2048xf32, #tpu.memory_space<vmem>>) dst(%dma_wait3A_343 : memref<8x2048xf32, #tpu.memory_space<hbm>>)
    %broadcast_in_dim3A_344 = arith.constant 0.000000e+00 : f32
    %broadcast_in_dim3A_345 = vector.broadcast %broadcast_in_dim3A_344 : f32 to vector<16xf32>
    %get3A_346 = arith.constant 2048 : index
    %get3A_347 = tpu.vector_load %arg11[%get3A_346] {strides = array<i32>} : memref<4112xi32, #tpu.memory_space<vmem>>, vector<16xi32>,
    %scan3A_348 = arith.constant 1 : i32
    %scan3A_349 = arith.constant 128 : i32
    %scan3A_350 = arith.constant 128 : i32
    %scan3A_351 = arith.addi %scan3A_349, %scan3A_350 : i32
    %scan3A_352 = arith.constant 1 : i32
    %scan3A_353 = scf.for %scan3A_618 = %scan3A_349 to %scan3A_351 step %scan3A_352 iter_args(%scan3A_619 = %get3A_347) -> (vector<16xi32>)  : i32 {
      %and3A_620 = arith.constant 8191 : i32
      %and3A_621 = vector.broadcast %and3A_620 : i32 to vector<16xi32>
      %and3A_622 = arith.andi %scan3A_619, %and3A_621 : vector<16xi32>
      %and3A_623 = arith.constant 16384 : i32
      %and3A_624 = vector.broadcast %and3A_623 : i32 to vector<16xi32>
      %and3A_625 = arith.andi %scan3A_619, %and3A_624 : vector<16xi32>
      %ne3A_626 = arith.constant 0 : i32
      %ne3A_627 = vector.broadcast %ne3A_626 : i32 to vector<16xi32>
      %ne3A_628 = arith.cmpi ne, %and3A_625, %ne3A_627 : vector<16xi32>
      %and3A_629 = arith.constant 8192 : i32
      %and3A_630 = vector.broadcast %and3A_629 : i32 to vector<16xi32>
      %and3A_631 = arith.andi %scan3A_619, %and3A_630 : vector<16xi32>
      %ne3A_632 = arith.constant 0 : i32
      %ne3A_633 = vector.broadcast %ne3A_632 : i32 to vector<16xi32>
      %ne3A_634 = arith.cmpi ne, %and3A_631, %ne3A_633 : vector<16xi32>
      %broadcast_in_dim3A_635 = arith.constant 0 : i32
      %broadcast_in_dim3A_636 = vector.broadcast %broadcast_in_dim3A_635 : i32 to vector<16xi32>
      %gather3A_637 = arith.constant 0 : i32
      %gather3A_638 = arith.constant 0 : i32
      %gather3A_639 = tpu.memref_slice %arg12[%scan3A_348, %gather3A_637, %gather3A_638] : memref<2x8x4096xf32, #tpu.memory_space<vmem>> -> memref<1x8x4096xf32, #tpu.memory_space<vmem>>
      %gather3A_640 = tpu.memref_squeeze %gather3A_639 : memref<1x8x4096xf32, #tpu.memory_space<vmem>> -> memref<8x4096xf32, #tpu.memory_space<vmem>>
      %gather3A_641 = tpu.vector_load_idx %gather3A_640[%broadcast_in_dim3A_636, %and3A_622] : memref<8x4096xf32, #tpu.memory_space<vmem>>[vector<16xi32>, vector<16xi32>], vector<16xf32>,
      %broadcast_in_dim3A_642 = arith.constant 1 : i32
      %broadcast_in_dim3A_643 = vector.broadcast %broadcast_in_dim3A_642 : i32 to vector<16xi32>
      %gather3A_644 = arith.constant 0 : i32
      %gather3A_645 = arith.constant 0 : i32
      %gather3A_646 = tpu.memref_slice %arg12[%scan3A_348, %gather3A_644, %gather3A_645] : memref<2x8x4096xf32, #tpu.memory_space<vmem>> -> memref<1x8x4096xf32, #tpu.memory_space<vmem>>
      %gather3A_647 = tpu.memref_squeeze %gather3A_646 : memref<1x8x4096xf32, #tpu.memory_space<vmem>> -> memref<8x4096xf32, #tpu.memory_space<vmem>>
      %gather3A_648 = tpu.vector_load_idx %gather3A_647[%broadcast_in_dim3A_643, %and3A_622] : memref<8x4096xf32, #tpu.memory_space<vmem>>[vector<16xi32>, vector<16xi32>], vector<16xf32>,
      %broadcast_in_dim3A_649 = arith.constant 2 : i32
      %broadcast_in_dim3A_650 = vector.broadcast %broadcast_in_dim3A_649 : i32 to vector<16xi32>
      %gather3A_651 = arith.constant 0 : i32
      %gather3A_652 = arith.constant 0 : i32
      %gather3A_653 = tpu.memref_slice %arg12[%scan3A_348, %gather3A_651, %gather3A_652] : memref<2x8x4096xf32, #tpu.memory_space<vmem>> -> memref<1x8x4096xf32, #tpu.memory_space<vmem>>
      %gather3A_654 = tpu.memref_squeeze %gather3A_653 : memref<1x8x4096xf32, #tpu.memory_space<vmem>> -> memref<8x4096xf32, #tpu.memory_space<vmem>>
      %gather3A_655 = tpu.vector_load_idx %gather3A_654[%broadcast_in_dim3A_650, %and3A_622] : memref<8x4096xf32, #tpu.memory_space<vmem>>[vector<16xi32>, vector<16xi32>], vector<16xf32>,
      %broadcast_in_dim3A_656 = arith.constant 3 : i32
      %broadcast_in_dim3A_657 = vector.broadcast %broadcast_in_dim3A_656 : i32 to vector<16xi32>
      %gather3A_658 = arith.constant 0 : i32
      %gather3A_659 = arith.constant 0 : i32
      %gather3A_660 = tpu.memref_slice %arg12[%scan3A_348, %gather3A_658, %gather3A_659] : memref<2x8x4096xf32, #tpu.memory_space<vmem>> -> memref<1x8x4096xf32, #tpu.memory_space<vmem>>
      %gather3A_661 = tpu.memref_squeeze %gather3A_660 : memref<1x8x4096xf32, #tpu.memory_space<vmem>> -> memref<8x4096xf32, #tpu.memory_space<vmem>>
      %gather3A_662 = tpu.vector_load_idx %gather3A_661[%broadcast_in_dim3A_657, %and3A_622] : memref<8x4096xf32, #tpu.memory_space<vmem>>[vector<16xi32>, vector<16xi32>], vector<16xf32>,
      %broadcast_in_dim3A_663 = arith.constant 4 : i32
      %broadcast_in_dim3A_664 = vector.broadcast %broadcast_in_dim3A_663 : i32 to vector<16xi32>
      %gather3A_665 = arith.constant 0 : i32
      %gather3A_666 = arith.constant 0 : i32
      %gather3A_667 = tpu.memref_slice %arg12[%scan3A_348, %gather3A_665, %gather3A_666] : memref<2x8x4096xf32, #tpu.memory_space<vmem>> -> memref<1x8x4096xf32, #tpu.memory_space<vmem>>
      %gather3A_668 = tpu.memref_squeeze %gather3A_667 : memref<1x8x4096xf32, #tpu.memory_space<vmem>> -> memref<8x4096xf32, #tpu.memory_space<vmem>>
      %gather3A_669 = tpu.vector_load_idx %gather3A_668[%broadcast_in_dim3A_664, %and3A_622] : memref<8x4096xf32, #tpu.memory_space<vmem>>[vector<16xi32>, vector<16xi32>], vector<16xf32>,
      %broadcast_in_dim3A_670 = arith.constant 5 : i32
      %broadcast_in_dim3A_671 = vector.broadcast %broadcast_in_dim3A_670 : i32 to vector<16xi32>
      %gather3A_672 = arith.constant 0 : i32
      %gather3A_673 = arith.constant 0 : i32
      %gather3A_674 = tpu.memref_slice %arg12[%scan3A_348, %gather3A_672, %gather3A_673] : memref<2x8x4096xf32, #tpu.memory_space<vmem>> -> memref<1x8x4096xf32, #tpu.memory_space<vmem>>
      %gather3A_675 = tpu.memref_squeeze %gather3A_674 : memref<1x8x4096xf32, #tpu.memory_space<vmem>> -> memref<8x4096xf32, #tpu.memory_space<vmem>>
      %gather3A_676 = tpu.vector_load_idx %gather3A_675[%broadcast_in_dim3A_671, %and3A_622] : memref<8x4096xf32, #tpu.memory_space<vmem>>[vector<16xi32>, vector<16xi32>], vector<16xf32>,
      %broadcast_in_dim3A_677 = arith.constant 6 : i32
      %broadcast_in_dim3A_678 = vector.broadcast %broadcast_in_dim3A_677 : i32 to vector<16xi32>
      %gather3A_679 = arith.constant 0 : i32
      %gather3A_680 = arith.constant 0 : i32
      %gather3A_681 = tpu.memref_slice %arg12[%scan3A_348, %gather3A_679, %gather3A_680] : memref<2x8x4096xf32, #tpu.memory_space<vmem>> -> memref<1x8x4096xf32, #tpu.memory_space<vmem>>
      %gather3A_682 = tpu.memref_squeeze %gather3A_681 : memref<1x8x4096xf32, #tpu.memory_space<vmem>> -> memref<8x4096xf32, #tpu.memory_space<vmem>>
      %gather3A_683 = tpu.vector_load_idx %gather3A_682[%broadcast_in_dim3A_678, %and3A_622] : memref<8x4096xf32, #tpu.memory_space<vmem>>[vector<16xi32>, vector<16xi32>], vector<16xf32>,
      %broadcast_in_dim3A_684 = arith.constant 7 : i32
      %broadcast_in_dim3A_685 = vector.broadcast %broadcast_in_dim3A_684 : i32 to vector<16xi32>
      %gather3A_686 = arith.constant 0 : i32
      %gather3A_687 = arith.constant 0 : i32
      %gather3A_688 = tpu.memref_slice %arg12[%scan3A_348, %gather3A_686, %gather3A_687] : memref<2x8x4096xf32, #tpu.memory_space<vmem>> -> memref<1x8x4096xf32, #tpu.memory_space<vmem>>
      %gather3A_689 = tpu.memref_squeeze %gather3A_688 : memref<1x8x4096xf32, #tpu.memory_space<vmem>> -> memref<8x4096xf32, #tpu.memory_space<vmem>>
      %gather3A_690 = tpu.vector_load_idx %gather3A_689[%broadcast_in_dim3A_685, %and3A_622] : memref<8x4096xf32, #tpu.memory_space<vmem>>[vector<16xi32>, vector<16xi32>], vector<16xf32>,
      %add3A_691 = arith.constant 1 : i32
      %add3A_692 = arith.addi %scan3A_618, %add3A_691 : i32
      %mul3A_693 = arith.constant 16 : i32
      %mul3A_694 = arith.muli %add3A_692, %mul3A_693 : i32
      %get3A_695 = arith.index_cast %mul3A_694 : i32 to index
      %get3A_696 = tpu.vector_load %arg11[%get3A_695] {strides = array<i32>} : memref<4112xi32, #tpu.memory_space<vmem>>, vector<16xi32>,
      %select_n3A_697 = arith.select %ne3A_634, %gather3A_641, %broadcast_in_dim3A_345 : vector<16xi1>, vector<16xf32>
      %select_n3A_698 = arith.select %ne3A_628, %gather3A_270, %select_n3A_697 : vector<16xi1>, vector<16xf32>
      %sub3A_699 = arith.constant 128 : i32
      %sub3A_700 = arith.subi %scan3A_618, %sub3A_699 : i32
      %mul3A_701 = arith.constant 16 : i32
      %mul3A_702 = arith.muli %sub3A_700, %mul3A_701 : i32
      %swap3A_703 = arith.constant 0 : i32
      %swap3A_704 = arith.index_cast %swap3A_703 : i32 to index
      %swap3A_705 = arith.index_cast %mul3A_702 : i32 to index
      %swap3A_706 = tpu.vector_load %arg14[%swap3A_704, %swap3A_705] {strides = array<i32>} : memref<8x2048xf32, #tpu.memory_space<vmem>>, vector<16xf32>,
      tpu.vector_store %arg14[%swap3A_704, %swap3A_705], %select_n3A_698 {strides = array<i32>} : memref<8x2048xf32, #tpu.memory_space<vmem>>, vector<16xf32>,
      %select_n3A_707 = arith.select %ne3A_634, %gather3A_648, %broadcast_in_dim3A_345 : vector<16xi1>, vector<16xf32>
      %select_n3A_708 = arith.select %ne3A_628, %gather3A_276, %select_n3A_707 : vector<16xi1>, vector<16xf32>
      %sub3A_709 = arith.constant 128 : i32
      %sub3A_710 = arith.subi %scan3A_618, %sub3A_709 : i32
      %mul3A_711 = arith.constant 16 : i32
      %mul3A_712 = arith.muli %sub3A_710, %mul3A_711 : i32
      %swap3A_713 = arith.constant 1 : i32
      %swap3A_714 = arith.index_cast %swap3A_713 : i32 to index
      %swap3A_715 = arith.index_cast %mul3A_712 : i32 to index
      %swap3A_716 = tpu.vector_load %arg14[%swap3A_714, %swap3A_715] {strides = array<i32>} : memref<8x2048xf32, #tpu.memory_space<vmem>>, vector<16xf32>,
      tpu.vector_store %arg14[%swap3A_714, %swap3A_715], %select_n3A_708 {strides = array<i32>} : memref<8x2048xf32, #tpu.memory_space<vmem>>, vector<16xf32>,
      %select_n3A_717 = arith.select %ne3A_634, %gather3A_655, %broadcast_in_dim3A_345 : vector<16xi1>, vector<16xf32>
      %select_n3A_718 = arith.select %ne3A_628, %gather3A_282, %select_n3A_717 : vector<16xi1>, vector<16xf32>
      %sub3A_719 = arith.constant 128 : i32
      %sub3A_720 = arith.subi %scan3A_618, %sub3A_719 : i32
      %mul3A_721 = arith.constant 16 : i32
      %mul3A_722 = arith.muli %sub3A_720, %mul3A_721 : i32
      %swap3A_723 = arith.constant 2 : i32
      %swap3A_724 = arith.index_cast %swap3A_723 : i32 to index
      %swap3A_725 = arith.index_cast %mul3A_722 : i32 to index
      %swap3A_726 = tpu.vector_load %arg14[%swap3A_724, %swap3A_725] {strides = array<i32>} : memref<8x2048xf32, #tpu.memory_space<vmem>>, vector<16xf32>,
      tpu.vector_store %arg14[%swap3A_724, %swap3A_725], %select_n3A_718 {strides = array<i32>} : memref<8x2048xf32, #tpu.memory_space<vmem>>, vector<16xf32>,
      %select_n3A_727 = arith.select %ne3A_634, %gather3A_662, %broadcast_in_dim3A_345 : vector<16xi1>, vector<16xf32>
      %select_n3A_728 = arith.select %ne3A_628, %gather3A_288, %select_n3A_727 : vector<16xi1>, vector<16xf32>
      %sub3A_729 = arith.constant 128 : i32
      %sub3A_730 = arith.subi %scan3A_618, %sub3A_729 : i32
      %mul3A_731 = arith.constant 16 : i32
      %mul3A_732 = arith.muli %sub3A_730, %mul3A_731 : i32
      %swap3A_733 = arith.constant 3 : i32
      %swap3A_734 = arith.index_cast %swap3A_733 : i32 to index
      %swap3A_735 = arith.index_cast %mul3A_732 : i32 to index
      %swap3A_736 = tpu.vector_load %arg14[%swap3A_734, %swap3A_735] {strides = array<i32>} : memref<8x2048xf32, #tpu.memory_space<vmem>>, vector<16xf32>,
      tpu.vector_store %arg14[%swap3A_734, %swap3A_735], %select_n3A_728 {strides = array<i32>} : memref<8x2048xf32, #tpu.memory_space<vmem>>, vector<16xf32>,
      %select_n3A_737 = arith.select %ne3A_634, %gather3A_669, %broadcast_in_dim3A_345 : vector<16xi1>, vector<16xf32>
      %select_n3A_738 = arith.select %ne3A_628, %gather3A_294, %select_n3A_737 : vector<16xi1>, vector<16xf32>
      %sub3A_739 = arith.constant 128 : i32
      %sub3A_740 = arith.subi %scan3A_618, %sub3A_739 : i32
      %mul3A_741 = arith.constant 16 : i32
      %mul3A_742 = arith.muli %sub3A_740, %mul3A_741 : i32
      %swap3A_743 = arith.constant 4 : i32
      %swap3A_744 = arith.index_cast %swap3A_743 : i32 to index
      %swap3A_745 = arith.index_cast %mul3A_742 : i32 to index
      %swap3A_746 = tpu.vector_load %arg14[%swap3A_744, %swap3A_745] {strides = array<i32>} : memref<8x2048xf32, #tpu.memory_space<vmem>>, vector<16xf32>,
      tpu.vector_store %arg14[%swap3A_744, %swap3A_745], %select_n3A_738 {strides = array<i32>} : memref<8x2048xf32, #tpu.memory_space<vmem>>, vector<16xf32>,
      %select_n3A_747 = arith.select %ne3A_634, %gather3A_676, %broadcast_in_dim3A_345 : vector<16xi1>, vector<16xf32>
      %select_n3A_748 = arith.select %ne3A_628, %gather3A_300, %select_n3A_747 : vector<16xi1>, vector<16xf32>
      %sub3A_749 = arith.constant 128 : i32
      %sub3A_750 = arith.subi %scan3A_618, %sub3A_749 : i32
      %mul3A_751 = arith.constant 16 : i32
      %mul3A_752 = arith.muli %sub3A_750, %mul3A_751 : i32
      %swap3A_753 = arith.constant 5 : i32
      %swap3A_754 = arith.index_cast %swap3A_753 : i32 to index
      %swap3A_755 = arith.index_cast %mul3A_752 : i32 to index
      %swap3A_756 = tpu.vector_load %arg14[%swap3A_754, %swap3A_755] {strides = array<i32>} : memref<8x2048xf32, #tpu.memory_space<vmem>>, vector<16xf32>,
      tpu.vector_store %arg14[%swap3A_754, %swap3A_755], %select_n3A_748 {strides = array<i32>} : memref<8x2048xf32, #tpu.memory_space<vmem>>, vector<16xf32>,
      %select_n3A_757 = arith.select %ne3A_634, %gather3A_683, %broadcast_in_dim3A_345 : vector<16xi1>, vector<16xf32>
      %select_n3A_758 = arith.select %ne3A_628, %gather3A_306, %select_n3A_757 : vector<16xi1>, vector<16xf32>
      %sub3A_759 = arith.constant 128 : i32
      %sub3A_760 = arith.subi %scan3A_618, %sub3A_759 : i32
      %mul3A_761 = arith.constant 16 : i32
      %mul3A_762 = arith.muli %sub3A_760, %mul3A_761 : i32
      %swap3A_763 = arith.constant 6 : i32
      %swap3A_764 = arith.index_cast %swap3A_763 : i32 to index
      %swap3A_765 = arith.index_cast %mul3A_762 : i32 to index
      %swap3A_766 = tpu.vector_load %arg14[%swap3A_764, %swap3A_765] {strides = array<i32>} : memref<8x2048xf32, #tpu.memory_space<vmem>>, vector<16xf32>,
      tpu.vector_store %arg14[%swap3A_764, %swap3A_765], %select_n3A_758 {strides = array<i32>} : memref<8x2048xf32, #tpu.memory_space<vmem>>, vector<16xf32>,
      %select_n3A_767 = arith.select %ne3A_634, %gather3A_690, %broadcast_in_dim3A_345 : vector<16xi1>, vector<16xf32>
      %select_n3A_768 = arith.select %ne3A_628, %gather3A_312, %select_n3A_767 : vector<16xi1>, vector<16xf32>
      %sub3A_769 = arith.constant 128 : i32
      %sub3A_770 = arith.subi %scan3A_618, %sub3A_769 : i32
      %mul3A_771 = arith.constant 16 : i32
      %mul3A_772 = arith.muli %sub3A_770, %mul3A_771 : i32
      %swap3A_773 = arith.constant 7 : i32
      %swap3A_774 = arith.index_cast %swap3A_773 : i32 to index
      %swap3A_775 = arith.index_cast %mul3A_772 : i32 to index
      %swap3A_776 = tpu.vector_load %arg14[%swap3A_774, %swap3A_775] {strides = array<i32>} : memref<8x2048xf32, #tpu.memory_space<vmem>>, vector<16xf32>,
      tpu.vector_store %arg14[%swap3A_774, %swap3A_775], %select_n3A_768 {strides = array<i32>} : memref<8x2048xf32, #tpu.memory_space<vmem>>, vector<16xf32>,
      scf.yield %get3A_696 : vector<16xi32>
    }
    %scan3A_354 = arith.constant 128 : i32
    %add3A_355 = arith.constant 8 : i32
    %add3A_356 = arith.addi %mul3A_32, %add3A_355 : i32
    %dma_start3A_357 = arith.constant 2048 : i32
    %dma_start3A_358 = tpu.memref_slice %arg6[%select_n3A, %add3A_356, %dma_start3A_357] : memref<16x64x4096xf32, #tpu.memory_space<hbm>> -> memref<1x8x2048xf32, #tpu.memory_space<hbm>>
    %dma_start3A_359 = tpu.memref_squeeze %dma_start3A_358 : memref<1x8x2048xf32, #tpu.memory_space<hbm>> -> memref<8x2048xf32, #tpu.memory_space<hbm>>
    %dma_start3A_360 = arith.constant 2048 : i32
    %dma_start3A_361 = tpu.memref_slice %arg6[%select_n3A, %add3A_356, %dma_start3A_360] : memref<16x64x4096xf32, #tpu.memory_space<hbm>> -> memref<1x8x2048xf32, #tpu.memory_space<hbm>>
    %dma_start3A_362 = tpu.memref_squeeze %dma_start3A_361 : memref<1x8x2048xf32, #tpu.memory_space<hbm>> -> memref<8x2048xf32, #tpu.memory_space<hbm>>
    tpu.enqueue_dma source(%arg14 : memref<8x2048xf32, #tpu.memory_space<vmem>>) target(%dma_start3A_362 : memref<8x2048xf32, #tpu.memory_space<hbm>>) target_semaphore(%arg20 : memref<!tpu.dma_semaphore, #tpu.memory_space<semaphore_mem>>)
    %dma_wait3A_363 = arith.constant 0 : i32
    %dma_wait3A_364 = arith.constant 0 : i32
    %dma_wait3A_365 = arith.constant 0 : i32
    %dma_wait3A_366 = tpu.memref_slice %arg12[%dma_wait3A_363, %dma_wait3A_364, %dma_wait3A_365] : memref<2x8x4096xf32, #tpu.memory_space<vmem>> -> memref<1x8x4096xf32, #tpu.memory_space<vmem>>
    %dma_wait3A_367 = tpu.memref_squeeze %dma_wait3A_366 : memref<1x8x4096xf32, #tpu.memory_space<vmem>> -> memref<8x4096xf32, #tpu.memory_space<vmem>>
    %dma_wait3A_368 = arith.constant 0 : i32
    %dma_wait3A_369 = tpu.memref_slice %arg2[%select_n3A, %add3A_249, %dma_wait3A_368] : memref<16x64x4096xf32, #tpu.memory_space<hbm>> -> memref<1x8x4096xf32, #tpu.memory_space<hbm>>
    %dma_wait3A_370 = tpu.memref_squeeze %dma_wait3A_369 : memref<1x8x4096xf32, #tpu.memory_space<hbm>> -> memref<8x4096xf32, #tpu.memory_space<hbm>>
    %dma_wait3A_371 = arith.constant 0 : i32
    %dma_wait3A_372 = arith.constant 0 : i32
    %dma_wait3A_373 = tpu.memref_slice %arg12[%dma_wait3A_363, %dma_wait3A_371, %dma_wait3A_372] : memref<2x8x4096xf32, #tpu.memory_space<vmem>> -> memref<1x8x4096xf32, #tpu.memory_space<vmem>>
    %dma_wait3A_374 = tpu.memref_squeeze %dma_wait3A_373 : memref<1x8x4096xf32, #tpu.memory_space<vmem>> -> memref<8x4096xf32, #tpu.memory_space<vmem>>
    %dma_wait3A_375 = arith.constant 0 : i32
    %dma_wait3A_376 = tpu.memref_slice %arg2[%select_n3A, %add3A_249, %dma_wait3A_375] : memref<16x64x4096xf32, #tpu.memory_space<hbm>> -> memref<1x8x4096xf32, #tpu.memory_space<hbm>>
    %dma_wait3A_377 = tpu.memref_squeeze %dma_wait3A_376 : memref<1x8x4096xf32, #tpu.memory_space<hbm>> -> memref<8x4096xf32, #tpu.memory_space<hbm>>
    tpu.wait_dma2 semaphore(%arg17 : memref<!tpu.dma_semaphore, #tpu.memory_space<semaphore_mem>>) src(%dma_wait3A_377 : memref<8x4096xf32, #tpu.memory_space<hbm>>) dst(%dma_wait3A_374 : memref<8x4096xf32, #tpu.memory_space<vmem>>)
    %add3A_378 = arith.constant 24 : i32
    %add3A_379 = arith.addi %mul3A_32, %add3A_378 : i32
    %dma_start3A_380 = arith.constant 1 : i32
    %dma_start3A_381 = arith.constant 0 : i32
    %dma_start3A_382 = arith.constant 0 : i32
    %dma_start3A_383 = tpu.memref_slice %arg12[%dma_start3A_380, %dma_start3A_381, %dma_start3A_382] : memref<2x8x4096xf32, #tpu.memory_space<vmem>> -> memref<1x8x4096xf32, #tpu.memory_space<vmem>>
    %dma_start3A_384 = tpu.memref_squeeze %dma_start3A_383 : memref<1x8x4096xf32, #tpu.memory_space<vmem>> -> memref<8x4096xf32, #tpu.memory_space<vmem>>
    %dma_start3A_385 = arith.constant 0 : i32
    %dma_start3A_386 = tpu.memref_slice %arg2[%select_n3A, %add3A_379, %dma_start3A_385] : memref<16x64x4096xf32, #tpu.memory_space<hbm>> -> memref<1x8x4096xf32, #tpu.memory_space<hbm>>
    %dma_start3A_387 = tpu.memref_squeeze %dma_start3A_386 : memref<1x8x4096xf32, #tpu.memory_space<hbm>> -> memref<8x4096xf32, #tpu.memory_space<hbm>>
    %dma_start3A_388 = arith.constant 0 : i32
    %dma_start3A_389 = arith.constant 0 : i32
    %dma_start3A_390 = tpu.memref_slice %arg12[%dma_start3A_380, %dma_start3A_388, %dma_start3A_389] : memref<2x8x4096xf32, #tpu.memory_space<vmem>> -> memref<1x8x4096xf32, #tpu.memory_space<vmem>>
    %dma_start3A_391 = tpu.memref_squeeze %dma_start3A_390 : memref<1x8x4096xf32, #tpu.memory_space<vmem>> -> memref<8x4096xf32, #tpu.memory_space<vmem>>
    %dma_start3A_392 = arith.constant 0 : i32
    %dma_start3A_393 = tpu.memref_slice %arg2[%select_n3A, %add3A_379, %dma_start3A_392] : memref<16x64x4096xf32, #tpu.memory_space<hbm>> -> memref<1x8x4096xf32, #tpu.memory_space<hbm>>
    %dma_start3A_394 = tpu.memref_squeeze %dma_start3A_393 : memref<1x8x4096xf32, #tpu.memory_space<hbm>> -> memref<8x4096xf32, #tpu.memory_space<hbm>>
    tpu.enqueue_dma source(%dma_start3A_394 : memref<8x4096xf32, #tpu.memory_space<hbm>>) target(%dma_start3A_391 : memref<8x4096xf32, #tpu.memory_space<vmem>>) target_semaphore(%arg18 : memref<!tpu.dma_semaphore, #tpu.memory_space<semaphore_mem>>)
    %add3A_395 = arith.constant 16 : i32
    %add3A_396 = arith.addi %mul3A_32, %add3A_395 : i32
    %add3A_397 = arith.constant 0 : i32
    %add3A_398 = arith.addi %add3A_396, %add3A_397 : i32
    %broadcast_in_dim3A_399 = vector.broadcast %add3A_398 : i32 to vector<16xi32>
    %gather3A_400 = tpu.vector_load_idx %arg9[%broadcast_in_dim3A_399] : memref<64xf32, #tpu.memory_space<vmem>>[vector<16xi32>], vector<16xf32>,
    %add3A_401 = arith.constant 16 : i32
    %add3A_402 = arith.addi %mul3A_32, %add3A_401 : i32
    %add3A_403 = arith.constant 1 : i32
    %add3A_404 = arith.addi %add3A_402, %add3A_403 : i32
    %broadcast_in_dim3A_405 = vector.broadcast %add3A_404 : i32 to vector<16xi32>
    %gather3A_406 = tpu.vector_load_idx %arg9[%broadcast_in_dim3A_405] : memref<64xf32, #tpu.memory_space<vmem>>[vector<16xi32>], vector<16xf32>,
    %add3A_407 = arith.constant 16 : i32
    %add3A_408 = arith.addi %mul3A_32, %add3A_407 : i32
    %add3A_409 = arith.constant 2 : i32
    %add3A_410 = arith.addi %add3A_408, %add3A_409 : i32
    %broadcast_in_dim3A_411 = vector.broadcast %add3A_410 : i32 to vector<16xi32>
    %gather3A_412 = tpu.vector_load_idx %arg9[%broadcast_in_dim3A_411] : memref<64xf32, #tpu.memory_space<vmem>>[vector<16xi32>], vector<16xf32>,
    %add3A_413 = arith.constant 16 : i32
    %add3A_414 = arith.addi %mul3A_32, %add3A_413 : i32
    %add3A_415 = arith.constant 3 : i32
    %add3A_416 = arith.addi %add3A_414, %add3A_415 : i32
    %broadcast_in_dim3A_417 = vector.broadcast %add3A_416 : i32 to vector<16xi32>
    %gather3A_418 = tpu.vector_load_idx %arg9[%broadcast_in_dim3A_417] : memref<64xf32, #tpu.memory_space<vmem>>[vector<16xi32>], vector<16xf32>,
    %add3A_419 = arith.constant 16 : i32
    %add3A_420 = arith.addi %mul3A_32, %add3A_419 : i32
    %add3A_421 = arith.constant 4 : i32
    %add3A_422 = arith.addi %add3A_420, %add3A_421 : i32
    %broadcast_in_dim3A_423 = vector.broadcast %add3A_422 : i32 to vector<16xi32>
    %gather3A_424 = tpu.vector_load_idx %arg9[%broadcast_in_dim3A_423] : memref<64xf32, #tpu.memory_space<vmem>>[vector<16xi32>], vector<16xf32>,
    %add3A_425 = arith.constant 16 : i32
    %add3A_426 = arith.addi %mul3A_32, %add3A_425 : i32
    %add3A_427 = arith.constant 5 : i32
    %add3A_428 = arith.addi %add3A_426, %add3A_427 : i32
    %broadcast_in_dim3A_429 = vector.broadcast %add3A_428 : i32 to vector<16xi32>
    %gather3A_430 = tpu.vector_load_idx %arg9[%broadcast_in_dim3A_429] : memref<64xf32, #tpu.memory_space<vmem>>[vector<16xi32>], vector<16xf32>,
    %add3A_431 = arith.constant 16 : i32
    %add3A_432 = arith.addi %mul3A_32, %add3A_431 : i32
    %add3A_433 = arith.constant 6 : i32
    %add3A_434 = arith.addi %add3A_432, %add3A_433 : i32
    %broadcast_in_dim3A_435 = vector.broadcast %add3A_434 : i32 to vector<16xi32>
    %gather3A_436 = tpu.vector_load_idx %arg9[%broadcast_in_dim3A_435] : memref<64xf32, #tpu.memory_space<vmem>>[vector<16xi32>], vector<16xf32>,
    %add3A_437 = arith.constant 16 : i32
    %add3A_438 = arith.addi %mul3A_32, %add3A_437 : i32
    %add3A_439 = arith.constant 7 : i32
    %add3A_440 = arith.addi %add3A_438, %add3A_439 : i32
    %broadcast_in_dim3A_441 = vector.broadcast %add3A_440 : i32 to vector<16xi32>
    %gather3A_442 = tpu.vector_load_idx %arg9[%broadcast_in_dim3A_441] : memref<64xf32, #tpu.memory_space<vmem>>[vector<16xi32>], vector<16xf32>,
    %dma_wait3A_443 = arith.constant 0 : i32
    %dma_wait3A_444 = tpu.memref_slice %arg6[%select_n3A, %add3A_331, %dma_wait3A_443] : memref<16x64x4096xf32, #tpu.memory_space<hbm>> -> memref<1x8x2048xf32, #tpu.memory_space<hbm>>
    %dma_wait3A_445 = tpu.memref_squeeze %dma_wait3A_444 : memref<1x8x2048xf32, #tpu.memory_space<hbm>> -> memref<8x2048xf32, #tpu.memory_space<hbm>>
    %dma_wait3A_446 = arith.constant 0 : i32
    %dma_wait3A_447 = tpu.memref_slice %arg6[%select_n3A, %add3A_331, %dma_wait3A_446] : memref<16x64x4096xf32, #tpu.memory_space<hbm>> -> memref<1x8x2048xf32, #tpu.memory_space<hbm>>
    %dma_wait3A_448 = tpu.memref_squeeze %dma_wait3A_447 : memref<1x8x2048xf32, #tpu.memory_space<hbm>> -> memref<8x2048xf32, #tpu.memory_space<hbm>>
    tpu.wait_dma2 semaphore(%arg19 : memref<!tpu.dma_semaphore, #tpu.memory_space<semaphore_mem>>) src(%arg13 : memref<8x2048xf32, #tpu.memory_space<vmem>>) dst(%dma_wait3A_448 : memref<8x2048xf32, #tpu.memory_space<hbm>>)
    %broadcast_in_dim3A_449 = arith.constant 0.000000e+00 : f32
    %broadcast_in_dim3A_450 = vector.broadcast %broadcast_in_dim3A_449 : f32 to vector<16xf32>
    %get3A_451 = arith.constant 0 : index
    %get3A_452 = tpu.vector_load %arg11[%get3A_451] {strides = array<i32>} : memref<4112xi32, #tpu.memory_space<vmem>>, vector<16xi32>,
    %scan3A_453 = arith.constant 0 : i32
    %scan3A_454 = arith.constant 0 : i32
    %scan3A_455 = arith.constant 128 : i32
    %scan3A_456 = arith.addi %scan3A_454, %scan3A_455 : i32
    %scan3A_457 = arith.constant 1 : i32
    %scan3A_458 = scf.for %scan3A_618 = %scan3A_454 to %scan3A_456 step %scan3A_457 iter_args(%scan3A_619 = %get3A_452) -> (vector<16xi32>)  : i32 {
      %and3A_620 = arith.constant 8191 : i32
      %and3A_621 = vector.broadcast %and3A_620 : i32 to vector<16xi32>
      %and3A_622 = arith.andi %scan3A_619, %and3A_621 : vector<16xi32>
      %and3A_623 = arith.constant 16384 : i32
      %and3A_624 = vector.broadcast %and3A_623 : i32 to vector<16xi32>
      %and3A_625 = arith.andi %scan3A_619, %and3A_624 : vector<16xi32>
      %ne3A_626 = arith.constant 0 : i32
      %ne3A_627 = vector.broadcast %ne3A_626 : i32 to vector<16xi32>
      %ne3A_628 = arith.cmpi ne, %and3A_625, %ne3A_627 : vector<16xi32>
      %and3A_629 = arith.constant 8192 : i32
      %and3A_630 = vector.broadcast %and3A_629 : i32 to vector<16xi32>
      %and3A_631 = arith.andi %scan3A_619, %and3A_630 : vector<16xi32>
      %ne3A_632 = arith.constant 0 : i32
      %ne3A_633 = vector.broadcast %ne3A_632 : i32 to vector<16xi32>
      %ne3A_634 = arith.cmpi ne, %and3A_631, %ne3A_633 : vector<16xi32>
      %broadcast_in_dim3A_635 = arith.constant 0 : i32
      %broadcast_in_dim3A_636 = vector.broadcast %broadcast_in_dim3A_635 : i32 to vector<16xi32>
      %gather3A_637 = arith.constant 0 : i32
      %gather3A_638 = arith.constant 0 : i32
      %gather3A_639 = tpu.memref_slice %arg12[%scan3A_453, %gather3A_637, %gather3A_638] : memref<2x8x4096xf32, #tpu.memory_space<vmem>> -> memref<1x8x4096xf32, #tpu.memory_space<vmem>>
      %gather3A_640 = tpu.memref_squeeze %gather3A_639 : memref<1x8x4096xf32, #tpu.memory_space<vmem>> -> memref<8x4096xf32, #tpu.memory_space<vmem>>
      %gather3A_641 = tpu.vector_load_idx %gather3A_640[%broadcast_in_dim3A_636, %and3A_622] : memref<8x4096xf32, #tpu.memory_space<vmem>>[vector<16xi32>, vector<16xi32>], vector<16xf32>,
      %broadcast_in_dim3A_642 = arith.constant 1 : i32
      %broadcast_in_dim3A_643 = vector.broadcast %broadcast_in_dim3A_642 : i32 to vector<16xi32>
      %gather3A_644 = arith.constant 0 : i32
      %gather3A_645 = arith.constant 0 : i32
      %gather3A_646 = tpu.memref_slice %arg12[%scan3A_453, %gather3A_644, %gather3A_645] : memref<2x8x4096xf32, #tpu.memory_space<vmem>> -> memref<1x8x4096xf32, #tpu.memory_space<vmem>>
      %gather3A_647 = tpu.memref_squeeze %gather3A_646 : memref<1x8x4096xf32, #tpu.memory_space<vmem>> -> memref<8x4096xf32, #tpu.memory_space<vmem>>
      %gather3A_648 = tpu.vector_load_idx %gather3A_647[%broadcast_in_dim3A_643, %and3A_622] : memref<8x4096xf32, #tpu.memory_space<vmem>>[vector<16xi32>, vector<16xi32>], vector<16xf32>,
      %broadcast_in_dim3A_649 = arith.constant 2 : i32
      %broadcast_in_dim3A_650 = vector.broadcast %broadcast_in_dim3A_649 : i32 to vector<16xi32>
      %gather3A_651 = arith.constant 0 : i32
      %gather3A_652 = arith.constant 0 : i32
      %gather3A_653 = tpu.memref_slice %arg12[%scan3A_453, %gather3A_651, %gather3A_652] : memref<2x8x4096xf32, #tpu.memory_space<vmem>> -> memref<1x8x4096xf32, #tpu.memory_space<vmem>>
      %gather3A_654 = tpu.memref_squeeze %gather3A_653 : memref<1x8x4096xf32, #tpu.memory_space<vmem>> -> memref<8x4096xf32, #tpu.memory_space<vmem>>
      %gather3A_655 = tpu.vector_load_idx %gather3A_654[%broadcast_in_dim3A_650, %and3A_622] : memref<8x4096xf32, #tpu.memory_space<vmem>>[vector<16xi32>, vector<16xi32>], vector<16xf32>,
      %broadcast_in_dim3A_656 = arith.constant 3 : i32
      %broadcast_in_dim3A_657 = vector.broadcast %broadcast_in_dim3A_656 : i32 to vector<16xi32>
      %gather3A_658 = arith.constant 0 : i32
      %gather3A_659 = arith.constant 0 : i32
      %gather3A_660 = tpu.memref_slice %arg12[%scan3A_453, %gather3A_658, %gather3A_659] : memref<2x8x4096xf32, #tpu.memory_space<vmem>> -> memref<1x8x4096xf32, #tpu.memory_space<vmem>>
      %gather3A_661 = tpu.memref_squeeze %gather3A_660 : memref<1x8x4096xf32, #tpu.memory_space<vmem>> -> memref<8x4096xf32, #tpu.memory_space<vmem>>
      %gather3A_662 = tpu.vector_load_idx %gather3A_661[%broadcast_in_dim3A_657, %and3A_622] : memref<8x4096xf32, #tpu.memory_space<vmem>>[vector<16xi32>, vector<16xi32>], vector<16xf32>,
      %broadcast_in_dim3A_663 = arith.constant 4 : i32
      %broadcast_in_dim3A_664 = vector.broadcast %broadcast_in_dim3A_663 : i32 to vector<16xi32>
      %gather3A_665 = arith.constant 0 : i32
      %gather3A_666 = arith.constant 0 : i32
      %gather3A_667 = tpu.memref_slice %arg12[%scan3A_453, %gather3A_665, %gather3A_666] : memref<2x8x4096xf32, #tpu.memory_space<vmem>> -> memref<1x8x4096xf32, #tpu.memory_space<vmem>>
      %gather3A_668 = tpu.memref_squeeze %gather3A_667 : memref<1x8x4096xf32, #tpu.memory_space<vmem>> -> memref<8x4096xf32, #tpu.memory_space<vmem>>
      %gather3A_669 = tpu.vector_load_idx %gather3A_668[%broadcast_in_dim3A_664, %and3A_622] : memref<8x4096xf32, #tpu.memory_space<vmem>>[vector<16xi32>, vector<16xi32>], vector<16xf32>,
      %broadcast_in_dim3A_670 = arith.constant 5 : i32
      %broadcast_in_dim3A_671 = vector.broadcast %broadcast_in_dim3A_670 : i32 to vector<16xi32>
      %gather3A_672 = arith.constant 0 : i32
      %gather3A_673 = arith.constant 0 : i32
      %gather3A_674 = tpu.memref_slice %arg12[%scan3A_453, %gather3A_672, %gather3A_673] : memref<2x8x4096xf32, #tpu.memory_space<vmem>> -> memref<1x8x4096xf32, #tpu.memory_space<vmem>>
      %gather3A_675 = tpu.memref_squeeze %gather3A_674 : memref<1x8x4096xf32, #tpu.memory_space<vmem>> -> memref<8x4096xf32, #tpu.memory_space<vmem>>
      %gather3A_676 = tpu.vector_load_idx %gather3A_675[%broadcast_in_dim3A_671, %and3A_622] : memref<8x4096xf32, #tpu.memory_space<vmem>>[vector<16xi32>, vector<16xi32>], vector<16xf32>,
      %broadcast_in_dim3A_677 = arith.constant 6 : i32
      %broadcast_in_dim3A_678 = vector.broadcast %broadcast_in_dim3A_677 : i32 to vector<16xi32>
      %gather3A_679 = arith.constant 0 : i32
      %gather3A_680 = arith.constant 0 : i32
      %gather3A_681 = tpu.memref_slice %arg12[%scan3A_453, %gather3A_679, %gather3A_680] : memref<2x8x4096xf32, #tpu.memory_space<vmem>> -> memref<1x8x4096xf32, #tpu.memory_space<vmem>>
      %gather3A_682 = tpu.memref_squeeze %gather3A_681 : memref<1x8x4096xf32, #tpu.memory_space<vmem>> -> memref<8x4096xf32, #tpu.memory_space<vmem>>
      %gather3A_683 = tpu.vector_load_idx %gather3A_682[%broadcast_in_dim3A_678, %and3A_622] : memref<8x4096xf32, #tpu.memory_space<vmem>>[vector<16xi32>, vector<16xi32>], vector<16xf32>,
      %broadcast_in_dim3A_684 = arith.constant 7 : i32
      %broadcast_in_dim3A_685 = vector.broadcast %broadcast_in_dim3A_684 : i32 to vector<16xi32>
      %gather3A_686 = arith.constant 0 : i32
      %gather3A_687 = arith.constant 0 : i32
      %gather3A_688 = tpu.memref_slice %arg12[%scan3A_453, %gather3A_686, %gather3A_687] : memref<2x8x4096xf32, #tpu.memory_space<vmem>> -> memref<1x8x4096xf32, #tpu.memory_space<vmem>>
      %gather3A_689 = tpu.memref_squeeze %gather3A_688 : memref<1x8x4096xf32, #tpu.memory_space<vmem>> -> memref<8x4096xf32, #tpu.memory_space<vmem>>
      %gather3A_690 = tpu.vector_load_idx %gather3A_689[%broadcast_in_dim3A_685, %and3A_622] : memref<8x4096xf32, #tpu.memory_space<vmem>>[vector<16xi32>, vector<16xi32>], vector<16xf32>,
      %add3A_691 = arith.constant 1 : i32
      %add3A_692 = arith.addi %scan3A_618, %add3A_691 : i32
      %mul3A_693 = arith.constant 16 : i32
      %mul3A_694 = arith.muli %add3A_692, %mul3A_693 : i32
      %get3A_695 = arith.index_cast %mul3A_694 : i32 to index
      %get3A_696 = tpu.vector_load %arg11[%get3A_695] {strides = array<i32>} : memref<4112xi32, #tpu.memory_space<vmem>>, vector<16xi32>,
      %select_n3A_697 = arith.select %ne3A_634, %gather3A_641, %broadcast_in_dim3A_450 : vector<16xi1>, vector<16xf32>
      %select_n3A_698 = arith.select %ne3A_628, %gather3A_400, %select_n3A_697 : vector<16xi1>, vector<16xf32>
      %sub3A_699 = arith.constant 0 : i32
      %sub3A_700 = arith.subi %scan3A_618, %sub3A_699 : i32
      %mul3A_701 = arith.constant 16 : i32
      %mul3A_702 = arith.muli %sub3A_700, %mul3A_701 : i32
      %swap3A_703 = arith.constant 0 : i32
      %swap3A_704 = arith.index_cast %swap3A_703 : i32 to index
      %swap3A_705 = arith.index_cast %mul3A_702 : i32 to index
      %swap3A_706 = tpu.vector_load %arg13[%swap3A_704, %swap3A_705] {strides = array<i32>} : memref<8x2048xf32, #tpu.memory_space<vmem>>, vector<16xf32>,
      tpu.vector_store %arg13[%swap3A_704, %swap3A_705], %select_n3A_698 {strides = array<i32>} : memref<8x2048xf32, #tpu.memory_space<vmem>>, vector<16xf32>,
      %select_n3A_707 = arith.select %ne3A_634, %gather3A_648, %broadcast_in_dim3A_450 : vector<16xi1>, vector<16xf32>
      %select_n3A_708 = arith.select %ne3A_628, %gather3A_406, %select_n3A_707 : vector<16xi1>, vector<16xf32>
      %sub3A_709 = arith.constant 0 : i32
      %sub3A_710 = arith.subi %scan3A_618, %sub3A_709 : i32
      %mul3A_711 = arith.constant 16 : i32
      %mul3A_712 = arith.muli %sub3A_710, %mul3A_711 : i32
      %swap3A_713 = arith.constant 1 : i32
      %swap3A_714 = arith.index_cast %swap3A_713 : i32 to index
      %swap3A_715 = arith.index_cast %mul3A_712 : i32 to index
      %swap3A_716 = tpu.vector_load %arg13[%swap3A_714, %swap3A_715] {strides = array<i32>} : memref<8x2048xf32, #tpu.memory_space<vmem>>, vector<16xf32>,
      tpu.vector_store %arg13[%swap3A_714, %swap3A_715], %select_n3A_708 {strides = array<i32>} : memref<8x2048xf32, #tpu.memory_space<vmem>>, vector<16xf32>,
      %select_n3A_717 = arith.select %ne3A_634, %gather3A_655, %broadcast_in_dim3A_450 : vector<16xi1>, vector<16xf32>
      %select_n3A_718 = arith.select %ne3A_628, %gather3A_412, %select_n3A_717 : vector<16xi1>, vector<16xf32>
      %sub3A_719 = arith.constant 0 : i32
      %sub3A_720 = arith.subi %scan3A_618, %sub3A_719 : i32
      %mul3A_721 = arith.constant 16 : i32
      %mul3A_722 = arith.muli %sub3A_720, %mul3A_721 : i32
      %swap3A_723 = arith.constant 2 : i32
      %swap3A_724 = arith.index_cast %swap3A_723 : i32 to index
      %swap3A_725 = arith.index_cast %mul3A_722 : i32 to index
      %swap3A_726 = tpu.vector_load %arg13[%swap3A_724, %swap3A_725] {strides = array<i32>} : memref<8x2048xf32, #tpu.memory_space<vmem>>, vector<16xf32>,
      tpu.vector_store %arg13[%swap3A_724, %swap3A_725], %select_n3A_718 {strides = array<i32>} : memref<8x2048xf32, #tpu.memory_space<vmem>>, vector<16xf32>,
      %select_n3A_727 = arith.select %ne3A_634, %gather3A_662, %broadcast_in_dim3A_450 : vector<16xi1>, vector<16xf32>
      %select_n3A_728 = arith.select %ne3A_628, %gather3A_418, %select_n3A_727 : vector<16xi1>, vector<16xf32>
      %sub3A_729 = arith.constant 0 : i32
      %sub3A_730 = arith.subi %scan3A_618, %sub3A_729 : i32
      %mul3A_731 = arith.constant 16 : i32
      %mul3A_732 = arith.muli %sub3A_730, %mul3A_731 : i32
      %swap3A_733 = arith.constant 3 : i32
      %swap3A_734 = arith.index_cast %swap3A_733 : i32 to index
      %swap3A_735 = arith.index_cast %mul3A_732 : i32 to index
      %swap3A_736 = tpu.vector_load %arg13[%swap3A_734, %swap3A_735] {strides = array<i32>} : memref<8x2048xf32, #tpu.memory_space<vmem>>, vector<16xf32>,
      tpu.vector_store %arg13[%swap3A_734, %swap3A_735], %select_n3A_728 {strides = array<i32>} : memref<8x2048xf32, #tpu.memory_space<vmem>>, vector<16xf32>,
      %select_n3A_737 = arith.select %ne3A_634, %gather3A_669, %broadcast_in_dim3A_450 : vector<16xi1>, vector<16xf32>
      %select_n3A_738 = arith.select %ne3A_628, %gather3A_424, %select_n3A_737 : vector<16xi1>, vector<16xf32>
      %sub3A_739 = arith.constant 0 : i32
      %sub3A_740 = arith.subi %scan3A_618, %sub3A_739 : i32
      %mul3A_741 = arith.constant 16 : i32
      %mul3A_742 = arith.muli %sub3A_740, %mul3A_741 : i32
      %swap3A_743 = arith.constant 4 : i32
      %swap3A_744 = arith.index_cast %swap3A_743 : i32 to index
      %swap3A_745 = arith.index_cast %mul3A_742 : i32 to index
      %swap3A_746 = tpu.vector_load %arg13[%swap3A_744, %swap3A_745] {strides = array<i32>} : memref<8x2048xf32, #tpu.memory_space<vmem>>, vector<16xf32>,
      tpu.vector_store %arg13[%swap3A_744, %swap3A_745], %select_n3A_738 {strides = array<i32>} : memref<8x2048xf32, #tpu.memory_space<vmem>>, vector<16xf32>,
      %select_n3A_747 = arith.select %ne3A_634, %gather3A_676, %broadcast_in_dim3A_450 : vector<16xi1>, vector<16xf32>
      %select_n3A_748 = arith.select %ne3A_628, %gather3A_430, %select_n3A_747 : vector<16xi1>, vector<16xf32>
      %sub3A_749 = arith.constant 0 : i32
      %sub3A_750 = arith.subi %scan3A_618, %sub3A_749 : i32
      %mul3A_751 = arith.constant 16 : i32
      %mul3A_752 = arith.muli %sub3A_750, %mul3A_751 : i32
      %swap3A_753 = arith.constant 5 : i32
      %swap3A_754 = arith.index_cast %swap3A_753 : i32 to index
      %swap3A_755 = arith.index_cast %mul3A_752 : i32 to index
      %swap3A_756 = tpu.vector_load %arg13[%swap3A_754, %swap3A_755] {strides = array<i32>} : memref<8x2048xf32, #tpu.memory_space<vmem>>, vector<16xf32>,
      tpu.vector_store %arg13[%swap3A_754, %swap3A_755], %select_n3A_748 {strides = array<i32>} : memref<8x2048xf32, #tpu.memory_space<vmem>>, vector<16xf32>,
      %select_n3A_757 = arith.select %ne3A_634, %gather3A_683, %broadcast_in_dim3A_450 : vector<16xi1>, vector<16xf32>
      %select_n3A_758 = arith.select %ne3A_628, %gather3A_436, %select_n3A_757 : vector<16xi1>, vector<16xf32>
      %sub3A_759 = arith.constant 0 : i32
      %sub3A_760 = arith.subi %scan3A_618, %sub3A_759 : i32
      %mul3A_761 = arith.constant 16 : i32
      %mul3A_762 = arith.muli %sub3A_760, %mul3A_761 : i32
      %swap3A_763 = arith.constant 6 : i32
      %swap3A_764 = arith.index_cast %swap3A_763 : i32 to index
      %swap3A_765 = arith.index_cast %mul3A_762 : i32 to index
      %swap3A_766 = tpu.vector_load %arg13[%swap3A_764, %swap3A_765] {strides = array<i32>} : memref<8x2048xf32, #tpu.memory_space<vmem>>, vector<16xf32>,
      tpu.vector_store %arg13[%swap3A_764, %swap3A_765], %select_n3A_758 {strides = array<i32>} : memref<8x2048xf32, #tpu.memory_space<vmem>>, vector<16xf32>,
      %select_n3A_767 = arith.select %ne3A_634, %gather3A_690, %broadcast_in_dim3A_450 : vector<16xi1>, vector<16xf32>
      %select_n3A_768 = arith.select %ne3A_628, %gather3A_442, %select_n3A_767 : vector<16xi1>, vector<16xf32>
      %sub3A_769 = arith.constant 0 : i32
      %sub3A_770 = arith.subi %scan3A_618, %sub3A_769 : i32
      %mul3A_771 = arith.constant 16 : i32
      %mul3A_772 = arith.muli %sub3A_770, %mul3A_771 : i32
      %swap3A_773 = arith.constant 7 : i32
      %swap3A_774 = arith.index_cast %swap3A_773 : i32 to index
      %swap3A_775 = arith.index_cast %mul3A_772 : i32 to index
      %swap3A_776 = tpu.vector_load %arg13[%swap3A_774, %swap3A_775] {strides = array<i32>} : memref<8x2048xf32, #tpu.memory_space<vmem>>, vector<16xf32>,
      tpu.vector_store %arg13[%swap3A_774, %swap3A_775], %select_n3A_768 {strides = array<i32>} : memref<8x2048xf32, #tpu.memory_space<vmem>>, vector<16xf32>,
      scf.yield %get3A_696 : vector<16xi32>
    }
    %scan3A_459 = arith.constant 128 : i32
    %add3A_460 = arith.constant 16 : i32
    %add3A_461 = arith.addi %mul3A_32, %add3A_460 : i32
    %dma_start3A_462 = arith.constant 0 : i32
    %dma_start3A_463 = tpu.memref_slice %arg6[%select_n3A, %add3A_461, %dma_start3A_462] : memref<16x64x4096xf32, #tpu.memory_space<hbm>> -> memref<1x8x2048xf32, #tpu.memory_space<hbm>>
    %dma_start3A_464 = tpu.memref_squeeze %dma_start3A_463 : memref<1x8x2048xf32, #tpu.memory_space<hbm>> -> memref<8x2048xf32, #tpu.memory_space<hbm>>
    %dma_start3A_465 = arith.constant 0 : i32
    %dma_start3A_466 = tpu.memref_slice %arg6[%select_n3A, %add3A_461, %dma_start3A_465] : memref<16x64x4096xf32, #tpu.memory_space<hbm>> -> memref<1x8x2048xf32, #tpu.memory_space<hbm>>
    %dma_start3A_467 = tpu.memref_squeeze %dma_start3A_466 : memref<1x8x2048xf32, #tpu.memory_space<hbm>> -> memref<8x2048xf32, #tpu.memory_space<hbm>>
    tpu.enqueue_dma source(%arg13 : memref<8x2048xf32, #tpu.memory_space<vmem>>) target(%dma_start3A_467 : memref<8x2048xf32, #tpu.memory_space<hbm>>) target_semaphore(%arg19 : memref<!tpu.dma_semaphore, #tpu.memory_space<semaphore_mem>>)
    %dma_wait3A_468 = arith.constant 2048 : i32
    %dma_wait3A_469 = tpu.memref_slice %arg6[%select_n3A, %add3A_356, %dma_wait3A_468] : memref<16x64x4096xf32, #tpu.memory_space<hbm>> -> memref<1x8x2048xf32, #tpu.memory_space<hbm>>
    %dma_wait3A_470 = tpu.memref_squeeze %dma_wait3A_469 : memref<1x8x2048xf32, #tpu.memory_space<hbm>> -> memref<8x2048xf32, #tpu.memory_space<hbm>>
    %dma_wait3A_471 = arith.constant 2048 : i32
    %dma_wait3A_472 = tpu.memref_slice %arg6[%select_n3A, %add3A_356, %dma_wait3A_471] : memref<16x64x4096xf32, #tpu.memory_space<hbm>> -> memref<1x8x2048xf32, #tpu.memory_space<hbm>>
    %dma_wait3A_473 = tpu.memref_squeeze %dma_wait3A_472 : memref<1x8x2048xf32, #tpu.memory_space<hbm>> -> memref<8x2048xf32, #tpu.memory_space<hbm>>
    tpu.wait_dma2 semaphore(%arg20 : memref<!tpu.dma_semaphore, #tpu.memory_space<semaphore_mem>>) src(%arg14 : memref<8x2048xf32, #tpu.memory_space<vmem>>) dst(%dma_wait3A_473 : memref<8x2048xf32, #tpu.memory_space<hbm>>)
    %broadcast_in_dim3A_474 = arith.constant 0.000000e+00 : f32
    %broadcast_in_dim3A_475 = vector.broadcast %broadcast_in_dim3A_474 : f32 to vector<16xf32>
    %get3A_476 = arith.constant 2048 : index
    %get3A_477 = tpu.vector_load %arg11[%get3A_476] {strides = array<i32>} : memref<4112xi32, #tpu.memory_space<vmem>>, vector<16xi32>,
    %scan3A_478 = arith.constant 0 : i32
    %scan3A_479 = arith.constant 128 : i32
    %scan3A_480 = arith.constant 128 : i32
    %scan3A_481 = arith.addi %scan3A_479, %scan3A_480 : i32
    %scan3A_482 = arith.constant 1 : i32
    %scan3A_483 = scf.for %scan3A_618 = %scan3A_479 to %scan3A_481 step %scan3A_482 iter_args(%scan3A_619 = %get3A_477) -> (vector<16xi32>)  : i32 {
      %and3A_620 = arith.constant 8191 : i32
      %and3A_621 = vector.broadcast %and3A_620 : i32 to vector<16xi32>
      %and3A_622 = arith.andi %scan3A_619, %and3A_621 : vector<16xi32>
      %and3A_623 = arith.constant 16384 : i32
      %and3A_624 = vector.broadcast %and3A_623 : i32 to vector<16xi32>
      %and3A_625 = arith.andi %scan3A_619, %and3A_624 : vector<16xi32>
      %ne3A_626 = arith.constant 0 : i32
      %ne3A_627 = vector.broadcast %ne3A_626 : i32 to vector<16xi32>
      %ne3A_628 = arith.cmpi ne, %and3A_625, %ne3A_627 : vector<16xi32>
      %and3A_629 = arith.constant 8192 : i32
      %and3A_630 = vector.broadcast %and3A_629 : i32 to vector<16xi32>
      %and3A_631 = arith.andi %scan3A_619, %and3A_630 : vector<16xi32>
      %ne3A_632 = arith.constant 0 : i32
      %ne3A_633 = vector.broadcast %ne3A_632 : i32 to vector<16xi32>
      %ne3A_634 = arith.cmpi ne, %and3A_631, %ne3A_633 : vector<16xi32>
      %broadcast_in_dim3A_635 = arith.constant 0 : i32
      %broadcast_in_dim3A_636 = vector.broadcast %broadcast_in_dim3A_635 : i32 to vector<16xi32>
      %gather3A_637 = arith.constant 0 : i32
      %gather3A_638 = arith.constant 0 : i32
      %gather3A_639 = tpu.memref_slice %arg12[%scan3A_478, %gather3A_637, %gather3A_638] : memref<2x8x4096xf32, #tpu.memory_space<vmem>> -> memref<1x8x4096xf32, #tpu.memory_space<vmem>>
      %gather3A_640 = tpu.memref_squeeze %gather3A_639 : memref<1x8x4096xf32, #tpu.memory_space<vmem>> -> memref<8x4096xf32, #tpu.memory_space<vmem>>
      %gather3A_641 = tpu.vector_load_idx %gather3A_640[%broadcast_in_dim3A_636, %and3A_622] : memref<8x4096xf32, #tpu.memory_space<vmem>>[vector<16xi32>, vector<16xi32>], vector<16xf32>,
      %broadcast_in_dim3A_642 = arith.constant 1 : i32
      %broadcast_in_dim3A_643 = vector.broadcast %broadcast_in_dim3A_642 : i32 to vector<16xi32>
      %gather3A_644 = arith.constant 0 : i32
      %gather3A_645 = arith.constant 0 : i32
      %gather3A_646 = tpu.memref_slice %arg12[%scan3A_478, %gather3A_644, %gather3A_645] : memref<2x8x4096xf32, #tpu.memory_space<vmem>> -> memref<1x8x4096xf32, #tpu.memory_space<vmem>>
      %gather3A_647 = tpu.memref_squeeze %gather3A_646 : memref<1x8x4096xf32, #tpu.memory_space<vmem>> -> memref<8x4096xf32, #tpu.memory_space<vmem>>
      %gather3A_648 = tpu.vector_load_idx %gather3A_647[%broadcast_in_dim3A_643, %and3A_622] : memref<8x4096xf32, #tpu.memory_space<vmem>>[vector<16xi32>, vector<16xi32>], vector<16xf32>,
      %broadcast_in_dim3A_649 = arith.constant 2 : i32
      %broadcast_in_dim3A_650 = vector.broadcast %broadcast_in_dim3A_649 : i32 to vector<16xi32>
      %gather3A_651 = arith.constant 0 : i32
      %gather3A_652 = arith.constant 0 : i32
      %gather3A_653 = tpu.memref_slice %arg12[%scan3A_478, %gather3A_651, %gather3A_652] : memref<2x8x4096xf32, #tpu.memory_space<vmem>> -> memref<1x8x4096xf32, #tpu.memory_space<vmem>>
      %gather3A_654 = tpu.memref_squeeze %gather3A_653 : memref<1x8x4096xf32, #tpu.memory_space<vmem>> -> memref<8x4096xf32, #tpu.memory_space<vmem>>
      %gather3A_655 = tpu.vector_load_idx %gather3A_654[%broadcast_in_dim3A_650, %and3A_622] : memref<8x4096xf32, #tpu.memory_space<vmem>>[vector<16xi32>, vector<16xi32>], vector<16xf32>,
      %broadcast_in_dim3A_656 = arith.constant 3 : i32
      %broadcast_in_dim3A_657 = vector.broadcast %broadcast_in_dim3A_656 : i32 to vector<16xi32>
      %gather3A_658 = arith.constant 0 : i32
      %gather3A_659 = arith.constant 0 : i32
      %gather3A_660 = tpu.memref_slice %arg12[%scan3A_478, %gather3A_658, %gather3A_659] : memref<2x8x4096xf32, #tpu.memory_space<vmem>> -> memref<1x8x4096xf32, #tpu.memory_space<vmem>>
      %gather3A_661 = tpu.memref_squeeze %gather3A_660 : memref<1x8x4096xf32, #tpu.memory_space<vmem>> -> memref<8x4096xf32, #tpu.memory_space<vmem>>
      %gather3A_662 = tpu.vector_load_idx %gather3A_661[%broadcast_in_dim3A_657, %and3A_622] : memref<8x4096xf32, #tpu.memory_space<vmem>>[vector<16xi32>, vector<16xi32>], vector<16xf32>,
      %broadcast_in_dim3A_663 = arith.constant 4 : i32
      %broadcast_in_dim3A_664 = vector.broadcast %broadcast_in_dim3A_663 : i32 to vector<16xi32>
      %gather3A_665 = arith.constant 0 : i32
      %gather3A_666 = arith.constant 0 : i32
      %gather3A_667 = tpu.memref_slice %arg12[%scan3A_478, %gather3A_665, %gather3A_666] : memref<2x8x4096xf32, #tpu.memory_space<vmem>> -> memref<1x8x4096xf32, #tpu.memory_space<vmem>>
      %gather3A_668 = tpu.memref_squeeze %gather3A_667 : memref<1x8x4096xf32, #tpu.memory_space<vmem>> -> memref<8x4096xf32, #tpu.memory_space<vmem>>
      %gather3A_669 = tpu.vector_load_idx %gather3A_668[%broadcast_in_dim3A_664, %and3A_622] : memref<8x4096xf32, #tpu.memory_space<vmem>>[vector<16xi32>, vector<16xi32>], vector<16xf32>,
      %broadcast_in_dim3A_670 = arith.constant 5 : i32
      %broadcast_in_dim3A_671 = vector.broadcast %broadcast_in_dim3A_670 : i32 to vector<16xi32>
      %gather3A_672 = arith.constant 0 : i32
      %gather3A_673 = arith.constant 0 : i32
      %gather3A_674 = tpu.memref_slice %arg12[%scan3A_478, %gather3A_672, %gather3A_673] : memref<2x8x4096xf32, #tpu.memory_space<vmem>> -> memref<1x8x4096xf32, #tpu.memory_space<vmem>>
      %gather3A_675 = tpu.memref_squeeze %gather3A_674 : memref<1x8x4096xf32, #tpu.memory_space<vmem>> -> memref<8x4096xf32, #tpu.memory_space<vmem>>
      %gather3A_676 = tpu.vector_load_idx %gather3A_675[%broadcast_in_dim3A_671, %and3A_622] : memref<8x4096xf32, #tpu.memory_space<vmem>>[vector<16xi32>, vector<16xi32>], vector<16xf32>,
      %broadcast_in_dim3A_677 = arith.constant 6 : i32
      %broadcast_in_dim3A_678 = vector.broadcast %broadcast_in_dim3A_677 : i32 to vector<16xi32>
      %gather3A_679 = arith.constant 0 : i32
      %gather3A_680 = arith.constant 0 : i32
      %gather3A_681 = tpu.memref_slice %arg12[%scan3A_478, %gather3A_679, %gather3A_680] : memref<2x8x4096xf32, #tpu.memory_space<vmem>> -> memref<1x8x4096xf32, #tpu.memory_space<vmem>>
      %gather3A_682 = tpu.memref_squeeze %gather3A_681 : memref<1x8x4096xf32, #tpu.memory_space<vmem>> -> memref<8x4096xf32, #tpu.memory_space<vmem>>
      %gather3A_683 = tpu.vector_load_idx %gather3A_682[%broadcast_in_dim3A_678, %and3A_622] : memref<8x4096xf32, #tpu.memory_space<vmem>>[vector<16xi32>, vector<16xi32>], vector<16xf32>,
      %broadcast_in_dim3A_684 = arith.constant 7 : i32
      %broadcast_in_dim3A_685 = vector.broadcast %broadcast_in_dim3A_684 : i32 to vector<16xi32>
      %gather3A_686 = arith.constant 0 : i32
      %gather3A_687 = arith.constant 0 : i32
      %gather3A_688 = tpu.memref_slice %arg12[%scan3A_478, %gather3A_686, %gather3A_687] : memref<2x8x4096xf32, #tpu.memory_space<vmem>> -> memref<1x8x4096xf32, #tpu.memory_space<vmem>>
      %gather3A_689 = tpu.memref_squeeze %gather3A_688 : memref<1x8x4096xf32, #tpu.memory_space<vmem>> -> memref<8x4096xf32, #tpu.memory_space<vmem>>
      %gather3A_690 = tpu.vector_load_idx %gather3A_689[%broadcast_in_dim3A_685, %and3A_622] : memref<8x4096xf32, #tpu.memory_space<vmem>>[vector<16xi32>, vector<16xi32>], vector<16xf32>,
      %add3A_691 = arith.constant 1 : i32
      %add3A_692 = arith.addi %scan3A_618, %add3A_691 : i32
      %mul3A_693 = arith.constant 16 : i32
      %mul3A_694 = arith.muli %add3A_692, %mul3A_693 : i32
      %get3A_695 = arith.index_cast %mul3A_694 : i32 to index
      %get3A_696 = tpu.vector_load %arg11[%get3A_695] {strides = array<i32>} : memref<4112xi32, #tpu.memory_space<vmem>>, vector<16xi32>,
      %select_n3A_697 = arith.select %ne3A_634, %gather3A_641, %broadcast_in_dim3A_475 : vector<16xi1>, vector<16xf32>
      %select_n3A_698 = arith.select %ne3A_628, %gather3A_400, %select_n3A_697 : vector<16xi1>, vector<16xf32>
      %sub3A_699 = arith.constant 128 : i32
      %sub3A_700 = arith.subi %scan3A_618, %sub3A_699 : i32
      %mul3A_701 = arith.constant 16 : i32
      %mul3A_702 = arith.muli %sub3A_700, %mul3A_701 : i32
      %swap3A_703 = arith.constant 0 : i32
      %swap3A_704 = arith.index_cast %swap3A_703 : i32 to index
      %swap3A_705 = arith.index_cast %mul3A_702 : i32 to index
      %swap3A_706 = tpu.vector_load %arg14[%swap3A_704, %swap3A_705] {strides = array<i32>} : memref<8x2048xf32, #tpu.memory_space<vmem>>, vector<16xf32>,
      tpu.vector_store %arg14[%swap3A_704, %swap3A_705], %select_n3A_698 {strides = array<i32>} : memref<8x2048xf32, #tpu.memory_space<vmem>>, vector<16xf32>,
      %select_n3A_707 = arith.select %ne3A_634, %gather3A_648, %broadcast_in_dim3A_475 : vector<16xi1>, vector<16xf32>
      %select_n3A_708 = arith.select %ne3A_628, %gather3A_406, %select_n3A_707 : vector<16xi1>, vector<16xf32>
      %sub3A_709 = arith.constant 128 : i32
      %sub3A_710 = arith.subi %scan3A_618, %sub3A_709 : i32
      %mul3A_711 = arith.constant 16 : i32
      %mul3A_712 = arith.muli %sub3A_710, %mul3A_711 : i32
      %swap3A_713 = arith.constant 1 : i32
      %swap3A_714 = arith.index_cast %swap3A_713 : i32 to index
      %swap3A_715 = arith.index_cast %mul3A_712 : i32 to index
      %swap3A_716 = tpu.vector_load %arg14[%swap3A_714, %swap3A_715] {strides = array<i32>} : memref<8x2048xf32, #tpu.memory_space<vmem>>, vector<16xf32>,
      tpu.vector_store %arg14[%swap3A_714, %swap3A_715], %select_n3A_708 {strides = array<i32>} : memref<8x2048xf32, #tpu.memory_space<vmem>>, vector<16xf32>,
      %select_n3A_717 = arith.select %ne3A_634, %gather3A_655, %broadcast_in_dim3A_475 : vector<16xi1>, vector<16xf32>
      %select_n3A_718 = arith.select %ne3A_628, %gather3A_412, %select_n3A_717 : vector<16xi1>, vector<16xf32>
      %sub3A_719 = arith.constant 128 : i32
      %sub3A_720 = arith.subi %scan3A_618, %sub3A_719 : i32
      %mul3A_721 = arith.constant 16 : i32
      %mul3A_722 = arith.muli %sub3A_720, %mul3A_721 : i32
      %swap3A_723 = arith.constant 2 : i32
      %swap3A_724 = arith.index_cast %swap3A_723 : i32 to index
      %swap3A_725 = arith.index_cast %mul3A_722 : i32 to index
      %swap3A_726 = tpu.vector_load %arg14[%swap3A_724, %swap3A_725] {strides = array<i32>} : memref<8x2048xf32, #tpu.memory_space<vmem>>, vector<16xf32>,
      tpu.vector_store %arg14[%swap3A_724, %swap3A_725], %select_n3A_718 {strides = array<i32>} : memref<8x2048xf32, #tpu.memory_space<vmem>>, vector<16xf32>,
      %select_n3A_727 = arith.select %ne3A_634, %gather3A_662, %broadcast_in_dim3A_475 : vector<16xi1>, vector<16xf32>
      %select_n3A_728 = arith.select %ne3A_628, %gather3A_418, %select_n3A_727 : vector<16xi1>, vector<16xf32>
      %sub3A_729 = arith.constant 128 : i32
      %sub3A_730 = arith.subi %scan3A_618, %sub3A_729 : i32
      %mul3A_731 = arith.constant 16 : i32
      %mul3A_732 = arith.muli %sub3A_730, %mul3A_731 : i32
      %swap3A_733 = arith.constant 3 : i32
      %swap3A_734 = arith.index_cast %swap3A_733 : i32 to index
      %swap3A_735 = arith.index_cast %mul3A_732 : i32 to index
      %swap3A_736 = tpu.vector_load %arg14[%swap3A_734, %swap3A_735] {strides = array<i32>} : memref<8x2048xf32, #tpu.memory_space<vmem>>, vector<16xf32>,
      tpu.vector_store %arg14[%swap3A_734, %swap3A_735], %select_n3A_728 {strides = array<i32>} : memref<8x2048xf32, #tpu.memory_space<vmem>>, vector<16xf32>,
      %select_n3A_737 = arith.select %ne3A_634, %gather3A_669, %broadcast_in_dim3A_475 : vector<16xi1>, vector<16xf32>
      %select_n3A_738 = arith.select %ne3A_628, %gather3A_424, %select_n3A_737 : vector<16xi1>, vector<16xf32>
      %sub3A_739 = arith.constant 128 : i32
      %sub3A_740 = arith.subi %scan3A_618, %sub3A_739 : i32
      %mul3A_741 = arith.constant 16 : i32
      %mul3A_742 = arith.muli %sub3A_740, %mul3A_741 : i32
      %swap3A_743 = arith.constant 4 : i32
      %swap3A_744 = arith.index_cast %swap3A_743 : i32 to index
      %swap3A_745 = arith.index_cast %mul3A_742 : i32 to index
      %swap3A_746 = tpu.vector_load %arg14[%swap3A_744, %swap3A_745] {strides = array<i32>} : memref<8x2048xf32, #tpu.memory_space<vmem>>, vector<16xf32>,
      tpu.vector_store %arg14[%swap3A_744, %swap3A_745], %select_n3A_738 {strides = array<i32>} : memref<8x2048xf32, #tpu.memory_space<vmem>>, vector<16xf32>,
      %select_n3A_747 = arith.select %ne3A_634, %gather3A_676, %broadcast_in_dim3A_475 : vector<16xi1>, vector<16xf32>
      %select_n3A_748 = arith.select %ne3A_628, %gather3A_430, %select_n3A_747 : vector<16xi1>, vector<16xf32>
      %sub3A_749 = arith.constant 128 : i32
      %sub3A_750 = arith.subi %scan3A_618, %sub3A_749 : i32
      %mul3A_751 = arith.constant 16 : i32
      %mul3A_752 = arith.muli %sub3A_750, %mul3A_751 : i32
      %swap3A_753 = arith.constant 5 : i32
      %swap3A_754 = arith.index_cast %swap3A_753 : i32 to index
      %swap3A_755 = arith.index_cast %mul3A_752 : i32 to index
      %swap3A_756 = tpu.vector_load %arg14[%swap3A_754, %swap3A_755] {strides = array<i32>} : memref<8x2048xf32, #tpu.memory_space<vmem>>, vector<16xf32>,
      tpu.vector_store %arg14[%swap3A_754, %swap3A_755], %select_n3A_748 {strides = array<i32>} : memref<8x2048xf32, #tpu.memory_space<vmem>>, vector<16xf32>,
      %select_n3A_757 = arith.select %ne3A_634, %gather3A_683, %broadcast_in_dim3A_475 : vector<16xi1>, vector<16xf32>
      %select_n3A_758 = arith.select %ne3A_628, %gather3A_436, %select_n3A_757 : vector<16xi1>, vector<16xf32>
      %sub3A_759 = arith.constant 128 : i32
      %sub3A_760 = arith.subi %scan3A_618, %sub3A_759 : i32
      %mul3A_761 = arith.constant 16 : i32
      %mul3A_762 = arith.muli %sub3A_760, %mul3A_761 : i32
      %swap3A_763 = arith.constant 6 : i32
      %swap3A_764 = arith.index_cast %swap3A_763 : i32 to index
      %swap3A_765 = arith.index_cast %mul3A_762 : i32 to index
      %swap3A_766 = tpu.vector_load %arg14[%swap3A_764, %swap3A_765] {strides = array<i32>} : memref<8x2048xf32, #tpu.memory_space<vmem>>, vector<16xf32>,
      tpu.vector_store %arg14[%swap3A_764, %swap3A_765], %select_n3A_758 {strides = array<i32>} : memref<8x2048xf32, #tpu.memory_space<vmem>>, vector<16xf32>,
      %select_n3A_767 = arith.select %ne3A_634, %gather3A_690, %broadcast_in_dim3A_475 : vector<16xi1>, vector<16xf32>
      %select_n3A_768 = arith.select %ne3A_628, %gather3A_442, %select_n3A_767 : vector<16xi1>, vector<16xf32>
      %sub3A_769 = arith.constant 128 : i32
      %sub3A_770 = arith.subi %scan3A_618, %sub3A_769 : i32
      %mul3A_771 = arith.constant 16 : i32
      %mul3A_772 = arith.muli %sub3A_770, %mul3A_771 : i32
      %swap3A_773 = arith.constant 7 : i32
      %swap3A_774 = arith.index_cast %swap3A_773 : i32 to index
      %swap3A_775 = arith.index_cast %mul3A_772 : i32 to index
      %swap3A_776 = tpu.vector_load %arg14[%swap3A_774, %swap3A_775] {strides = array<i32>} : memref<8x2048xf32, #tpu.memory_space<vmem>>, vector<16xf32>,
      tpu.vector_store %arg14[%swap3A_774, %swap3A_775], %select_n3A_768 {strides = array<i32>} : memref<8x2048xf32, #tpu.memory_space<vmem>>, vector<16xf32>,
      scf.yield %get3A_696 : vector<16xi32>
    }
    %scan3A_484 = arith.constant 128 : i32
    %add3A_485 = arith.constant 16 : i32
    %add3A_486 = arith.addi %mul3A_32, %add3A_485 : i32
    %dma_start3A_487 = arith.constant 2048 : i32
    %dma_start3A_488 = tpu.memref_slice %arg6[%select_n3A, %add3A_486, %dma_start3A_487] : memref<16x64x4096xf32, #tpu.memory_space<hbm>> -> memref<1x8x2048xf32, #tpu.memory_space<hbm>>
    %dma_start3A_489 = tpu.memref_squeeze %dma_start3A_488 : memref<1x8x2048xf32, #tpu.memory_space<hbm>> -> memref<8x2048xf32, #tpu.memory_space<hbm>>
    %dma_start3A_490 = arith.constant 2048 : i32
    %dma_start3A_491 = tpu.memref_slice %arg6[%select_n3A, %add3A_486, %dma_start3A_490] : memref<16x64x4096xf32, #tpu.memory_space<hbm>> -> memref<1x8x2048xf32, #tpu.memory_space<hbm>>
    %dma_start3A_492 = tpu.memref_squeeze %dma_start3A_491 : memref<1x8x2048xf32, #tpu.memory_space<hbm>> -> memref<8x2048xf32, #tpu.memory_space<hbm>>
    tpu.enqueue_dma source(%arg14 : memref<8x2048xf32, #tpu.memory_space<vmem>>) target(%dma_start3A_492 : memref<8x2048xf32, #tpu.memory_space<hbm>>) target_semaphore(%arg20 : memref<!tpu.dma_semaphore, #tpu.memory_space<semaphore_mem>>)
    %dma_wait3A_493 = arith.constant 1 : i32
    %dma_wait3A_494 = arith.constant 0 : i32
    %dma_wait3A_495 = arith.constant 0 : i32
    %dma_wait3A_496 = tpu.memref_slice %arg12[%dma_wait3A_493, %dma_wait3A_494, %dma_wait3A_495] : memref<2x8x4096xf32, #tpu.memory_space<vmem>> -> memref<1x8x4096xf32, #tpu.memory_space<vmem>>
    %dma_wait3A_497 = tpu.memref_squeeze %dma_wait3A_496 : memref<1x8x4096xf32, #tpu.memory_space<vmem>> -> memref<8x4096xf32, #tpu.memory_space<vmem>>
    %dma_wait3A_498 = arith.constant 0 : i32
    %dma_wait3A_499 = tpu.memref_slice %arg2[%select_n3A, %add3A_379, %dma_wait3A_498] : memref<16x64x4096xf32, #tpu.memory_space<hbm>> -> memref<1x8x4096xf32, #tpu.memory_space<hbm>>
    %dma_wait3A_500 = tpu.memref_squeeze %dma_wait3A_499 : memref<1x8x4096xf32, #tpu.memory_space<hbm>> -> memref<8x4096xf32, #tpu.memory_space<hbm>>
    %dma_wait3A_501 = arith.constant 0 : i32
    %dma_wait3A_502 = arith.constant 0 : i32
    %dma_wait3A_503 = tpu.memref_slice %arg12[%dma_wait3A_493, %dma_wait3A_501, %dma_wait3A_502] : memref<2x8x4096xf32, #tpu.memory_space<vmem>> -> memref<1x8x4096xf32, #tpu.memory_space<vmem>>
    %dma_wait3A_504 = tpu.memref_squeeze %dma_wait3A_503 : memref<1x8x4096xf32, #tpu.memory_space<vmem>> -> memref<8x4096xf32, #tpu.memory_space<vmem>>
    %dma_wait3A_505 = arith.constant 0 : i32
    %dma_wait3A_506 = tpu.memref_slice %arg2[%select_n3A, %add3A_379, %dma_wait3A_505] : memref<16x64x4096xf32, #tpu.memory_space<hbm>> -> memref<1x8x4096xf32, #tpu.memory_space<hbm>>
    %dma_wait3A_507 = tpu.memref_squeeze %dma_wait3A_506 : memref<1x8x4096xf32, #tpu.memory_space<hbm>> -> memref<8x4096xf32, #tpu.memory_space<hbm>>
    tpu.wait_dma2 semaphore(%arg18 : memref<!tpu.dma_semaphore, #tpu.memory_space<semaphore_mem>>) src(%dma_wait3A_507 : memref<8x4096xf32, #tpu.memory_space<hbm>>) dst(%dma_wait3A_504 : memref<8x4096xf32, #tpu.memory_space<vmem>>)
    %add3A_508 = arith.constant 24 : i32
    %add3A_509 = arith.addi %mul3A_32, %add3A_508 : i32
    %add3A_510 = arith.constant 0 : i32
    %add3A_511 = arith.addi %add3A_509, %add3A_510 : i32
    %broadcast_in_dim3A_512 = vector.broadcast %add3A_511 : i32 to vector<16xi32>
    %gather3A_513 = tpu.vector_load_idx %arg9[%broadcast_in_dim3A_512] : memref<64xf32, #tpu.memory_space<vmem>>[vector<16xi32>], vector<16xf32>,
    %add3A_514 = arith.constant 24 : i32
    %add3A_515 = arith.addi %mul3A_32, %add3A_514 : i32
    %add3A_516 = arith.constant 1 : i32
    %add3A_517 = arith.addi %add3A_515, %add3A_516 : i32
    %broadcast_in_dim3A_518 = vector.broadcast %add3A_517 : i32 to vector<16xi32>
    %gather3A_519 = tpu.vector_load_idx %arg9[%broadcast_in_dim3A_518] : memref<64xf32, #tpu.memory_space<vmem>>[vector<16xi32>], vector<16xf32>,
    %add3A_520 = arith.constant 24 : i32
    %add3A_521 = arith.addi %mul3A_32, %add3A_520 : i32
    %add3A_522 = arith.constant 2 : i32
    %add3A_523 = arith.addi %add3A_521, %add3A_522 : i32
    %broadcast_in_dim3A_524 = vector.broadcast %add3A_523 : i32 to vector<16xi32>
    %gather3A_525 = tpu.vector_load_idx %arg9[%broadcast_in_dim3A_524] : memref<64xf32, #tpu.memory_space<vmem>>[vector<16xi32>], vector<16xf32>,
    %add3A_526 = arith.constant 24 : i32
    %add3A_527 = arith.addi %mul3A_32, %add3A_526 : i32
    %add3A_528 = arith.constant 3 : i32
    %add3A_529 = arith.addi %add3A_527, %add3A_528 : i32
    %broadcast_in_dim3A_530 = vector.broadcast %add3A_529 : i32 to vector<16xi32>
    %gather3A_531 = tpu.vector_load_idx %arg9[%broadcast_in_dim3A_530] : memref<64xf32, #tpu.memory_space<vmem>>[vector<16xi32>], vector<16xf32>,
    %add3A_532 = arith.constant 24 : i32
    %add3A_533 = arith.addi %mul3A_32, %add3A_532 : i32
    %add3A_534 = arith.constant 4 : i32
    %add3A_535 = arith.addi %add3A_533, %add3A_534 : i32
    %broadcast_in_dim3A_536 = vector.broadcast %add3A_535 : i32 to vector<16xi32>
    %gather3A_537 = tpu.vector_load_idx %arg9[%broadcast_in_dim3A_536] : memref<64xf32, #tpu.memory_space<vmem>>[vector<16xi32>], vector<16xf32>,
    %add3A_538 = arith.constant 24 : i32
    %add3A_539 = arith.addi %mul3A_32, %add3A_538 : i32
    %add3A_540 = arith.constant 5 : i32
    %add3A_541 = arith.addi %add3A_539, %add3A_540 : i32
    %broadcast_in_dim3A_542 = vector.broadcast %add3A_541 : i32 to vector<16xi32>
    %gather3A_543 = tpu.vector_load_idx %arg9[%broadcast_in_dim3A_542] : memref<64xf32, #tpu.memory_space<vmem>>[vector<16xi32>], vector<16xf32>,
    %add3A_544 = arith.constant 24 : i32
    %add3A_545 = arith.addi %mul3A_32, %add3A_544 : i32
    %add3A_546 = arith.constant 6 : i32
    %add3A_547 = arith.addi %add3A_545, %add3A_546 : i32
    %broadcast_in_dim3A_548 = vector.broadcast %add3A_547 : i32 to vector<16xi32>
    %gather3A_549 = tpu.vector_load_idx %arg9[%broadcast_in_dim3A_548] : memref<64xf32, #tpu.memory_space<vmem>>[vector<16xi32>], vector<16xf32>,
    %add3A_550 = arith.constant 24 : i32
    %add3A_551 = arith.addi %mul3A_32, %add3A_550 : i32
    %add3A_552 = arith.constant 7 : i32
    %add3A_553 = arith.addi %add3A_551, %add3A_552 : i32
    %broadcast_in_dim3A_554 = vector.broadcast %add3A_553 : i32 to vector<16xi32>
    %gather3A_555 = tpu.vector_load_idx %arg9[%broadcast_in_dim3A_554] : memref<64xf32, #tpu.memory_space<vmem>>[vector<16xi32>], vector<16xf32>,
    %dma_wait3A_556 = arith.constant 0 : i32
    %dma_wait3A_557 = tpu.memref_slice %arg6[%select_n3A, %add3A_461, %dma_wait3A_556] : memref<16x64x4096xf32, #tpu.memory_space<hbm>> -> memref<1x8x2048xf32, #tpu.memory_space<hbm>>
    %dma_wait3A_558 = tpu.memref_squeeze %dma_wait3A_557 : memref<1x8x2048xf32, #tpu.memory_space<hbm>> -> memref<8x2048xf32, #tpu.memory_space<hbm>>
    %dma_wait3A_559 = arith.constant 0 : i32
    %dma_wait3A_560 = tpu.memref_slice %arg6[%select_n3A, %add3A_461, %dma_wait3A_559] : memref<16x64x4096xf32, #tpu.memory_space<hbm>> -> memref<1x8x2048xf32, #tpu.memory_space<hbm>>
    %dma_wait3A_561 = tpu.memref_squeeze %dma_wait3A_560 : memref<1x8x2048xf32, #tpu.memory_space<hbm>> -> memref<8x2048xf32, #tpu.memory_space<hbm>>
    tpu.wait_dma2 semaphore(%arg19 : memref<!tpu.dma_semaphore, #tpu.memory_space<semaphore_mem>>) src(%arg13 : memref<8x2048xf32, #tpu.memory_space<vmem>>) dst(%dma_wait3A_561 : memref<8x2048xf32, #tpu.memory_space<hbm>>)
    %broadcast_in_dim3A_562 = arith.constant 0.000000e+00 : f32
    %broadcast_in_dim3A_563 = vector.broadcast %broadcast_in_dim3A_562 : f32 to vector<16xf32>
    %get3A_564 = arith.constant 0 : index
    %get3A_565 = tpu.vector_load %arg11[%get3A_564] {strides = array<i32>} : memref<4112xi32, #tpu.memory_space<vmem>>, vector<16xi32>,
    %scan3A_566 = arith.constant 1 : i32
    %scan3A_567 = arith.constant 0 : i32
    %scan3A_568 = arith.constant 128 : i32
    %scan3A_569 = arith.addi %scan3A_567, %scan3A_568 : i32
    %scan3A_570 = arith.constant 1 : i32
    %scan3A_571 = scf.for %scan3A_618 = %scan3A_567 to %scan3A_569 step %scan3A_570 iter_args(%scan3A_619 = %get3A_565) -> (vector<16xi32>)  : i32 {
      %and3A_620 = arith.constant 8191 : i32
      %and3A_621 = vector.broadcast %and3A_620 : i32 to vector<16xi32>
      %and3A_622 = arith.andi %scan3A_619, %and3A_621 : vector<16xi32>
      %and3A_623 = arith.constant 16384 : i32
      %and3A_624 = vector.broadcast %and3A_623 : i32 to vector<16xi32>
      %and3A_625 = arith.andi %scan3A_619, %and3A_624 : vector<16xi32>
      %ne3A_626 = arith.constant 0 : i32
      %ne3A_627 = vector.broadcast %ne3A_626 : i32 to vector<16xi32>
      %ne3A_628 = arith.cmpi ne, %and3A_625, %ne3A_627 : vector<16xi32>
      %and3A_629 = arith.constant 8192 : i32
      %and3A_630 = vector.broadcast %and3A_629 : i32 to vector<16xi32>
      %and3A_631 = arith.andi %scan3A_619, %and3A_630 : vector<16xi32>
      %ne3A_632 = arith.constant 0 : i32
      %ne3A_633 = vector.broadcast %ne3A_632 : i32 to vector<16xi32>
      %ne3A_634 = arith.cmpi ne, %and3A_631, %ne3A_633 : vector<16xi32>
      %broadcast_in_dim3A_635 = arith.constant 0 : i32
      %broadcast_in_dim3A_636 = vector.broadcast %broadcast_in_dim3A_635 : i32 to vector<16xi32>
      %gather3A_637 = arith.constant 0 : i32
      %gather3A_638 = arith.constant 0 : i32
      %gather3A_639 = tpu.memref_slice %arg12[%scan3A_566, %gather3A_637, %gather3A_638] : memref<2x8x4096xf32, #tpu.memory_space<vmem>> -> memref<1x8x4096xf32, #tpu.memory_space<vmem>>
      %gather3A_640 = tpu.memref_squeeze %gather3A_639 : memref<1x8x4096xf32, #tpu.memory_space<vmem>> -> memref<8x4096xf32, #tpu.memory_space<vmem>>
      %gather3A_641 = tpu.vector_load_idx %gather3A_640[%broadcast_in_dim3A_636, %and3A_622] : memref<8x4096xf32, #tpu.memory_space<vmem>>[vector<16xi32>, vector<16xi32>], vector<16xf32>,
      %broadcast_in_dim3A_642 = arith.constant 1 : i32
      %broadcast_in_dim3A_643 = vector.broadcast %broadcast_in_dim3A_642 : i32 to vector<16xi32>
      %gather3A_644 = arith.constant 0 : i32
      %gather3A_645 = arith.constant 0 : i32
      %gather3A_646 = tpu.memref_slice %arg12[%scan3A_566, %gather3A_644, %gather3A_645] : memref<2x8x4096xf32, #tpu.memory_space<vmem>> -> memref<1x8x4096xf32, #tpu.memory_space<vmem>>
      %gather3A_647 = tpu.memref_squeeze %gather3A_646 : memref<1x8x4096xf32, #tpu.memory_space<vmem>> -> memref<8x4096xf32, #tpu.memory_space<vmem>>
      %gather3A_648 = tpu.vector_load_idx %gather3A_647[%broadcast_in_dim3A_643, %and3A_622] : memref<8x4096xf32, #tpu.memory_space<vmem>>[vector<16xi32>, vector<16xi32>], vector<16xf32>,
      %broadcast_in_dim3A_649 = arith.constant 2 : i32
      %broadcast_in_dim3A_650 = vector.broadcast %broadcast_in_dim3A_649 : i32 to vector<16xi32>
      %gather3A_651 = arith.constant 0 : i32
      %gather3A_652 = arith.constant 0 : i32
      %gather3A_653 = tpu.memref_slice %arg12[%scan3A_566, %gather3A_651, %gather3A_652] : memref<2x8x4096xf32, #tpu.memory_space<vmem>> -> memref<1x8x4096xf32, #tpu.memory_space<vmem>>
      %gather3A_654 = tpu.memref_squeeze %gather3A_653 : memref<1x8x4096xf32, #tpu.memory_space<vmem>> -> memref<8x4096xf32, #tpu.memory_space<vmem>>
      %gather3A_655 = tpu.vector_load_idx %gather3A_654[%broadcast_in_dim3A_650, %and3A_622] : memref<8x4096xf32, #tpu.memory_space<vmem>>[vector<16xi32>, vector<16xi32>], vector<16xf32>,
      %broadcast_in_dim3A_656 = arith.constant 3 : i32
      %broadcast_in_dim3A_657 = vector.broadcast %broadcast_in_dim3A_656 : i32 to vector<16xi32>
      %gather3A_658 = arith.constant 0 : i32
      %gather3A_659 = arith.constant 0 : i32
      %gather3A_660 = tpu.memref_slice %arg12[%scan3A_566, %gather3A_658, %gather3A_659] : memref<2x8x4096xf32, #tpu.memory_space<vmem>> -> memref<1x8x4096xf32, #tpu.memory_space<vmem>>
      %gather3A_661 = tpu.memref_squeeze %gather3A_660 : memref<1x8x4096xf32, #tpu.memory_space<vmem>> -> memref<8x4096xf32, #tpu.memory_space<vmem>>
      %gather3A_662 = tpu.vector_load_idx %gather3A_661[%broadcast_in_dim3A_657, %and3A_622] : memref<8x4096xf32, #tpu.memory_space<vmem>>[vector<16xi32>, vector<16xi32>], vector<16xf32>,
      %broadcast_in_dim3A_663 = arith.constant 4 : i32
      %broadcast_in_dim3A_664 = vector.broadcast %broadcast_in_dim3A_663 : i32 to vector<16xi32>
      %gather3A_665 = arith.constant 0 : i32
      %gather3A_666 = arith.constant 0 : i32
      %gather3A_667 = tpu.memref_slice %arg12[%scan3A_566, %gather3A_665, %gather3A_666] : memref<2x8x4096xf32, #tpu.memory_space<vmem>> -> memref<1x8x4096xf32, #tpu.memory_space<vmem>>
      %gather3A_668 = tpu.memref_squeeze %gather3A_667 : memref<1x8x4096xf32, #tpu.memory_space<vmem>> -> memref<8x4096xf32, #tpu.memory_space<vmem>>
      %gather3A_669 = tpu.vector_load_idx %gather3A_668[%broadcast_in_dim3A_664, %and3A_622] : memref<8x4096xf32, #tpu.memory_space<vmem>>[vector<16xi32>, vector<16xi32>], vector<16xf32>,
      %broadcast_in_dim3A_670 = arith.constant 5 : i32
      %broadcast_in_dim3A_671 = vector.broadcast %broadcast_in_dim3A_670 : i32 to vector<16xi32>
      %gather3A_672 = arith.constant 0 : i32
      %gather3A_673 = arith.constant 0 : i32
      %gather3A_674 = tpu.memref_slice %arg12[%scan3A_566, %gather3A_672, %gather3A_673] : memref<2x8x4096xf32, #tpu.memory_space<vmem>> -> memref<1x8x4096xf32, #tpu.memory_space<vmem>>
      %gather3A_675 = tpu.memref_squeeze %gather3A_674 : memref<1x8x4096xf32, #tpu.memory_space<vmem>> -> memref<8x4096xf32, #tpu.memory_space<vmem>>
      %gather3A_676 = tpu.vector_load_idx %gather3A_675[%broadcast_in_dim3A_671, %and3A_622] : memref<8x4096xf32, #tpu.memory_space<vmem>>[vector<16xi32>, vector<16xi32>], vector<16xf32>,
      %broadcast_in_dim3A_677 = arith.constant 6 : i32
      %broadcast_in_dim3A_678 = vector.broadcast %broadcast_in_dim3A_677 : i32 to vector<16xi32>
      %gather3A_679 = arith.constant 0 : i32
      %gather3A_680 = arith.constant 0 : i32
      %gather3A_681 = tpu.memref_slice %arg12[%scan3A_566, %gather3A_679, %gather3A_680] : memref<2x8x4096xf32, #tpu.memory_space<vmem>> -> memref<1x8x4096xf32, #tpu.memory_space<vmem>>
      %gather3A_682 = tpu.memref_squeeze %gather3A_681 : memref<1x8x4096xf32, #tpu.memory_space<vmem>> -> memref<8x4096xf32, #tpu.memory_space<vmem>>
      %gather3A_683 = tpu.vector_load_idx %gather3A_682[%broadcast_in_dim3A_678, %and3A_622] : memref<8x4096xf32, #tpu.memory_space<vmem>>[vector<16xi32>, vector<16xi32>], vector<16xf32>,
      %broadcast_in_dim3A_684 = arith.constant 7 : i32
      %broadcast_in_dim3A_685 = vector.broadcast %broadcast_in_dim3A_684 : i32 to vector<16xi32>
      %gather3A_686 = arith.constant 0 : i32
      %gather3A_687 = arith.constant 0 : i32
      %gather3A_688 = tpu.memref_slice %arg12[%scan3A_566, %gather3A_686, %gather3A_687] : memref<2x8x4096xf32, #tpu.memory_space<vmem>> -> memref<1x8x4096xf32, #tpu.memory_space<vmem>>
      %gather3A_689 = tpu.memref_squeeze %gather3A_688 : memref<1x8x4096xf32, #tpu.memory_space<vmem>> -> memref<8x4096xf32, #tpu.memory_space<vmem>>
      %gather3A_690 = tpu.vector_load_idx %gather3A_689[%broadcast_in_dim3A_685, %and3A_622] : memref<8x4096xf32, #tpu.memory_space<vmem>>[vector<16xi32>, vector<16xi32>], vector<16xf32>,
      %add3A_691 = arith.constant 1 : i32
      %add3A_692 = arith.addi %scan3A_618, %add3A_691 : i32
      %mul3A_693 = arith.constant 16 : i32
      %mul3A_694 = arith.muli %add3A_692, %mul3A_693 : i32
      %get3A_695 = arith.index_cast %mul3A_694 : i32 to index
      %get3A_696 = tpu.vector_load %arg11[%get3A_695] {strides = array<i32>} : memref<4112xi32, #tpu.memory_space<vmem>>, vector<16xi32>,
      %select_n3A_697 = arith.select %ne3A_634, %gather3A_641, %broadcast_in_dim3A_563 : vector<16xi1>, vector<16xf32>
      %select_n3A_698 = arith.select %ne3A_628, %gather3A_513, %select_n3A_697 : vector<16xi1>, vector<16xf32>
      %sub3A_699 = arith.constant 0 : i32
      %sub3A_700 = arith.subi %scan3A_618, %sub3A_699 : i32
      %mul3A_701 = arith.constant 16 : i32
      %mul3A_702 = arith.muli %sub3A_700, %mul3A_701 : i32
      %swap3A_703 = arith.constant 0 : i32
      %swap3A_704 = arith.index_cast %swap3A_703 : i32 to index
      %swap3A_705 = arith.index_cast %mul3A_702 : i32 to index
      %swap3A_706 = tpu.vector_load %arg13[%swap3A_704, %swap3A_705] {strides = array<i32>} : memref<8x2048xf32, #tpu.memory_space<vmem>>, vector<16xf32>,
      tpu.vector_store %arg13[%swap3A_704, %swap3A_705], %select_n3A_698 {strides = array<i32>} : memref<8x2048xf32, #tpu.memory_space<vmem>>, vector<16xf32>,
      %select_n3A_707 = arith.select %ne3A_634, %gather3A_648, %broadcast_in_dim3A_563 : vector<16xi1>, vector<16xf32>
      %select_n3A_708 = arith.select %ne3A_628, %gather3A_519, %select_n3A_707 : vector<16xi1>, vector<16xf32>
      %sub3A_709 = arith.constant 0 : i32
      %sub3A_710 = arith.subi %scan3A_618, %sub3A_709 : i32
      %mul3A_711 = arith.constant 16 : i32
      %mul3A_712 = arith.muli %sub3A_710, %mul3A_711 : i32
      %swap3A_713 = arith.constant 1 : i32
      %swap3A_714 = arith.index_cast %swap3A_713 : i32 to index
      %swap3A_715 = arith.index_cast %mul3A_712 : i32 to index
      %swap3A_716 = tpu.vector_load %arg13[%swap3A_714, %swap3A_715] {strides = array<i32>} : memref<8x2048xf32, #tpu.memory_space<vmem>>, vector<16xf32>,
      tpu.vector_store %arg13[%swap3A_714, %swap3A_715], %select_n3A_708 {strides = array<i32>} : memref<8x2048xf32, #tpu.memory_space<vmem>>, vector<16xf32>,
      %select_n3A_717 = arith.select %ne3A_634, %gather3A_655, %broadcast_in_dim3A_563 : vector<16xi1>, vector<16xf32>
      %select_n3A_718 = arith.select %ne3A_628, %gather3A_525, %select_n3A_717 : vector<16xi1>, vector<16xf32>
      %sub3A_719 = arith.constant 0 : i32
      %sub3A_720 = arith.subi %scan3A_618, %sub3A_719 : i32
      %mul3A_721 = arith.constant 16 : i32
      %mul3A_722 = arith.muli %sub3A_720, %mul3A_721 : i32
      %swap3A_723 = arith.constant 2 : i32
      %swap3A_724 = arith.index_cast %swap3A_723 : i32 to index
      %swap3A_725 = arith.index_cast %mul3A_722 : i32 to index
      %swap3A_726 = tpu.vector_load %arg13[%swap3A_724, %swap3A_725] {strides = array<i32>} : memref<8x2048xf32, #tpu.memory_space<vmem>>, vector<16xf32>,
      tpu.vector_store %arg13[%swap3A_724, %swap3A_725], %select_n3A_718 {strides = array<i32>} : memref<8x2048xf32, #tpu.memory_space<vmem>>, vector<16xf32>,
      %select_n3A_727 = arith.select %ne3A_634, %gather3A_662, %broadcast_in_dim3A_563 : vector<16xi1>, vector<16xf32>
      %select_n3A_728 = arith.select %ne3A_628, %gather3A_531, %select_n3A_727 : vector<16xi1>, vector<16xf32>
      %sub3A_729 = arith.constant 0 : i32
      %sub3A_730 = arith.subi %scan3A_618, %sub3A_729 : i32
      %mul3A_731 = arith.constant 16 : i32
      %mul3A_732 = arith.muli %sub3A_730, %mul3A_731 : i32
      %swap3A_733 = arith.constant 3 : i32
      %swap3A_734 = arith.index_cast %swap3A_733 : i32 to index
      %swap3A_735 = arith.index_cast %mul3A_732 : i32 to index
      %swap3A_736 = tpu.vector_load %arg13[%swap3A_734, %swap3A_735] {strides = array<i32>} : memref<8x2048xf32, #tpu.memory_space<vmem>>, vector<16xf32>,
      tpu.vector_store %arg13[%swap3A_734, %swap3A_735], %select_n3A_728 {strides = array<i32>} : memref<8x2048xf32, #tpu.memory_space<vmem>>, vector<16xf32>,
      %select_n3A_737 = arith.select %ne3A_634, %gather3A_669, %broadcast_in_dim3A_563 : vector<16xi1>, vector<16xf32>
      %select_n3A_738 = arith.select %ne3A_628, %gather3A_537, %select_n3A_737 : vector<16xi1>, vector<16xf32>
      %sub3A_739 = arith.constant 0 : i32
      %sub3A_740 = arith.subi %scan3A_618, %sub3A_739 : i32
      %mul3A_741 = arith.constant 16 : i32
      %mul3A_742 = arith.muli %sub3A_740, %mul3A_741 : i32
      %swap3A_743 = arith.constant 4 : i32
      %swap3A_744 = arith.index_cast %swap3A_743 : i32 to index
      %swap3A_745 = arith.index_cast %mul3A_742 : i32 to index
      %swap3A_746 = tpu.vector_load %arg13[%swap3A_744, %swap3A_745] {strides = array<i32>} : memref<8x2048xf32, #tpu.memory_space<vmem>>, vector<16xf32>,
      tpu.vector_store %arg13[%swap3A_744, %swap3A_745], %select_n3A_738 {strides = array<i32>} : memref<8x2048xf32, #tpu.memory_space<vmem>>, vector<16xf32>,
      %select_n3A_747 = arith.select %ne3A_634, %gather3A_676, %broadcast_in_dim3A_563 : vector<16xi1>, vector<16xf32>
      %select_n3A_748 = arith.select %ne3A_628, %gather3A_543, %select_n3A_747 : vector<16xi1>, vector<16xf32>
      %sub3A_749 = arith.constant 0 : i32
      %sub3A_750 = arith.subi %scan3A_618, %sub3A_749 : i32
      %mul3A_751 = arith.constant 16 : i32
      %mul3A_752 = arith.muli %sub3A_750, %mul3A_751 : i32
      %swap3A_753 = arith.constant 5 : i32
      %swap3A_754 = arith.index_cast %swap3A_753 : i32 to index
      %swap3A_755 = arith.index_cast %mul3A_752 : i32 to index
      %swap3A_756 = tpu.vector_load %arg13[%swap3A_754, %swap3A_755] {strides = array<i32>} : memref<8x2048xf32, #tpu.memory_space<vmem>>, vector<16xf32>,
      tpu.vector_store %arg13[%swap3A_754, %swap3A_755], %select_n3A_748 {strides = array<i32>} : memref<8x2048xf32, #tpu.memory_space<vmem>>, vector<16xf32>,
      %select_n3A_757 = arith.select %ne3A_634, %gather3A_683, %broadcast_in_dim3A_563 : vector<16xi1>, vector<16xf32>
      %select_n3A_758 = arith.select %ne3A_628, %gather3A_549, %select_n3A_757 : vector<16xi1>, vector<16xf32>
      %sub3A_759 = arith.constant 0 : i32
      %sub3A_760 = arith.subi %scan3A_618, %sub3A_759 : i32
      %mul3A_761 = arith.constant 16 : i32
      %mul3A_762 = arith.muli %sub3A_760, %mul3A_761 : i32
      %swap3A_763 = arith.constant 6 : i32
      %swap3A_764 = arith.index_cast %swap3A_763 : i32 to index
      %swap3A_765 = arith.index_cast %mul3A_762 : i32 to index
      %swap3A_766 = tpu.vector_load %arg13[%swap3A_764, %swap3A_765] {strides = array<i32>} : memref<8x2048xf32, #tpu.memory_space<vmem>>, vector<16xf32>,
      tpu.vector_store %arg13[%swap3A_764, %swap3A_765], %select_n3A_758 {strides = array<i32>} : memref<8x2048xf32, #tpu.memory_space<vmem>>, vector<16xf32>,
      %select_n3A_767 = arith.select %ne3A_634, %gather3A_690, %broadcast_in_dim3A_563 : vector<16xi1>, vector<16xf32>
      %select_n3A_768 = arith.select %ne3A_628, %gather3A_555, %select_n3A_767 : vector<16xi1>, vector<16xf32>
      %sub3A_769 = arith.constant 0 : i32
      %sub3A_770 = arith.subi %scan3A_618, %sub3A_769 : i32
      %mul3A_771 = arith.constant 16 : i32
      %mul3A_772 = arith.muli %sub3A_770, %mul3A_771 : i32
      %swap3A_773 = arith.constant 7 : i32
      %swap3A_774 = arith.index_cast %swap3A_773 : i32 to index
      %swap3A_775 = arith.index_cast %mul3A_772 : i32 to index
      %swap3A_776 = tpu.vector_load %arg13[%swap3A_774, %swap3A_775] {strides = array<i32>} : memref<8x2048xf32, #tpu.memory_space<vmem>>, vector<16xf32>,
      tpu.vector_store %arg13[%swap3A_774, %swap3A_775], %select_n3A_768 {strides = array<i32>} : memref<8x2048xf32, #tpu.memory_space<vmem>>, vector<16xf32>,
      scf.yield %get3A_696 : vector<16xi32>
    }
    %scan3A_572 = arith.constant 128 : i32
    %add3A_573 = arith.constant 24 : i32
    %add3A_574 = arith.addi %mul3A_32, %add3A_573 : i32
    %dma_start3A_575 = arith.constant 0 : i32
    %dma_start3A_576 = tpu.memref_slice %arg6[%select_n3A, %add3A_574, %dma_start3A_575] : memref<16x64x4096xf32, #tpu.memory_space<hbm>> -> memref<1x8x2048xf32, #tpu.memory_space<hbm>>
    %dma_start3A_577 = tpu.memref_squeeze %dma_start3A_576 : memref<1x8x2048xf32, #tpu.memory_space<hbm>> -> memref<8x2048xf32, #tpu.memory_space<hbm>>
    %dma_start3A_578 = arith.constant 0 : i32
    %dma_start3A_579 = tpu.memref_slice %arg6[%select_n3A, %add3A_574, %dma_start3A_578] : memref<16x64x4096xf32, #tpu.memory_space<hbm>> -> memref<1x8x2048xf32, #tpu.memory_space<hbm>>
    %dma_start3A_580 = tpu.memref_squeeze %dma_start3A_579 : memref<1x8x2048xf32, #tpu.memory_space<hbm>> -> memref<8x2048xf32, #tpu.memory_space<hbm>>
    tpu.enqueue_dma source(%arg13 : memref<8x2048xf32, #tpu.memory_space<vmem>>) target(%dma_start3A_580 : memref<8x2048xf32, #tpu.memory_space<hbm>>) target_semaphore(%arg19 : memref<!tpu.dma_semaphore, #tpu.memory_space<semaphore_mem>>)
    %dma_wait3A_581 = arith.constant 2048 : i32
    %dma_wait3A_582 = tpu.memref_slice %arg6[%select_n3A, %add3A_486, %dma_wait3A_581] : memref<16x64x4096xf32, #tpu.memory_space<hbm>> -> memref<1x8x2048xf32, #tpu.memory_space<hbm>>
    %dma_wait3A_583 = tpu.memref_squeeze %dma_wait3A_582 : memref<1x8x2048xf32, #tpu.memory_space<hbm>> -> memref<8x2048xf32, #tpu.memory_space<hbm>>
    %dma_wait3A_584 = arith.constant 2048 : i32
    %dma_wait3A_585 = tpu.memref_slice %arg6[%select_n3A, %add3A_486, %dma_wait3A_584] : memref<16x64x4096xf32, #tpu.memory_space<hbm>> -> memref<1x8x2048xf32, #tpu.memory_space<hbm>>
    %dma_wait3A_586 = tpu.memref_squeeze %dma_wait3A_585 : memref<1x8x2048xf32, #tpu.memory_space<hbm>> -> memref<8x2048xf32, #tpu.memory_space<hbm>>
    tpu.wait_dma2 semaphore(%arg20 : memref<!tpu.dma_semaphore, #tpu.memory_space<semaphore_mem>>) src(%arg14 : memref<8x2048xf32, #tpu.memory_space<vmem>>) dst(%dma_wait3A_586 : memref<8x2048xf32, #tpu.memory_space<hbm>>)
    %broadcast_in_dim3A_587 = arith.constant 0.000000e+00 : f32
    %broadcast_in_dim3A_588 = vector.broadcast %broadcast_in_dim3A_587 : f32 to vector<16xf32>
    %get3A_589 = arith.constant 2048 : index
    %get3A_590 = tpu.vector_load %arg11[%get3A_589] {strides = array<i32>} : memref<4112xi32, #tpu.memory_space<vmem>>, vector<16xi32>,
    %scan3A_591 = arith.constant 1 : i32
    %scan3A_592 = arith.constant 128 : i32
    %scan3A_593 = arith.constant 128 : i32
    %scan3A_594 = arith.addi %scan3A_592, %scan3A_593 : i32
    %scan3A_595 = arith.constant 1 : i32
    %scan3A_596 = scf.for %scan3A_618 = %scan3A_592 to %scan3A_594 step %scan3A_595 iter_args(%scan3A_619 = %get3A_590) -> (vector<16xi32>)  : i32 {
      %and3A_620 = arith.constant 8191 : i32
      %and3A_621 = vector.broadcast %and3A_620 : i32 to vector<16xi32>
      %and3A_622 = arith.andi %scan3A_619, %and3A_621 : vector<16xi32>
      %and3A_623 = arith.constant 16384 : i32
      %and3A_624 = vector.broadcast %and3A_623 : i32 to vector<16xi32>
      %and3A_625 = arith.andi %scan3A_619, %and3A_624 : vector<16xi32>
      %ne3A_626 = arith.constant 0 : i32
      %ne3A_627 = vector.broadcast %ne3A_626 : i32 to vector<16xi32>
      %ne3A_628 = arith.cmpi ne, %and3A_625, %ne3A_627 : vector<16xi32>
      %and3A_629 = arith.constant 8192 : i32
      %and3A_630 = vector.broadcast %and3A_629 : i32 to vector<16xi32>
      %and3A_631 = arith.andi %scan3A_619, %and3A_630 : vector<16xi32>
      %ne3A_632 = arith.constant 0 : i32
      %ne3A_633 = vector.broadcast %ne3A_632 : i32 to vector<16xi32>
      %ne3A_634 = arith.cmpi ne, %and3A_631, %ne3A_633 : vector<16xi32>
      %broadcast_in_dim3A_635 = arith.constant 0 : i32
      %broadcast_in_dim3A_636 = vector.broadcast %broadcast_in_dim3A_635 : i32 to vector<16xi32>
      %gather3A_637 = arith.constant 0 : i32
      %gather3A_638 = arith.constant 0 : i32
      %gather3A_639 = tpu.memref_slice %arg12[%scan3A_591, %gather3A_637, %gather3A_638] : memref<2x8x4096xf32, #tpu.memory_space<vmem>> -> memref<1x8x4096xf32, #tpu.memory_space<vmem>>
      %gather3A_640 = tpu.memref_squeeze %gather3A_639 : memref<1x8x4096xf32, #tpu.memory_space<vmem>> -> memref<8x4096xf32, #tpu.memory_space<vmem>>
      %gather3A_641 = tpu.vector_load_idx %gather3A_640[%broadcast_in_dim3A_636, %and3A_622] : memref<8x4096xf32, #tpu.memory_space<vmem>>[vector<16xi32>, vector<16xi32>], vector<16xf32>,
      %broadcast_in_dim3A_642 = arith.constant 1 : i32
      %broadcast_in_dim3A_643 = vector.broadcast %broadcast_in_dim3A_642 : i32 to vector<16xi32>
      %gather3A_644 = arith.constant 0 : i32
      %gather3A_645 = arith.constant 0 : i32
      %gather3A_646 = tpu.memref_slice %arg12[%scan3A_591, %gather3A_644, %gather3A_645] : memref<2x8x4096xf32, #tpu.memory_space<vmem>> -> memref<1x8x4096xf32, #tpu.memory_space<vmem>>
      %gather3A_647 = tpu.memref_squeeze %gather3A_646 : memref<1x8x4096xf32, #tpu.memory_space<vmem>> -> memref<8x4096xf32, #tpu.memory_space<vmem>>
      %gather3A_648 = tpu.vector_load_idx %gather3A_647[%broadcast_in_dim3A_643, %and3A_622] : memref<8x4096xf32, #tpu.memory_space<vmem>>[vector<16xi32>, vector<16xi32>], vector<16xf32>,
      %broadcast_in_dim3A_649 = arith.constant 2 : i32
      %broadcast_in_dim3A_650 = vector.broadcast %broadcast_in_dim3A_649 : i32 to vector<16xi32>
      %gather3A_651 = arith.constant 0 : i32
      %gather3A_652 = arith.constant 0 : i32
      %gather3A_653 = tpu.memref_slice %arg12[%scan3A_591, %gather3A_651, %gather3A_652] : memref<2x8x4096xf32, #tpu.memory_space<vmem>> -> memref<1x8x4096xf32, #tpu.memory_space<vmem>>
      %gather3A_654 = tpu.memref_squeeze %gather3A_653 : memref<1x8x4096xf32, #tpu.memory_space<vmem>> -> memref<8x4096xf32, #tpu.memory_space<vmem>>
      %gather3A_655 = tpu.vector_load_idx %gather3A_654[%broadcast_in_dim3A_650, %and3A_622] : memref<8x4096xf32, #tpu.memory_space<vmem>>[vector<16xi32>, vector<16xi32>], vector<16xf32>,
      %broadcast_in_dim3A_656 = arith.constant 3 : i32
      %broadcast_in_dim3A_657 = vector.broadcast %broadcast_in_dim3A_656 : i32 to vector<16xi32>
      %gather3A_658 = arith.constant 0 : i32
      %gather3A_659 = arith.constant 0 : i32
      %gather3A_660 = tpu.memref_slice %arg12[%scan3A_591, %gather3A_658, %gather3A_659] : memref<2x8x4096xf32, #tpu.memory_space<vmem>> -> memref<1x8x4096xf32, #tpu.memory_space<vmem>>
      %gather3A_661 = tpu.memref_squeeze %gather3A_660 : memref<1x8x4096xf32, #tpu.memory_space<vmem>> -> memref<8x4096xf32, #tpu.memory_space<vmem>>
      %gather3A_662 = tpu.vector_load_idx %gather3A_661[%broadcast_in_dim3A_657, %and3A_622] : memref<8x4096xf32, #tpu.memory_space<vmem>>[vector<16xi32>, vector<16xi32>], vector<16xf32>,
      %broadcast_in_dim3A_663 = arith.constant 4 : i32
      %broadcast_in_dim3A_664 = vector.broadcast %broadcast_in_dim3A_663 : i32 to vector<16xi32>
      %gather3A_665 = arith.constant 0 : i32
      %gather3A_666 = arith.constant 0 : i32
      %gather3A_667 = tpu.memref_slice %arg12[%scan3A_591, %gather3A_665, %gather3A_666] : memref<2x8x4096xf32, #tpu.memory_space<vmem>> -> memref<1x8x4096xf32, #tpu.memory_space<vmem>>
      %gather3A_668 = tpu.memref_squeeze %gather3A_667 : memref<1x8x4096xf32, #tpu.memory_space<vmem>> -> memref<8x4096xf32, #tpu.memory_space<vmem>>
      %gather3A_669 = tpu.vector_load_idx %gather3A_668[%broadcast_in_dim3A_664, %and3A_622] : memref<8x4096xf32, #tpu.memory_space<vmem>>[vector<16xi32>, vector<16xi32>], vector<16xf32>,
      %broadcast_in_dim3A_670 = arith.constant 5 : i32
      %broadcast_in_dim3A_671 = vector.broadcast %broadcast_in_dim3A_670 : i32 to vector<16xi32>
      %gather3A_672 = arith.constant 0 : i32
      %gather3A_673 = arith.constant 0 : i32
      %gather3A_674 = tpu.memref_slice %arg12[%scan3A_591, %gather3A_672, %gather3A_673] : memref<2x8x4096xf32, #tpu.memory_space<vmem>> -> memref<1x8x4096xf32, #tpu.memory_space<vmem>>
      %gather3A_675 = tpu.memref_squeeze %gather3A_674 : memref<1x8x4096xf32, #tpu.memory_space<vmem>> -> memref<8x4096xf32, #tpu.memory_space<vmem>>
      %gather3A_676 = tpu.vector_load_idx %gather3A_675[%broadcast_in_dim3A_671, %and3A_622] : memref<8x4096xf32, #tpu.memory_space<vmem>>[vector<16xi32>, vector<16xi32>], vector<16xf32>,
      %broadcast_in_dim3A_677 = arith.constant 6 : i32
      %broadcast_in_dim3A_678 = vector.broadcast %broadcast_in_dim3A_677 : i32 to vector<16xi32>
      %gather3A_679 = arith.constant 0 : i32
      %gather3A_680 = arith.constant 0 : i32
      %gather3A_681 = tpu.memref_slice %arg12[%scan3A_591, %gather3A_679, %gather3A_680] : memref<2x8x4096xf32, #tpu.memory_space<vmem>> -> memref<1x8x4096xf32, #tpu.memory_space<vmem>>
      %gather3A_682 = tpu.memref_squeeze %gather3A_681 : memref<1x8x4096xf32, #tpu.memory_space<vmem>> -> memref<8x4096xf32, #tpu.memory_space<vmem>>
      %gather3A_683 = tpu.vector_load_idx %gather3A_682[%broadcast_in_dim3A_678, %and3A_622] : memref<8x4096xf32, #tpu.memory_space<vmem>>[vector<16xi32>, vector<16xi32>], vector<16xf32>,
      %broadcast_in_dim3A_684 = arith.constant 7 : i32
      %broadcast_in_dim3A_685 = vector.broadcast %broadcast_in_dim3A_684 : i32 to vector<16xi32>
      %gather3A_686 = arith.constant 0 : i32
      %gather3A_687 = arith.constant 0 : i32
      %gather3A_688 = tpu.memref_slice %arg12[%scan3A_591, %gather3A_686, %gather3A_687] : memref<2x8x4096xf32, #tpu.memory_space<vmem>> -> memref<1x8x4096xf32, #tpu.memory_space<vmem>>
      %gather3A_689 = tpu.memref_squeeze %gather3A_688 : memref<1x8x4096xf32, #tpu.memory_space<vmem>> -> memref<8x4096xf32, #tpu.memory_space<vmem>>
      %gather3A_690 = tpu.vector_load_idx %gather3A_689[%broadcast_in_dim3A_685, %and3A_622] : memref<8x4096xf32, #tpu.memory_space<vmem>>[vector<16xi32>, vector<16xi32>], vector<16xf32>,
      %add3A_691 = arith.constant 1 : i32
      %add3A_692 = arith.addi %scan3A_618, %add3A_691 : i32
      %mul3A_693 = arith.constant 16 : i32
      %mul3A_694 = arith.muli %add3A_692, %mul3A_693 : i32
      %get3A_695 = arith.index_cast %mul3A_694 : i32 to index
      %get3A_696 = tpu.vector_load %arg11[%get3A_695] {strides = array<i32>} : memref<4112xi32, #tpu.memory_space<vmem>>, vector<16xi32>,
      %select_n3A_697 = arith.select %ne3A_634, %gather3A_641, %broadcast_in_dim3A_588 : vector<16xi1>, vector<16xf32>
      %select_n3A_698 = arith.select %ne3A_628, %gather3A_513, %select_n3A_697 : vector<16xi1>, vector<16xf32>
      %sub3A_699 = arith.constant 128 : i32
      %sub3A_700 = arith.subi %scan3A_618, %sub3A_699 : i32
      %mul3A_701 = arith.constant 16 : i32
      %mul3A_702 = arith.muli %sub3A_700, %mul3A_701 : i32
      %swap3A_703 = arith.constant 0 : i32
      %swap3A_704 = arith.index_cast %swap3A_703 : i32 to index
      %swap3A_705 = arith.index_cast %mul3A_702 : i32 to index
      %swap3A_706 = tpu.vector_load %arg14[%swap3A_704, %swap3A_705] {strides = array<i32>} : memref<8x2048xf32, #tpu.memory_space<vmem>>, vector<16xf32>,
      tpu.vector_store %arg14[%swap3A_704, %swap3A_705], %select_n3A_698 {strides = array<i32>} : memref<8x2048xf32, #tpu.memory_space<vmem>>, vector<16xf32>,
      %select_n3A_707 = arith.select %ne3A_634, %gather3A_648, %broadcast_in_dim3A_588 : vector<16xi1>, vector<16xf32>
      %select_n3A_708 = arith.select %ne3A_628, %gather3A_519, %select_n3A_707 : vector<16xi1>, vector<16xf32>
      %sub3A_709 = arith.constant 128 : i32
      %sub3A_710 = arith.subi %scan3A_618, %sub3A_709 : i32
      %mul3A_711 = arith.constant 16 : i32
      %mul3A_712 = arith.muli %sub3A_710, %mul3A_711 : i32
      %swap3A_713 = arith.constant 1 : i32
      %swap3A_714 = arith.index_cast %swap3A_713 : i32 to index
      %swap3A_715 = arith.index_cast %mul3A_712 : i32 to index
      %swap3A_716 = tpu.vector_load %arg14[%swap3A_714, %swap3A_715] {strides = array<i32>} : memref<8x2048xf32, #tpu.memory_space<vmem>>, vector<16xf32>,
      tpu.vector_store %arg14[%swap3A_714, %swap3A_715], %select_n3A_708 {strides = array<i32>} : memref<8x2048xf32, #tpu.memory_space<vmem>>, vector<16xf32>,
      %select_n3A_717 = arith.select %ne3A_634, %gather3A_655, %broadcast_in_dim3A_588 : vector<16xi1>, vector<16xf32>
      %select_n3A_718 = arith.select %ne3A_628, %gather3A_525, %select_n3A_717 : vector<16xi1>, vector<16xf32>
      %sub3A_719 = arith.constant 128 : i32
      %sub3A_720 = arith.subi %scan3A_618, %sub3A_719 : i32
      %mul3A_721 = arith.constant 16 : i32
      %mul3A_722 = arith.muli %sub3A_720, %mul3A_721 : i32
      %swap3A_723 = arith.constant 2 : i32
      %swap3A_724 = arith.index_cast %swap3A_723 : i32 to index
      %swap3A_725 = arith.index_cast %mul3A_722 : i32 to index
      %swap3A_726 = tpu.vector_load %arg14[%swap3A_724, %swap3A_725] {strides = array<i32>} : memref<8x2048xf32, #tpu.memory_space<vmem>>, vector<16xf32>,
      tpu.vector_store %arg14[%swap3A_724, %swap3A_725], %select_n3A_718 {strides = array<i32>} : memref<8x2048xf32, #tpu.memory_space<vmem>>, vector<16xf32>,
      %select_n3A_727 = arith.select %ne3A_634, %gather3A_662, %broadcast_in_dim3A_588 : vector<16xi1>, vector<16xf32>
      %select_n3A_728 = arith.select %ne3A_628, %gather3A_531, %select_n3A_727 : vector<16xi1>, vector<16xf32>
      %sub3A_729 = arith.constant 128 : i32
      %sub3A_730 = arith.subi %scan3A_618, %sub3A_729 : i32
      %mul3A_731 = arith.constant 16 : i32
      %mul3A_732 = arith.muli %sub3A_730, %mul3A_731 : i32
      %swap3A_733 = arith.constant 3 : i32
      %swap3A_734 = arith.index_cast %swap3A_733 : i32 to index
      %swap3A_735 = arith.index_cast %mul3A_732 : i32 to index
      %swap3A_736 = tpu.vector_load %arg14[%swap3A_734, %swap3A_735] {strides = array<i32>} : memref<8x2048xf32, #tpu.memory_space<vmem>>, vector<16xf32>,
      tpu.vector_store %arg14[%swap3A_734, %swap3A_735], %select_n3A_728 {strides = array<i32>} : memref<8x2048xf32, #tpu.memory_space<vmem>>, vector<16xf32>,
      %select_n3A_737 = arith.select %ne3A_634, %gather3A_669, %broadcast_in_dim3A_588 : vector<16xi1>, vector<16xf32>
      %select_n3A_738 = arith.select %ne3A_628, %gather3A_537, %select_n3A_737 : vector<16xi1>, vector<16xf32>
      %sub3A_739 = arith.constant 128 : i32
      %sub3A_740 = arith.subi %scan3A_618, %sub3A_739 : i32
      %mul3A_741 = arith.constant 16 : i32
      %mul3A_742 = arith.muli %sub3A_740, %mul3A_741 : i32
      %swap3A_743 = arith.constant 4 : i32
      %swap3A_744 = arith.index_cast %swap3A_743 : i32 to index
      %swap3A_745 = arith.index_cast %mul3A_742 : i32 to index
      %swap3A_746 = tpu.vector_load %arg14[%swap3A_744, %swap3A_745] {strides = array<i32>} : memref<8x2048xf32, #tpu.memory_space<vmem>>, vector<16xf32>,
      tpu.vector_store %arg14[%swap3A_744, %swap3A_745], %select_n3A_738 {strides = array<i32>} : memref<8x2048xf32, #tpu.memory_space<vmem>>, vector<16xf32>,
      %select_n3A_747 = arith.select %ne3A_634, %gather3A_676, %broadcast_in_dim3A_588 : vector<16xi1>, vector<16xf32>
      %select_n3A_748 = arith.select %ne3A_628, %gather3A_543, %select_n3A_747 : vector<16xi1>, vector<16xf32>
      %sub3A_749 = arith.constant 128 : i32
      %sub3A_750 = arith.subi %scan3A_618, %sub3A_749 : i32
      %mul3A_751 = arith.constant 16 : i32
      %mul3A_752 = arith.muli %sub3A_750, %mul3A_751 : i32
      %swap3A_753 = arith.constant 5 : i32
      %swap3A_754 = arith.index_cast %swap3A_753 : i32 to index
      %swap3A_755 = arith.index_cast %mul3A_752 : i32 to index
      %swap3A_756 = tpu.vector_load %arg14[%swap3A_754, %swap3A_755] {strides = array<i32>} : memref<8x2048xf32, #tpu.memory_space<vmem>>, vector<16xf32>,
      tpu.vector_store %arg14[%swap3A_754, %swap3A_755], %select_n3A_748 {strides = array<i32>} : memref<8x2048xf32, #tpu.memory_space<vmem>>, vector<16xf32>,
      %select_n3A_757 = arith.select %ne3A_634, %gather3A_683, %broadcast_in_dim3A_588 : vector<16xi1>, vector<16xf32>
      %select_n3A_758 = arith.select %ne3A_628, %gather3A_549, %select_n3A_757 : vector<16xi1>, vector<16xf32>
      %sub3A_759 = arith.constant 128 : i32
      %sub3A_760 = arith.subi %scan3A_618, %sub3A_759 : i32
      %mul3A_761 = arith.constant 16 : i32
      %mul3A_762 = arith.muli %sub3A_760, %mul3A_761 : i32
      %swap3A_763 = arith.constant 6 : i32
      %swap3A_764 = arith.index_cast %swap3A_763 : i32 to index
      %swap3A_765 = arith.index_cast %mul3A_762 : i32 to index
      %swap3A_766 = tpu.vector_load %arg14[%swap3A_764, %swap3A_765] {strides = array<i32>} : memref<8x2048xf32, #tpu.memory_space<vmem>>, vector<16xf32>,
      tpu.vector_store %arg14[%swap3A_764, %swap3A_765], %select_n3A_758 {strides = array<i32>} : memref<8x2048xf32, #tpu.memory_space<vmem>>, vector<16xf32>,
      %select_n3A_767 = arith.select %ne3A_634, %gather3A_690, %broadcast_in_dim3A_588 : vector<16xi1>, vector<16xf32>
      %select_n3A_768 = arith.select %ne3A_628, %gather3A_555, %select_n3A_767 : vector<16xi1>, vector<16xf32>
      %sub3A_769 = arith.constant 128 : i32
      %sub3A_770 = arith.subi %scan3A_618, %sub3A_769 : i32
      %mul3A_771 = arith.constant 16 : i32
      %mul3A_772 = arith.muli %sub3A_770, %mul3A_771 : i32
      %swap3A_773 = arith.constant 7 : i32
      %swap3A_774 = arith.index_cast %swap3A_773 : i32 to index
      %swap3A_775 = arith.index_cast %mul3A_772 : i32 to index
      %swap3A_776 = tpu.vector_load %arg14[%swap3A_774, %swap3A_775] {strides = array<i32>} : memref<8x2048xf32, #tpu.memory_space<vmem>>, vector<16xf32>,
      tpu.vector_store %arg14[%swap3A_774, %swap3A_775], %select_n3A_768 {strides = array<i32>} : memref<8x2048xf32, #tpu.memory_space<vmem>>, vector<16xf32>,
      scf.yield %get3A_696 : vector<16xi32>
    }
    %scan3A_597 = arith.constant 128 : i32
    %add3A_598 = arith.constant 24 : i32
    %add3A_599 = arith.addi %mul3A_32, %add3A_598 : i32
    %dma_start3A_600 = arith.constant 2048 : i32
    %dma_start3A_601 = tpu.memref_slice %arg6[%select_n3A, %add3A_599, %dma_start3A_600] : memref<16x64x4096xf32, #tpu.memory_space<hbm>> -> memref<1x8x2048xf32, #tpu.memory_space<hbm>>
    %dma_start3A_602 = tpu.memref_squeeze %dma_start3A_601 : memref<1x8x2048xf32, #tpu.memory_space<hbm>> -> memref<8x2048xf32, #tpu.memory_space<hbm>>
    %dma_start3A_603 = arith.constant 2048 : i32
    %dma_start3A_604 = tpu.memref_slice %arg6[%select_n3A, %add3A_599, %dma_start3A_603] : memref<16x64x4096xf32, #tpu.memory_space<hbm>> -> memref<1x8x2048xf32, #tpu.memory_space<hbm>>
    %dma_start3A_605 = tpu.memref_squeeze %dma_start3A_604 : memref<1x8x2048xf32, #tpu.memory_space<hbm>> -> memref<8x2048xf32, #tpu.memory_space<hbm>>
    tpu.enqueue_dma source(%arg14 : memref<8x2048xf32, #tpu.memory_space<vmem>>) target(%dma_start3A_605 : memref<8x2048xf32, #tpu.memory_space<hbm>>) target_semaphore(%arg20 : memref<!tpu.dma_semaphore, #tpu.memory_space<semaphore_mem>>)
    %dma_wait3A_606 = arith.constant 0 : i32
    %dma_wait3A_607 = tpu.memref_slice %arg6[%select_n3A, %add3A_574, %dma_wait3A_606] : memref<16x64x4096xf32, #tpu.memory_space<hbm>> -> memref<1x8x2048xf32, #tpu.memory_space<hbm>>
    %dma_wait3A_608 = tpu.memref_squeeze %dma_wait3A_607 : memref<1x8x2048xf32, #tpu.memory_space<hbm>> -> memref<8x2048xf32, #tpu.memory_space<hbm>>
    %dma_wait3A_609 = arith.constant 0 : i32
    %dma_wait3A_610 = tpu.memref_slice %arg6[%select_n3A, %add3A_574, %dma_wait3A_609] : memref<16x64x4096xf32, #tpu.memory_space<hbm>> -> memref<1x8x2048xf32, #tpu.memory_space<hbm>>
    %dma_wait3A_611 = tpu.memref_squeeze %dma_wait3A_610 : memref<1x8x2048xf32, #tpu.memory_space<hbm>> -> memref<8x2048xf32, #tpu.memory_space<hbm>>
    tpu.wait_dma2 semaphore(%arg19 : memref<!tpu.dma_semaphore, #tpu.memory_space<semaphore_mem>>) src(%arg13 : memref<8x2048xf32, #tpu.memory_space<vmem>>) dst(%dma_wait3A_611 : memref<8x2048xf32, #tpu.memory_space<hbm>>)
    %dma_wait3A_612 = arith.constant 2048 : i32
    %dma_wait3A_613 = tpu.memref_slice %arg6[%select_n3A, %add3A_599, %dma_wait3A_612] : memref<16x64x4096xf32, #tpu.memory_space<hbm>> -> memref<1x8x2048xf32, #tpu.memory_space<hbm>>
    %dma_wait3A_614 = tpu.memref_squeeze %dma_wait3A_613 : memref<1x8x2048xf32, #tpu.memory_space<hbm>> -> memref<8x2048xf32, #tpu.memory_space<hbm>>
    %dma_wait3A_615 = arith.constant 2048 : i32
    %dma_wait3A_616 = tpu.memref_slice %arg6[%select_n3A, %add3A_599, %dma_wait3A_615] : memref<16x64x4096xf32, #tpu.memory_space<hbm>> -> memref<1x8x2048xf32, #tpu.memory_space<hbm>>
    %dma_wait3A_617 = tpu.memref_squeeze %dma_wait3A_616 : memref<1x8x2048xf32, #tpu.memory_space<hbm>> -> memref<8x2048xf32, #tpu.memory_space<hbm>>
    tpu.wait_dma2 semaphore(%arg20 : memref<!tpu.dma_semaphore, #tpu.memory_space<semaphore_mem>>) src(%arg14 : memref<8x2048xf32, #tpu.memory_space<vmem>>) dst(%dma_wait3A_617 : memref<8x2048xf32, #tpu.memory_space<hbm>>)
    return
  }
}

</mosaic_0001>

<sc_bundles>
// kernel: kernel.3.cloned.1.call-start
scs
__scs_entry_jumppad:
0x0: {  	(pc) =	sbr.rel $0x88, $3  }
0x1: {  	(tag) =	ssettag $0x0;
	lr =	simm.s32 $0x1  }
0x2: {  	[smem:$0x3F9E] =	sst lr;
	_ =	strace $0xD0000000  }
0x3: {  	_ = 	snop  }
0x4: {  	_ = 	snop  }
0x5: {  	_ = 	snop  }
0x6: {  	_ = 	snop  }
0x7: {  	_ = 	snop  }
__scs_overlays_trampoline_lowered:
0x8: {  	[smem:$0x3FAD] =	sst s0  }
0x9: {  	[smem:$0x3FAE] =	sst s1  }
0xa: {  	[smem:$0x3FAF] =	sst s2  }
0xb: {  	[smem:$0x3FB0] =	sst s3  }
0xc: {  	[smem:$0x3FB1] =	sst s4  }
0xd: {  	[smem:$0x3FB2] =	sst s5  }
0xe: {  	[smem:$0x3FB3] =	sst s6  }
0xf: {  	[smem:$0x3FB4] =	sst s7  }
0x10: {  	[smem:$0x3FB5] =	sst s8  }
0x11: {  	[smem:$0x3FB6] =	sst s9;
	s0 =	simm.s32 @!p0 $0x0  }
0x12: {  	s1 =	sld [smem:$0x3F9C];
	s0 =	simm.s32 @p0 $0x1  }
0x13: {  	[smem:$0x3FB7] =	sst s0;
	s0 =	simm.s32 @!p1 $0x0  }
0x14: {  	s2 =	sld [smem:$0x3F9B];
	s0 =	simm.s32 @p1 $0x1  }
0x15: {  	[smem:$0x3FB8] =	sst s0;
	s0 =	simm.s32 @!p2 $0x0  }
0x16: {  	s3 =	sld [smem:$0x3FDB];
	s0 =	simm.s32 @p2 $0x1  }
0x17: {  	s4 =	simm.s32 $0x1BF5;
	[smem:$0x3FBA] =	sst s0  }
0x18: {  	s0 =	sld [smem:$0x3F9D];
	_ =	swait.ge [sflag:s4], $0x0  }
0x19: {  	s7 =	sld [smem:$0x3F9E]  }
0x1a: {  	s8 =	sadd.s32 $0xFFFFE003, lr  }
0x1b: {  	s9 =	sadd.s32 $0xFFFFFEF7, lr;
	s5 =	simm.s32 $0xFFFFFFFF;
	p2 =	slt.u32 s8, $0xFFFFF086  }
0x1c: {  	p1 =	slt.u32 s9, $0xF7A;
	s5 =	simm.s32 @!p2 $0x0  }
0x1d: {  	s5 =	simm.s32 @p1 $0x1;
	p0 =	seq.s32 s7, s2  }
0x1e: {  	s7 =	smul.u32 @!p0 $0xF7A, s2;
	p2 =	seq.s32 @!p0 s5, $0x0  }
0x1f: {  	s9 =	smul.u32 $0xF7A, s1;
	s8 =	simm.s32 @!p0 $0x1BF5;
	p2 =	por !p2, p0  }
0x20: {  	[sflag:s8] =	ssyncset.s32 @!p0 $0xFFFFF086;
	s6 =	sadd.s32 @!p0 s3, s7;
	s7 =	simm.s32 @!p0 $0x108  }
0x21: {  	s3 =	sadd.s32 s3, s9;
	s6 =	sadd.s32 @!p0 $0x88, s6;
	s7 =	simm.s32 @p2 $0x1082  }
0x22: {  	[simem:s7], [sflag:s8] =	dma.local @!p0 [hbm:s6], $0xF7A  }
0x23: {  	s9 =	sor.u32 $0xD0000000, s2;
	s6 =	simm.s32 $0x108;
	_ =	swait.ge @!p0 [sflag:s8], $0x0  }
0x24: {  	s3 =	sadd.s32 $0x88, s3;
	s6 =	simm.s32 @!p1 $0x1082;
	[sflag:s4] =	ssyncset.s32 $0xFFFFF086  }
0x25: {  	[simem:s6], [sflag:s4] =	dma.local [hbm:s3], $0xF7A  }
0x26: {  	[smem:$0x3F9E] =	sst s1;
	(tag) =	ssettag s2;
	_ =	strace s9  }
0x27: {  	s1 =	sld [smem:$0x3FAE]  }
0x28: {  	s2 =	sld [smem:$0x3FAF]  }
0x29: {  	s4 =	sld [smem:$0x3FB1]  }
0x2a: {  	p0 =	seq.s32 s5, $0x0;
	s5 =	sld [smem:$0x3FB2]  }
0x2b: {  	s6 =	sld [smem:$0x3FB3]  }
0x2c: {  	s7 =	sld [smem:$0x3FB4]  }
0x2d: {  	s3 =	simm.s32 $0x108;
	s8 =	sld [smem:$0x3FB5]  }
0x2e: {  	s3 =	simm.s32 @!p0 $0x1082;
	s9 =	sld [smem:$0x3FB6]  }
0x2f: {  	lr =	sadd.s32 s0, s3;
	s0 =	sld [smem:$0x3FAD]  }
0x30: {  	s3 =	sld [smem:$0x3FB0]  }
0x31: {  	[smem:$0x3FB9] =	sst s10  }
0x32: {  	s10 =	sld [smem:$0x3FB7];
	_ =	sdelay $0x3  }
0x33: {  	p0 =	seq.s32 s10, $0x1;
	s10 =	sld [smem:$0x3FB9];
	_ =	sdelay $0x3  }
0x34: {  	[smem:$0x3FB9] =	sst s10  }
0x35: {  	s10 =	sld [smem:$0x3FB8];
	_ =	sdelay $0x3  }
0x36: {  	p1 =	seq.s32 s10, $0x1;
	s10 =	sld [smem:$0x3FB9];
	_ =	sdelay $0x3  }
0x37: {  	[smem:$0x3FB9] =	sst s10  }
0x38: {  	s10 =	sld [smem:$0x3FBA]  }
0x39: {  	_ = 	snop;
	(pc) =	sbr.ind lr, $3  }
0x3a: {  	_ = 	snop  }
0x3b: {  	_ = 	snop  }
0x3c: {  	p2 =	seq.s32 s10, $0x1;
	s10 =	sld [smem:$0x3FB9]  }
0x3d: {  	_ =	shalt  }
0x3e: {  	_ =	shalt  }
0x3f: {  	_ =	shalt  }
0x40: {  	_ =	shalt  }
0x41: {  	_ =	shalt  }
0x42: {  	_ =	shalt  }
0x43: {  	_ =	shalt  }
0x44: {  	_ =	shalt  }
0x45: {  	_ =	shalt  }
0x46: {  	_ =	shalt  }
0x47: {  	_ =	shalt  }
0x48: {  	_ =	shalt  }
0x49: {  	_ =	shalt  }
0x4a: {  	_ =	shalt  }
0x4b: {  	_ =	shalt  }
0x4c: {  	_ =	shalt  }
0x4d: {  	_ =	shalt  }
0x4e: {  	_ =	shalt  }
0x4f: {  	_ =	shalt  }
0x50: {  	_ =	shalt  }
0x51: {  	_ =	shalt  }
0x52: {  	_ =	shalt  }
0x53: {  	_ =	shalt  }
0x54: {  	_ =	shalt  }
0x55: {  	_ =	shalt  }
0x56: {  	_ =	shalt  }
0x57: {  	_ =	shalt  }
0x58: {  	_ =	shalt  }
0x59: {  	_ =	shalt  }
0x5a: {  	_ =	shalt  }
0x5b: {  	_ =	shalt  }
0x5c: {  	_ =	shalt  }
0x5d: {  	_ =	shalt  }
0x5e: {  	_ =	shalt  }
0x5f: {  	_ =	shalt  }
0x60: {  	_ =	shalt  }
0x61: {  	_ =	shalt  }
0x62: {  	_ =	shalt  }
0x63: {  	_ =	shalt  }
0x64: {  	_ =	shalt  }
0x65: {  	_ =	shalt  }
0x66: {  	_ =	shalt  }
0x67: {  	_ =	shalt  }
0x68: {  	_ =	shalt  }
0x69: {  	_ =	shalt  }
0x6a: {  	_ =	shalt  }
0x6b: {  	_ =	shalt  }
0x6c: {  	_ =	shalt  }
0x6d: {  	_ =	shalt  }
0x6e: {  	_ =	shalt  }
0x6f: {  	_ =	shalt  }
0x70: {  	_ =	shalt  }
0x71: {  	_ =	shalt  }
0x72: {  	_ =	shalt  }
0x73: {  	_ =	shalt  }
0x74: {  	_ =	shalt  }
0x75: {  	_ =	shalt  }
0x76: {  	_ =	shalt  }
0x77: {  	_ =	shalt  }
0x78: {  	_ =	shalt  }
0x79: {  	_ =	shalt  }
0x7a: {  	_ =	shalt  }
0x7b: {  	_ =	shalt  }
0x7c: {  	_ =	shalt  }
0x7d: {  	_ =	shalt  }
0x7e: {  	_ =	shalt  }
0x7f: {  	_ =	shalt  }
0x80: {  	_ =	shalt  }
0x81: {  	_ =	shalt  }
0x82: {  	_ =	shalt  }
0x83: {  	_ =	shalt  }
0x84: {  	_ =	shalt  }
0x85: {  	_ =	shalt  }
0x86: {  	_ =	shalt  }
0x87: {  	_ =	shalt  }
.Lfunc_end0:
.L_simem_size_0:
called_computation_lowered:
.L_overlay_start_0:
0x88: {  	s2 =	sld [smem:$0x3FD9]  }
0x89: {  	s3 =	sld [smem:$0x3FFE];
	_ =	sdelay $0x1  }
0x8a: {  	s1 =	srdreg.scid  }
0x8b: {  	s0 =	sand.u32 $0x1, s1  }
0x8c: {  	s14 =	sshll.u32 s0, $0xA;
	s2 =	sadd.s32 s3, s2  }
0x8d: {  	s2 =	sadd.s32 s2, s14  }
0x8e: {  	[smem:$0x3FC5] =	sst s2  }
0x8f: {  	_ = 	snop  }
0x90: {  	s2 =	sld [smem:$0x3FD0]  }
0x91: {  	s15 =	sld [smem:$0x3FC9]  }
0x92: {  	s4 =	sld [smem:$0x3FC8]  }
0x93: {  	s6 =	simm.s32 $0xA;
	s7 =	simm.s32 $0x10;
	s5 =	sld [smem:$0x3FC7]  }
0x94: {  	[smem:s7], [sflag:s6] =	dma.local [hbm:s2], $0x1  }
0x95: {  	_ =	swait.eq [sflag:s6], $0x1  }
0x96: {  	[sflag:s6] =	ssyncset.done $0x0  }
0x97: {  	s16 =	sld [smem:$0x10];
	[sflag:s6] =	ssyncadd.s32 $0xFFFFFFFF  }
0x98: {  	s17 =	sld [smem:$0x11];
	(tm) =	ssettm $0x1  }
0x99: {  	s18 =	sld [smem:$0x3FFB];
	_ =	sdelay $0x3  }
0x9a: {  	_ =	strace s18  }
0x9b: {  	s7 =	sld [smem:$0x3FFC];
	_ =	sdelay $0x3  }
0x9c: {  	_ =	strace s7  }
0x9d: {  	s7 =	sld [smem:$0x3FFD];
	_ =	sdelay $0x3  }
0x9e: {  	_ =	strace s7  }
0x9f: {  	_ =	strace $0x8FFFFFFF  }
0xa0: {  	s19 =	sld [smem:$0x3FDB];
	_ =	sdelay $0x1  }
0xa1: {  	s8 =	simm.s32 $_scs_section_size  }
0xa2: {  	s9 =	simm.s32 $_size__tile_overlayer_lowered;
	s10 =	simm.s32 $_tile_overlayer_lowered  }
0xa3: {  	s22 =	simm.s32 $0x1BFF;
	s21 =	sshll.u32 s10, $0x1;
	s7 =	sadd.s32 s8, s19  }
0xa4: {  	s11 =	simm.s32 $0x0;
	s20 =	sshll.u32 s9, $0x1;
	s9 =	sadd.s32 s21, s7  }
0xa5: {  	[timem:s11], [sflag:s22] =	dma.local [hbm:s9], s20  }
0xa6: {  	_ =	swait.ge [sflag:s22], s20  }
0xa7: {  	s8 =	ssub.s32 $0x0, s20;
	[sflag:s22] =	ssyncset.done $0x0  }
0xa8: {  	[sflag:s22] =	ssyncadd.s32 s8;
	_ =	sdelay $0x1  }
0xa9: {  	s23 =	simm.s32 $0x1B8B  }
0xaa: {  	_ =	swait.ge [sflag:s23], $0x1  }
0xab: {  	[sflag:s23] =	ssyncset.done $0x0  }
0xac: {  	s25 =	simm.s32 $0x1B8E;
	s24 =	sld [smem:$0x3FFE];
	[sflag:s23] =	ssyncadd.s32 $0xFFFFFFFF  }
0xad: {  	s26 =	simm.s32 $execute0_lowered;
	[smem:$0x3FD2] =	sst s25  }
0xae: {  	s9 =	sshll.u32 s26, $0x1;
	_ =	strace $0x80000046;
	[dreg:$0x1] =	wrdreg $0xFFFFFFFF  }
0xaf: {  	s28 =	simm.s32 $_size_execute0_lowered;
	s7 =	sadd.s32 s7, s9;
	[dreg:$0x0] =	wrdreg $0x0  }
0xb0: {  	s9 =	sshll.u32 s28, $0x1;
	[dreg:$0x2] =	wrdreg s7  }
0xb1: {  	[dreg:$0x3] =	wrdreg s9  }
0xb2: {  	[dreg:$0x4] =	wrdreg $0xC0  }
0xb3: {  	_ =	task [dreg:s11], $0x5FFFF  }
0xb4: {  	[dreg:$0x1] =	wrdreg $0xFFFFFFFF  }
0xb5: {  	[dreg:$0x0] =	wrdreg $0x60  }
0xb6: {  	[dreg:$0x2] =	wrdreg s15  }
0xb7: {  	[dreg:$0x3] =	wrdreg s4  }
0xb8: {  	[dreg:$0x4] =	wrdreg s5  }
0xb9: {  	[dreg:$0x5] =	wrdreg s24  }
0xba: {  	[dreg:$0x6] =	wrdreg s16  }
0xbb: {  	[dreg:$0x7] =	wrdreg s17  }
0xbc: {  	[dreg:$0x8] =	wrdreg $0x9  }
0xbd: {  	_ =	task.clear_ibuf [dreg:s11], $0x9FFFF;
	_ =	strace $0x90000046  }
0xbe: {  	s29 =	simm.s32 $0x9;
	_ =	strace $0x80000048  }
0xbf: {  	_ =	swait.ge [sflag:s29], $0x1  }
0xc0: {  	[sflag:s29] =	ssyncadd.s32 $0xFFFFFFFF  }
0xc1: {  	_ =	strace $0x90000048  }
0xc2: {  	_ =	sfence  }
0xc3: {  	s30 =	sld [smem:$0x0];
	_ =	sdelay $0x2  }
0xc4: {  	s31 =	sshll.u32 s1, $0xD;
	s1 =	sshrl.u32 s1, $0x2  }
0xc5: {  	s3 =	sand.u32 $0x4000, s31;
	s1 =	sadd.s32 s1, s30  }
0xc6: {  	s0 =	sor.u32 s3, s0;
	s1 =	sshll.u32 s1, $0x11  }
0xc7: {  	s0 =	sor.u32 s1, s0  }
0xc8: {  	s0 =	sadd.s32 $0x8F2B, s0  }
0xc9: {  	[sflag:s0] =	ssyncadd.remote.s32 $0x1  }
0xca: {  	_ =	sfence.sel $0xFFFF  }
0xcb: {  	[dreg:$0x0] =	wrdreg $0xFFFFFFFF;
	(pc) =	sbr.abs _section_cstart, $3  }
0xcc: {  	[dreg:$0x1] =	wrdreg $0xFFFFFFFF  }
0xcd: {  	_ =	task.clear_ibuf [dreg:s11], $0x2FFFF;
	_ =	strace $0x9FFFFFFF  }
0xce: {  	(tm) =	ssettm $0x7FFFFFFF  }
0xcf: {  	_ =	shalt  }
tec
execute0_lowered:
.L_overlay_start_1:
0x0: {  	(tag) =	ssettag $0x1  }
0x1: {  	s0 =	srdreg.scid;
	s4 =	rddreg [dreg:$0x0]  }
0x2: {  	s3 =	stileid.u32;
	s6 =	rddreg [dreg:$0x3]  }
0x3: {  	s7 =	rddreg [dreg:$0x4];
	s1 =	simm.s32 $0x1;
	s0 =	sand.u32 $0x1, s0  }
0x4: {  	s28 =	simm.s32 $0x9A00;
	s29 =	simm.s32 $0x11A00;
	s5 =	sor.u32 s0, s3  }
0x5: {  	s30 =	simm.s32 $0x15A00;
	p1 =	seq.s32 s0, $0x1;
	p0 =	seq.s32 s5, $0x0  }
0x6: {  	s31 =	simm.s32 $0x2;
	s2 =	ssub.s32 $0x2, s0;
	p0 =	por !p0, !p1  }
0x7: {  	s16 =	sadd.s32 $0x800, s7;
	s11 =	sshrl.u32 s2, $0x1;
	p0 =	por !p0, !p0  }
0x8: {  	s25 =	sshll.u32 s0, $0x11;
	s2 =	ssub.s32 s2, s11;
	s1 =	simm.s32 @!p0 $0x0  }
0x9: {  	p0 =	sne.s32 s5, $0x0;
	s8 =	ssub.s32 s3, s1;
	s1 =	sshll.u32 s0, $0x5  }
0xa: {  	s0 =	sshllo.u32 s0, $0x5;
	s9 =	sshll.u32 s8, $0x12;
	s10 =	sor.u32 $0x8, s1  }
0xb: {  	s20 =	sor.u32 $0x10, s1;
	s5 =	sshll.u32 s8, $0x7;
	v32 =	vmov s0;
	s0 =	simm.s32 $0x4  }
0xc: {  	s3 =	sor.u32 s25, s9;
	s12 =	sshll.u32 s10, $0xC;
	s13 =	sshll.u32 s20, $0xC  }
0xd: {  	v8 =	vmov s10;
	s10 =	sor.u32 $0x11, s1;
	v16 =	vmov s20;
	s20 =	sor.u32 $0x16, s1;
	s26 =	sshrl.u32 s3, $0x3  }
0xe: {  	s17 =	sor.u32 s12, s9;
	s13 =	sor.u32 s13, s9;
	s12 =	sor.u32 $0x4, s1  }
0xf: {  	v17 =	vmov s10;
	v23 =	vmov s20;
	s20 =	smax.u32 s2, $0x1;
	s10 =	simm.s32 $0x3;
	s18 =	sadd.s32 s4, s26  }
0x10: {  	s19 =	sshrl.u32 s17, $0x3;
	s14 =	sadd.s32 s7, s26;
	[dreg:$0x7] =	wrdreg s18  }
0x11: {  	s15 =	sshrl.u32 s13, $0x3;
	s11 =	sadd.s32 s26, s16;
	[dreg:$0x9] =	wrdreg s14  }
0x12: {  	s17 =	simm.s32 $0x0;
	s13 =	sor.u32 $0x5, s1;
	[dreg:$0xa] =	wrdreg s11  }
0x13: {  	v4 =	vmov s12;
	s12 =	sor.u32 $0x13, s1;
	s3 =	sadd.s32 s4, s19;
	[smem:$0x7FF] =	sst s17  }
0x14: {  	s22 =	sadd.s32 s4, s15;
	s23 =	sadd.s32 s7, s19;
	[dreg:$0x8] =	wrdreg s3  }
0x15: {  	s24 =	sadd.s32 s19, s16;
	s25 =	sadd.s32 s7, s15;
	[dreg:$0xb] =	wrdreg s22  }
0x16: {  	s26 =	sadd.s32 s15, s16;
	s18 =	sadd.s32 $0x800, s6;
	[dreg:$0xc] =	wrdreg s23  }
0x17: {  	s19 =	sor.u32 $0x20, s5;
	s11 =	sor.u32 $0x3, s1;
	[dreg:$0xd] =	wrdreg s24  }
0x18: {  	s14 =	sor.u32 $0x6, s1;
	s6 =	sor.u32 $0xE, s1;
	[dreg:$0xf] =	wrdreg s25  }
0x19: {  	v5 =	vmov s13;
	s13 =	sor.u32 $0x14, s1;
	s3 =	sor.u32 $0x18, s1;
	[dreg:$0x10] =	wrdreg s26  }
0x1a: {  	v36 =	vlaneseq.u32;
	s22 =	sor.u32 $0x9, s1;
	s23 =	sor.u32 $0xA, s1;
	s24 =	sor.u32 $0xB, s1  }
0x1b: {  	v37 =	vimm.s32 $0x0;
	v0 =	vmov s8;
	v3 =	vmov s11;
	s25 =	sor.u32 $0xC, s1;
	s26 =	sor.u32 $0xD, s1;
	s11 =	sor.u32 $0x12, s1  }
0x1c: {  	v22 =	vmov s1;
	v6 =	vmov s14;
	s14 =	sor.u32 $0x15, s1;
	s21 =	sshll.u32 s3, $0xC;
	v9 =	vmov s22;
	s22 =	sor.u32 $0x19, s1  }
0x1d: {  	v10 =	vmov s23;
	v11 =	vmov s24;
	v12 =	vmov s25;
	s23 =	sor.u32 $0x1A, s1;
	s24 =	sor.u32 $0x1B, s1;
	s25 =	sor.u32 $0x1C, s1  }
0x1e: {  	v33 =	vadd.s32 $0x10, v0;
	v34 =	vadd.s32 $0x20, v0;
	v13 =	vmov s26;
	s26 =	sor.u32 $0x1D, s1;
	s9 =	sor.u32 s21, s9;
	s21 =	sor.u32 $0x7, s1  }
0x1f: {  	v26 =	vmov s22;
	v27 =	vmov s23;
	v28 =	vmov s24;
	s22 =	simm.s32 $0x1A00;
	s23 =	simm.s32 $0x5;
	s24 =	simm.s32 $0x80  }
0x20: {  	v35 =	vadd.s32 $0x30, v0;
	v29 =	vmov s25;
	v30 =	vmov s26;
	s25 =	simm.s32 $0x100;
	s26 =	simm.s32 $0x19A80;
	s9 =	sshrl.u32 s9, $0x3  }
0x21: {  	v19 =	vmov s12;
	v14 =	vmov s6;
	v7 =	vmov s21;
	s21 =	sor.u32 $0x17, s1;
	s4 =	sadd.s32 s4, s9;
	s15 =	sadd.s32 s7, s9  }
0x22: {  	v20 =	vmov s13;
	v18 =	vmov s11;
	v21 =	vmov s14;
	s16 =	sadd.s32 s9, s16;
	s7 =	sor.u32 $0x1, s1;
	s9 =	sor.u32 $0x2, s1  }
0x23: {  	v25 =	vmov s3;
	v24 =	vmov s21;
	[dreg:$0xe] =	wrdreg s4;
	v2 =	vmov s9;
	s9 =	sor.u32 $0xF, s1;
	s1 =	sor.u32 $0x1E, s1  }
0x24: {  	s21 =	simm.s32 $0x1;
	v1 =	vmov s7;
	_ =	strace $0x80000047;
	v15 =	vmov s9;
	v31 =	vmov s1;
	s1 =	simm.s32 $0x0  }
.LBB2_1:
0x25: {  	s2 =	rddreg [dreg:$0x7]  }
0x26: {  	[tilespmem:s22], [sflag:$0x1] =	stream.linear.gather [hbm4b:s2+s17], $0x8000, $0x38;
	[tilespmem:$0x19B00] =	vst v63  }
0x27: {  	s9 =	rddreg [dreg:$0x1]  }
0x28: {  	[tilespmem:s17], [sflag:$0x5] =	stream.linear.gather [hbm4b:s9+s17], $0x80, $0x38;
	[tilespmem:$0x19B00] =	vst v63  }
0x29: {  	_ =	swait.ge [sflag:s23], $0x80  }
0x2a: {  	[sflag:s23] =	ssyncset.done $0x0  }
0x2b: {  	[sflag:s23] =	ssyncadd.s32 $0xFFFFFF80  }
0x2c: {  	s11 =	rddreg [dreg:$0x2]  }
0x2d: {  	[tilespmem:s24], [sflag:$0x5] =	stream.linear.gather [hbm4b:s11+s17], $0x80, $0x38;
	[tilespmem:$0x19B00] =	vst v63  }
0x2e: {  	_ =	swait.ge [sflag:s23], $0x80  }
0x2f: {  	[sflag:s23] =	ssyncset.done $0x0  }
0x30: {  	[sflag:s23] =	ssyncadd.s32 $0xFFFFFF80  }
0x31: {  	[tilespmem:s25], [sflag:$0x5] =	stream.linear.gather [hbm4b:s18+s17], $0x880, $0x38;
	[tilespmem:$0x19B00] =	vst v63  }
0x32: {  	_ =	swait.ge [sflag:s23], $0x880  }
0x33: {  	[sflag:s23] =	ssyncset.done $0x0  }
0x34: {  	[sflag:s23] =	ssyncadd.s32 $0xFFFFF780  }
0x35: {  	v38 =	vld [tilespmem:$0x0];
	_ =	sdelay $0x4  }
0x36: {  	v39 =	vcvt.s32.f32 v38;
	_ =	sdelay $0x1  }
0x37: {  	v39 =	vmul.f32 $8.000000110e-01, v39;
	_ =	sdelay $0x1  }
0x38: {  	v39 =	vtrunc.f32 v39  }
0x39: {  	v39 =	vcvt.f32.s32 v39;
	_ =	sdelay $0x1  }
0x3a: {  	vm0 =	vgt.s32 v39, $0x1  }
0x3b: {  	v41 =	vnsel vm0, $0x1, v39  }
0x3c: {  	v39 =	vcvt.s32.f32 v41;
	_ =	sdelay $0x1  }
0x3d: {  	v39 =	vmul.f32 $2.000000030e-01, v39;
	_ =	sdelay $0x1  }
0x3e: {  	v39 =	vtrunc.f32 v39  }
0x3f: {  	v39 =	vcvt.f32.s32 v39  }
0x40: {  	v38 =	vsub.s32 v38, v41  }
0x41: {  	vm0 =	vgt.s32 v38, $0x0;
	v40 =	vsub.s32 v41, v39  }
0x42: {  	v42 =	vld [tilespmem:$0x100];
	v38 =	vnsel vm0, $0x0, v38;
	vm0 =	vgt.s32 v40, $0x0  }
0x43: {  	v43 =	vld [tilespmem:$0x110];
	v38 =	vcvt.s32.f32 v38;
	v40 =	vnsel vm0, $0x0, v40  }
0x44: {  	v40 =	vcvt.s32.f32 v40  }
0x45: {  	v38 =	vadd.f32 $1.000000000e+00, v38  }
0x46: {  	v40 =	vadd.f32 $1.000000000e+00, v40  }
0x47: {  	v38 =	vmul.f32 v38, v42  }
0x48: {  	v40 =	vmul.f32 v40, v43  }
0x49: {  	v38 =	vtrunc.f32 v38  }
0x4a: {  	[tilespmem:$0x19A80] =	vst v41;
	v38 =	vcvt.f32.s32 v38;
	v40 =	vtrunc.f32 v40  }
0x4b: {  	[tilespmem:$0x19AB0] =	vst v39;
	v40 =	vcvt.f32.s32 v40  }
0x4c: {  	[tilespmem:$0x19A90] =	vst v38  }
0x4d: {  	[tilespmem:$0x19AA0] =	vst v40  }
0x4e: {  	v38 =	vld.idx.msk [tilespmem:v0+s26+$0x0], $0xffff  }
0x4f: {  	v39 =	vld.idx.msk [tilespmem:v33+s26+$0x0], $0xffff  }
0x50: {  	s3 =	simm.s32 @!p0 $0x19A00;
	v40 =	vld.idx.msk [tilespmem:v34+s26+$0x0], $0xffff  }
0x51: {  	s4 =	sadd.s32 $0x0, s19;
	s2 =	simm.s32 @!p0 $0x0;
	s5 =	rddreg [dreg:$0x5];
	v53 =	vld.idx.msk [tilespmem:v35+s26+$0x0], $0xffff;
	[tilespmem:$0x19A00] =	vst @!p0 v41  }
0x52: {  	v54 =	vmov s4;
	[hbm4b:s5+s2] =	stream.linear.scatter @!p0 [tilespmem:s3], [sflag:$0x5], $0x80, $0x38;
	[tilespmem:$0x19B00] =	vst v63  }
0x53: {  	s2 =	simm.s32 @!p0 $0x5  }
0x54: {  	_ =	swait.ge @!p0 [sflag:s2], $0x80  }
0x55: {  	[sflag:s2] =	ssyncset.done @!p0 $0x0  }
0x56: {  	[sflag:s2] =	ssyncadd.s32 @!p0 $0xFFFFFF80  }
0x57: {  	v44 =	vld.idx.msk [tilespmem:v54+s25+$0x0], $0xffff  }
0x58: {  	v56 =	vor.u32 s17, v36  }
0x59: {  	v45 =	vxor.u32 $0xFFFFFFFF, v56;
	v55 =	vshll.u32 v40, $0x1;
	v42 =	vadd.s32 v40, v53  }
0x5a: {  	s12 =	sand.u32 $0x10, s17;
	vm0 =	vge.s32 v56, v40;
	v41 =	vadd.s32 v53, v55;
	vm1 =	vlt.s32 v56, v42  }
0x5b: {  	v46 =	vor.u32 s12, v36;
	vm0 =	vmand vm0, vm1;
	v45 =	vadd.s32 v45, v41  }
0x5c: {  	s13 =	sadd.s32 $0x0, s19;
	v45 =	vsel vm0, v45, v56;
	v44 =	vshrl.u32 v44, v46  }
0x5d: {  	v57 =	vmov s13;
	v45 =	vadd.s32 v39, v45;
	v44 =	vand.u32 $0x1, v44  }
0x5e: {  	vm0 =	vlt.s32 v56, v38;
	vm1 =	vgt.s32 v45, $0x0;
	vm2 =	veq.s32 v44, $0x1  }
0x5f: {  	v45 =	vnsel vm1, $0x0, v45;
	vm1 =	vmand vm0, vm2;
	vm2 =	veq.s32 v44, $0x0  }
0x60: {  	v58 =	vmin.u32 v45, $0xFFF;
	vm0 =	vmand vm0, vm2;
	v59 =	vsel vm1, $0x4000, v37  }
0x61: {  	v44 =	vor.u32 v58, v59;
	v60 =	vsel vm0, $0x2000, v37  }
0x62: {  	s2 =	simm.s32 $0x980;
	v44 =	vor.u32 v60, v44  }
0x63: {  	[tilespmem:s2+$0x0] =	vst v44  }
0x64: {  	v43 =	vld.idx.msk [tilespmem:v57+s25+$0x0], $0xffff  }
0x65: {  	s3 =	simm.s32 $0x10  }
0x66: {  	v61 =	vor.u32 s3, v36  }
0x67: {  	s14 =	sand.u32 $0x10, s3;
	v62 =	vxor.u32 $0xFFFFFFFF, v61;
	vm1 =	vlt.s32 v61, v42;
	vm0 =	vge.s32 v61, v40  }
0x68: {  	v63 =	vor.u32 s14, v36;
	vm0 =	vmand vm0, vm1;
	v44 =	vadd.s32 v62, v41  }
0x69: {  	v44 =	vsel vm0, v44, v61;
	v43 =	vshrl.u32 v43, v63  }
0x6a: {  	s4 =	simm.s32 $0x3;
	s5 =	sadd.s32 $0x1, s19;
	vm0 =	vlt.s32 v61, v38;
	v44 =	vadd.s32 v39, v44;
	v43 =	vand.u32 $0x1, v43  }
.LBB2_2:
0x6b: {  	p1 =	sne.s32 s4, $0xFF;
	v45 =	vmov s5;
	vm1 =	vgt.s32 v44, $0x0;
	vm2 =	veq.s32 v43, $0x1  }
0x6c: {  	v44 =	vnsel vm1, $0x0, v44;
	vm1 =	vmand vm0, vm2;
	vm2 =	veq.s32 v43, $0x0  }
0x6d: {  	v43 =	vmin.u32 v44, $0xFFF;
	vm0 =	vmand vm0, vm2;
	v44 =	vsel vm1, $0x4000, v37  }
0x6e: {  	v43 =	vor.u32 v43, v44;
	v44 =	vsel vm0, $0x2000, v37  }
0x6f: {  	s2 =	sadd.s32 $0x10, s2;
	v43 =	vor.u32 v44, v43  }
0x70: {  	[tilespmem:s2+$0x0] =	vst v43  }
0x71: {  	v43 =	vld.idx.msk [tilespmem:v45+s25+$0x0], $0xffff;
	_ =	sdelay $0x1  }
0x72: {  	s3 =	sadd.s32 $0x10, s3  }
.Ltmp0:
0x73: {  	v45 =	vor.u32 s3, v36;
	(pc) =	sbr.rel @p1 .LBB2_2-.Ltmp0, $4  }
0x74: {  	s5 =	sand.u32 $0x10, s3;
	vm0 =	vge.s32 v45, v40;
	vm1 =	vlt.s32 v45, v42;
	v44 =	vxor.u32 $0xFFFFFFFF, v45  }
0x75: {  	v46 =	vor.u32 s5, v36;
	vm0 =	vmand vm0, vm1;
	v44 =	vadd.s32 v44, v41  }
0x76: {  	s5 =	sshrl.u32 s4, $0x1;
	v44 =	vsel vm0, v44, v45;
	v43 =	vshrl.u32 v43, v46  }
0x77: {  	s4 =	sadd.s32 $0x1, s4;
	s5 =	sadd.s32 s5, s19;
	vm0 =	vlt.s32 v45, v38;
	v44 =	vadd.s32 v39, v44;
	v43 =	vand.u32 $0x1, v43  }
0x78: {  	v45 =	vmov s5;
	vm1 =	vgt.s32 v44, $0x0;
	vm2 =	veq.s32 v43, $0x1  }
0x79: {  	vm7 =	veq.s32 v43, $0x0;
	v44 =	vnsel vm1, $0x0, v44;
	vm6 =	vmand vm0, vm2  }
0x7a: {  	vm8 =	vmand vm0, vm7;
	v52 =	vmin.u32 v44, $0xFFF;
	v53 =	vsel vm6, $0x4000, v37  }
0x7b: {  	v54 =	vsel vm8, $0x2000, v37;
	v43 =	vor.u32 v52, v53  }
0x7c: {  	s2 =	sadd.s32 $0x10, s2;
	v43 =	vor.u32 v54, v43  }
0x7d: {  	[tilespmem:s2+$0x0] =	vst v43  }
0x7e: {  	v43 =	vld.idx.msk [tilespmem:v45+s25+$0x0], $0xffff  }
0x7f: {  	s3 =	sadd.s32 $0x10, s3  }
0x80: {  	v55 =	vor.u32 s3, v36  }
0x81: {  	s3 =	sand.u32 $0x10, s3;
	vm9 =	vge.s32 v55, v40;
	vm10 =	vlt.s32 v55, v42;
	v56 =	vxor.u32 $0xFFFFFFFF, v55  }
0x82: {  	v57 =	vor.u32 s3, v36;
	vm0 =	vmand vm9, vm10;
	v40 =	vadd.s32 v56, v41  }
0x83: {  	v40 =	vsel vm0, v40, v55;
	v41 =	vshrl.u32 v43, v57  }
0x84: {  	v39 =	vadd.s32 v39, v40;
	v58 =	vand.u32 $0x1, v41  }
0x85: {  	vm11 =	vlt.s32 v55, v38;
	vm12 =	vgt.s32 v39, $0x0;
	vm13 =	veq.s32 v58, $0x1  }
0x86: {  	v59 =	vnsel vm12, $0x0, v39;
	vm15 =	veq.s32 v58, $0x0;
	vm14 =	vmand vm11, vm13  }
0x87: {  	v38 =	vmin.u32 v59, $0xFFF;
	vm0 =	vmand vm11, vm15;
	v60 =	vsel vm14, $0x4000, v37  }
0x88: {  	v61 =	vsel vm0, $0x2000, v37;
	v38 =	vor.u32 v38, v60  }
0x89: {  	s2 =	sadd.s32 $0x10, s2;
	v38 =	vor.u32 v61, v38  }
0x8a: {  	[tilespmem:s2+$0x0] =	vst v38  }
0x8b: {  	_ =	swait.ge [sflag:s21], $0x8000  }
0x8c: {  	[sflag:s21] =	ssyncset.done $0x0  }
0x8d: {  	s2 =	simm.s32 $0x0;
	s13 =	rddreg [dreg:$0x8];
	[sflag:s21] =	ssyncadd.s32 $0xFFFF8000  }
0x8e: {  	[tilespmem:s28], [sflag:$0x2] =	stream.linear.gather [hbm4b:s13+s2], $0x8000, $0x38;
	[tilespmem:$0x19B00] =	vst v63  }
0x8f: {  	v50 =	vld [tilespmem:$0x980];
	_ =	sdelay $0x3  }
0x90: {  	v43 =	vld.idx.msk [tilespmem:v22+s24+$0x0], $0xffff  }
0x91: {  	v39 =	vld.idx.msk [tilespmem:v1+s24+$0x0], $0xffff;
	v62 =	vshll.u32 v50, $0x3  }
0x92: {  	v42 =	vld.idx.msk [tilespmem:v2+s24+$0x0], $0xffff;
	v63 =	vand.u32 $0x7F, v50;
	v41 =	vand.u32 $0xFC00, v62  }
0x93: {  	v38 =	vld.idx.msk [tilespmem:v3+s24+$0x0], $0xffff;
	v47 =	vor.u32 v63, v41  }
0x94: {  	s6 =	simm.s32 $0x990;
	v40 =	vld.idx.msk [tilespmem:v4+s24+$0x0], $0xffff;
	v52 =	vor.u32 $0x180, v47  }
0x95: {  	s4 =	simm.s32 $0x10;
	s8 =	simm.s32 $0x20;
	s14 =	sand.u32 $0x7, s2;
	v44 =	vld.idx.msk [tilespmem:v5+s24+$0x0], $0xffff  }
0x96: {  	s11 =	simm.s32 $0x990;
	s9 =	simm.s32 $0x0;
	s3 =	sshll.u32 s14, $0x4;
	v45 =	vld.idx.msk [tilespmem:v7+s24+$0x0], $0xffff;
	v46 =	vand.u32 $0x2000, v50;
	v50 =	vand.u32 $0x4000, v50  }
0x97: {  	s7 =	simm.s32 $0x0;
	s5 =	sadd.s32 $0x0, s3;
	s3 =	simm.s32 $0x0;
	v41 =	vld.idx.msk [tilespmem:v6+s24+$0x0], $0xffff;
	v49 =	vor.u32 $0x200, v47;
	v48 =	vor.u32 $0x300, v47;
	v51 =	vor.u32 $0x80, v47  }
.LBB2_4:
0x98: {  	s2 =	sadd.s32 $0x80, s2  }
0x99: {  	v52 =	vld.idx.msk [tilespmem:v52+s22+$0x0], $0xffff;
	s3 =	sadd.s32 $0x1, s3;
	s6 =	sadd.s32 $0x10, s6;
	s13 =	smov.u32 s8  }
0x9a: {  	p1 =	sne.s32 s8, $0x7F0;
	s8 =	sadd.s32 $0x10, s8;
	v54 =	vor.u32 $0x280, v47;
	s12 =	sand.u32 $0x7, s3;
	v53 =	vld.idx.msk [tilespmem:v47+s22+$0x0], $0xffff  }
0x9b: {  	v55 =	vor.u32 $0x100, v47;
	s12 =	sshll.u32 s12, $0x4;
	v56 =	vld [tilespmem:s11+$0x0];
	s11 =	smov.u32 s6  }
0x9c: {  	v47 =	vor.u32 $0x380, v47;
	s12 =	sadd.s32 s12, s2;
	v49 =	vld.idx.msk [tilespmem:v49+s22+$0x0], $0xffff  }
0x9d: {  	v51 =	vld.idx.msk [tilespmem:v51+s22+$0x0], $0xffff  }
0x9e: {  	vm1 =	veq.s32 v46, $0x0;
	v48 =	vld.idx.msk [tilespmem:v48+s22+$0x0], $0xffff  }
0x9f: {  	vm0 =	veq.s32 v50, $0x0;
	v46 =	vsel vm1, $0x0, v52;
	v50 =	vld.idx.msk [tilespmem:v54+s22+$0x0], $0xffff  }
0xa0: {  	s9 =	sand.u32 $0x70, s9;
	s14 =	sand.u32 $0x3C00, s7;
	s7 =	smov.u32 s2;
	v53 =	vsel vm1, $0x0, v53;
	v52 =	vand.u32 $0x7F, v56;
	v54 =	vshll.u32 v56, $0x3;
	v55 =	vld.idx.msk [tilespmem:v55+s22+$0x0], $0xffff  }
0xa1: {  	s14 =	sor.u32 s9, s14;
	s9 =	smov.u32 s4;
	s4 =	smov.u32 s13;
	v58 =	vsel vm0, v46, v38;
	v53 =	vsel vm0, v53, v43;
	v54 =	vand.u32 $0xFC00, v54;
	v57 =	vld.idx.msk [tilespmem:v47+s22+$0x0], $0xffff  }
0xa2: {  	s13 =	sadd.s32 $0x11A00, s14;
	v46 =	vand.u32 $0x2000, v56;
	v49 =	vsel vm1, $0x0, v49;
	v47 =	vor.u32 v52, v54;
	[tilespmem:s14+$0x11A00] =	vst v53  }
0xa3: {  	v51 =	vsel vm1, $0x0, v51;
	v53 =	vsel vm0, v49, v40;
	v52 =	vor.u32 $0x180, v47;
	[tilespmem:s13+$0x180] =	vst v58  }
0xa4: {  	v49 =	vor.u32 $0x200, v47;
	v51 =	vsel vm0, v51, v39;
	[tilespmem:s13+$0x200] =	vst v53;
	v53 =	vsel vm1, $0x0, v48  }
.Ltmp1:
0xa5: {  	v48 =	vor.u32 $0x300, v47;
	v50 =	vsel vm1, $0x0, v50;
	[tilespmem:s13+$0x80] =	vst v51;
	v53 =	vsel vm0, v53, v41;
	(pc) =	sbr.rel @p1 .LBB2_4-.Ltmp1, $4  }
0xa6: {  	v51 =	vor.u32 $0x80, v47;
	v54 =	vsel vm1, $0x0, v55;
	v55 =	vsel vm0, v50, v44;
	[tilespmem:s13+$0x300] =	vst v53  }
0xa7: {  	v50 =	vand.u32 $0x4000, v56;
	v53 =	vsel vm0, v54, v42;
	v54 =	vsel vm1, $0x0, v57;
	[tilespmem:s13+$0x280] =	vst v55  }
0xa8: {  	[tilespmem:s13+$0x100] =	vst v53;
	v53 =	vsel vm0, v54, v45;
	s13 =	sor.u32 $0x380, s5;
	s5 =	smov.u32 s12  }
0xa9: {  	[tilespmem:s13+$0x11A00] =	vst v53  }
0xaa: {  	_ =	sdelay $0x3  }
0xab: {  	v52 =	vld.idx.msk [tilespmem:v52+s22+$0x0], $0xffff  }
0xac: {  	v53 =	vld.idx.msk [tilespmem:v47+s22+$0x0], $0xffff;
	v54 =	vor.u32 $0x280, v47  }
0xad: {  	v55 =	vor.u32 $0x100, v47;
	v56 =	vld [tilespmem:s11+$0x0]  }
0xae: {  	v49 =	vld.idx.msk [tilespmem:v49+s22+$0x0], $0xffff;
	v60 =	vor.u32 $0x380, v47  }
0xaf: {  	v51 =	vld.idx.msk [tilespmem:v51+s22+$0x0], $0xffff  }
0xb0: {  	v48 =	vld.idx.msk [tilespmem:v48+s22+$0x0], $0xffff;
	vm1 =	veq.s32 v46, $0x0  }
0xb1: {  	vm0 =	veq.s32 v50, $0x0;
	s6 =	sand.u32 $0x70, s9;
	s7 =	sand.u32 $0x3C00, s7;
	v61 =	vld.idx.msk [tilespmem:v54+s22+$0x0], $0xffff;
	v53 =	vsel vm1, $0x0, v53  }
0xb2: {  	s6 =	sor.u32 s6, s7;
	v62 =	vld.idx.msk [tilespmem:v55+s22+$0x0], $0xffff;
	v52 =	vsel vm1, $0x0, v52;
	v53 =	vsel vm0, v53, v43  }
0xb3: {  	s7 =	sadd.s32 $0x11A00, s6;
	v63 =	vand.u32 $0x7F, v56;
	v47 =	vld.idx.msk [tilespmem:v60+s22+$0x0], $0xffff;
	v49 =	vsel vm1, $0x0, v49;
	v52 =	vsel vm0, v52, v38;
	[tilespmem:s6+$0x11A00] =	vst v53  }
0xb4: {  	v57 =	vshll.u32 v56, $0x3;
	v51 =	vsel vm1, $0x0, v51;
	v49 =	vsel vm0, v49, v40;
	[tilespmem:s7+$0x180] =	vst v52  }
0xb5: {  	v48 =	vsel vm1, $0x0, v48;
	v58 =	vand.u32 $0xFC00, v57;
	v51 =	vsel vm0, v51, v39;
	[tilespmem:s7+$0x200] =	vst v49  }
0xb6: {  	v48 =	vsel vm0, v48, v41;
	v59 =	vor.u32 v63, v58;
	[tilespmem:s7+$0x80] =	vst v51;
	v46 =	vsel vm1, $0x0, v61  }
0xb7: {  	[tilespmem:s7+$0x300] =	vst v48;
	v60 =	vor.u32 $0x180, v59;
	v50 =	vsel vm1, $0x0, v62;
	v46 =	vsel vm0, v46, v44  }
0xb8: {  	v63 =	vor.u32 $0x80, v59;
	v62 =	vsel vm1, $0x0, v47;
	v50 =	vsel vm0, v50, v42;
	[tilespmem:s7+$0x280] =	vst v46  }
0xb9: {  	s5 =	sor.u32 $0x380, s5;
	v53 =	vor.u32 $0x100, v59;
	[tilespmem:s7+$0x100] =	vst v50;
	v46 =	vsel vm0, v62, v45  }
0xba: {  	v61 =	vor.u32 $0x200, v59;
	[tilespmem:s5+$0x11A00] =	vst v46  }
0xbb: {  	v57 =	vor.u32 $0x300, v59;
	v51 =	vld.idx.msk [tilespmem:v59+s22+$0x0], $0xffff  }
0xbc: {  	v58 =	vor.u32 $0x280, v59;
	v46 =	vld.idx.msk [tilespmem:v60+s22+$0x0], $0xffff  }
0xbd: {  	v52 =	vor.u32 $0x380, v59;
	v47 =	vld.idx.msk [tilespmem:v63+s22+$0x0], $0xffff  }
0xbe: {  	v59 =	vand.u32 $0x2000, v56;
	v53 =	vld.idx.msk [tilespmem:v53+s22+$0x0], $0xffff  }
0xbf: {  	s2 =	sadd.s32 $0x80, s2;
	v60 =	vand.u32 $0x4000, v56;
	v48 =	vld.idx.msk [tilespmem:v61+s22+$0x0], $0xffff;
	vm0 =	veq.s32 v59, $0x0  }
0xc0: {  	s4 =	sand.u32 $0x70, s4;
	s8 =	sand.u32 $0x3C00, s2;
	v50 =	vld.idx.msk [tilespmem:v57+s22+$0x0], $0xffff;
	vm1 =	veq.s32 v60, $0x0;
	v51 =	vsel vm0, $0x0, v51  }
0xc1: {  	s4 =	sor.u32 s4, s8;
	v49 =	vld.idx.msk [tilespmem:v58+s22+$0x0], $0xffff;
	v46 =	vsel vm0, $0x0, v46;
	v51 =	vsel vm1, v51, v43  }
0xc2: {  	s5 =	sadd.s32 $0x11A00, s4;
	v52 =	vld.idx.msk [tilespmem:v52+s22+$0x0], $0xffff;
	v47 =	vsel vm0, $0x0, v47;
	v46 =	vsel vm1, v46, v38;
	[tilespmem:s4+$0x11A00] =	vst v51  }
0xc3: {  	v54 =	vsel vm0, $0x0, v53;
	v47 =	vsel vm1, v47, v39;
	[tilespmem:s5+$0x180] =	vst v46  }
0xc4: {  	s3 =	sadd.s32 $0x1, s3;
	v48 =	vsel vm0, $0x0, v48;
	v55 =	vsel vm1, v54, v42;
	[tilespmem:s5+$0x80] =	vst v47  }
0xc5: {  	s3 =	sand.u32 $0x7, s3;
	v62 =	vsel vm0, $0x0, v50;
	v61 =	vsel vm1, v48, v40;
	[tilespmem:s5+$0x100] =	vst v55  }
0xc6: {  	s3 =	sshll.u32 s3, $0x4;
	v63 =	vsel vm0, $0x0, v49;
	v46 =	vsel vm1, v62, v41;
	[tilespmem:s5+$0x200] =	vst v61  }
0xc7: {  	s2 =	sadd.s32 s3, s2;
	v56 =	vsel vm0, $0x0, v52;
	v47 =	vsel vm1, v63, v44;
	[tilespmem:s5+$0x300] =	vst v46  }
0xc8: {  	s2 =	sor.u32 $0x380, s2;
	v57 =	vsel vm1, v56, v45;
	[tilespmem:s5+$0x280] =	vst v47  }
0xc9: {  	s9 =	rddreg [dreg:$0x9];
	[tilespmem:s2+$0x11A00] =	vst v57  }
0xca: {  	[hbm4b:s9+s17] =	stream.linear.scatter [tilespmem:s29], [sflag:$0x3], $0x4000, $0x38;
	[tilespmem:$0x19B00] =	vst v63  }
0xcb: {  	v48 =	vld [tilespmem:$0x1180];
	_ =	sdelay $0x4  }
0xcc: {  	v58 =	vshll.u32 v48, $0x3  }
0xcd: {  	v59 =	vand.u32 $0x7F, v48;
	v46 =	vand.u32 $0xFC00, v58  }
0xce: {  	v49 =	vor.u32 v59, v46  }
0xcf: {  	v46 =	vor.u32 $0x280, v49;
	_ =	sdelay $0x1  }
0xd0: {  	v47 =	vor.u32 $0x100, v49  }
0xd1: {  	v51 =	vor.u32 $0x380, v49  }
0xd2: {  	v53 =	vld.idx.msk [tilespmem:v49+s22+$0x0], $0xffff  }
0xd3: {  	s11 =	simm.s32 $0x1190;
	v60 =	vor.u32 $0x200, v49;
	v61 =	vld.idx.msk [tilespmem:v46+s22+$0x0], $0xffff  }
0xd4: {  	v62 =	vor.u32 $0x80, v49;
	v46 =	vld [tilespmem:s11+$0x0]  }
0xd5: {  	v50 =	vld.idx.msk [tilespmem:v47+s22+$0x0], $0xffff  }
0xd6: {  	s13 =	simm.s32 $0x800;
	s14 =	simm.s32 $0x810;
	v47 =	vld.idx.msk [tilespmem:v51+s22+$0x0], $0xffff;
	v51 =	vor.u32 $0x300, v49  }
0xd7: {  	s12 =	simm.s32 $0x4000;
	s8 =	sand.u32 $0x70, s13;
	s3 =	sand.u32 $0x70, s14;
	v63 =	vand.u32 $0x2000, v48;
	v52 =	vor.u32 $0x180, v49  }
0xd8: {  	s6 =	simm.s32 $0x11A0;
	s7 =	simm.s32 $0x820;
	s5 =	simm.s32 $0x4080;
	v57 =	vand.u32 $0x4000, v48;
	vm1 =	veq.s32 v63, $0x0;
	v48 =	vld.idx.msk [tilespmem:v60+s22+$0x0], $0xffff  }
0xd9: {  	s4 =	sand.u32 $0x7C00, s12;
	s2 =	sand.u32 $0x7C00, s5;
	s9 =	simm.s32 $0x11A0;
	vm0 =	veq.s32 v57, $0x0;
	v49 =	vld.idx.msk [tilespmem:v62+s22+$0x0], $0xffff;
	v54 =	vsel vm1, $0x0, v61  }
.LBB2_6:
0xda: {  	p1 =	sne.s32 s7, $0xFF0  }
0xdb: {  	v55 =	vand.u32 $0x4000, v46;
	v56 =	vshll.u32 v46, $0x3;
	s5 =	sadd.s32 $0x80, s5;
	s6 =	sadd.s32 $0x10, s6;
	v57 =	vld.idx.msk [tilespmem:v51+s22+$0x0], $0xffff;
	v51 =	vsel vm1, $0x0, v53;
	v58 =	vmovc v46;
	s11 =	smov.u32 s7  }
0xdc: {  	s7 =	sadd.s32 $0x10, s7;
	v46 =	vand.u32 $0x7F, v46;
	s13 =	sor.u32 s8, s4;
	s12 =	sand.u32 $0x7C00, s5;
	v53 =	vand.u32 $0xFC00, v56;
	v56 =	vld.idx.msk [tilespmem:v52+s22+$0x0], $0xffff;
	v51 =	vsel vm0, v51, v43  }
0xdd: {  	s4 =	smov.u32 s2;
	s11 =	sand.u32 $0x70, s11;
	v50 =	vsel vm1, $0x0, v50;
	v46 =	vor.u32 v46, v53;
	[tilespmem:s13+$0x11A00] =	vst v51;
	v51 =	vsel vm0, v54, v44;
	s2 =	smov.u32 s12  }
0xde: {  	s8 =	smov.u32 s3;
	v50 =	vsel vm0, v50, v42;
	v47 =	vsel vm1, $0x0, v47;
	s3 =	smov.u32 s11;
	v54 =	vor.u32 $0x380, v46;
	[tilespmem:s13+$0x11C80] =	vst v51  }
0xdf: {  	v53 =	vor.u32 $0x280, v46;
	v48 =	vsel vm1, $0x0, v48;
	v47 =	vsel vm0, v47, v45;
	[tilespmem:s13+$0x11B00] =	vst v50  }
0xe0: {  	v51 =	vor.u32 $0x300, v46;
	v49 =	vsel vm1, $0x0, v49;
	v48 =	vsel vm0, v48, v40;
	[tilespmem:s13+$0x11D80] =	vst v47  }
0xe1: {  	v47 =	vor.u32 $0x100, v46;
	v49 =	vsel vm0, v49, v39;
	[tilespmem:s13+$0x11C00] =	vst v48;
	v48 =	vsel vm1, $0x0, v57  }
0xe2: {  	v52 =	vor.u32 $0x180, v46;
	[tilespmem:s13+$0x11A80] =	vst v49;
	v49 =	vsel vm1, $0x0, v56;
	v48 =	vsel vm0, v48, v41  }
0xe3: {  	v49 =	vsel vm0, v49, v38;
	vm0 =	veq.s32 v55, $0x0;
	[tilespmem:s13+$0x11D00] =	vst v48  }
0xe4: {  	[tilespmem:s13+$0x11B80] =	vst v49  }
0xe5: {  	v48 =	vor.u32 $0x200, v46;
	v55 =	vld.idx.msk [tilespmem:v53+s22+$0x0], $0xffff  }
0xe6: {  	v49 =	vor.u32 $0x80, v46;
	v53 =	vld.idx.msk [tilespmem:v46+s22+$0x0], $0xffff  }
.Ltmp2:
0xe7: {  	v46 =	vld [tilespmem:s9+$0x0];
	s9 =	smov.u32 s6;
	(pc) =	sbr.rel @p1 .LBB2_6-.Ltmp2, $4  }
0xe8: {  	v50 =	vld.idx.msk [tilespmem:v47+s22+$0x0], $0xffff  }
0xe9: {  	v56 =	vand.u32 $0x2000, v58;
	v47 =	vld.idx.msk [tilespmem:v54+s22+$0x0], $0xffff  }
0xea: {  	vm1 =	veq.s32 v56, $0x0;
	v48 =	vld.idx.msk [tilespmem:v48+s22+$0x0], $0xffff  }
0xeb: {  	v54 =	vsel vm1, $0x0, v55;
	v49 =	vld.idx.msk [tilespmem:v49+s22+$0x0], $0xffff  }
0xec: {  	_ =	sdelay $0x3  }
0xed: {  	v51 =	vld.idx.msk [tilespmem:v51+s22+$0x0], $0xffff;
	v53 =	vsel vm1, $0x0, v53;
	s4 =	sor.u32 s8, s4;
	v62 =	vsel vm0, v54, v44  }
0xee: {  	v55 =	vshll.u32 v46, $0x3;
	v52 =	vld.idx.msk [tilespmem:v52+s22+$0x0], $0xffff;
	v53 =	vsel vm0, v53, v43;
	v50 =	vsel vm1, $0x0, v50;
	[tilespmem:s4+$0x11C80] =	vst v62  }
0xef: {  	v56 =	vand.u32 $0x7F, v46;
	[tilespmem:s4+$0x11A00] =	vst v53;
	v50 =	vsel vm0, v50, v42;
	v47 =	vsel vm1, $0x0, v47  }
0xf0: {  	v63 =	vand.u32 $0xFC00, v55;
	[tilespmem:s4+$0x11B00] =	vst v50;
	v48 =	vsel vm1, $0x0, v48;
	v47 =	vsel vm0, v47, v45  }
0xf1: {  	v53 =	vor.u32 v56, v63;
	v49 =	vsel vm1, $0x0, v49;
	v48 =	vsel vm0, v48, v40;
	[tilespmem:s4+$0x11D80] =	vst v47  }
0xf2: {  	v56 =	vor.u32 $0x280, v53;
	v57 =	vsel vm0, v49, v39;
	[tilespmem:s4+$0x11C00] =	vst v48;
	v58 =	vsel vm1, $0x0, v51  }
0xf3: {  	v59 =	vor.u32 $0x100, v53;
	v60 =	vsel vm1, $0x0, v52;
	[tilespmem:s4+$0x11A80] =	vst v57;
	v48 =	vsel vm0, v58, v41  }
0xf4: {  	v61 =	vor.u32 $0x380, v53;
	v47 =	vsel vm0, v60, v38;
	[tilespmem:s4+$0x11D00] =	vst v48  }
0xf5: {  	v62 =	vor.u32 $0x200, v53;
	[tilespmem:s4+$0x11B80] =	vst v47  }
0xf6: {  	v63 =	vor.u32 $0x80, v53;
	v54 =	vld.idx.msk [tilespmem:v53+s22+$0x0], $0xffff  }
0xf7: {  	v57 =	vor.u32 $0x300, v53;
	v48 =	vld.idx.msk [tilespmem:v56+s22+$0x0], $0xffff  }
0xf8: {  	v53 =	vor.u32 $0x180, v53;
	v49 =	vld.idx.msk [tilespmem:v59+s22+$0x0], $0xffff  }
0xf9: {  	v58 =	vand.u32 $0x2000, v46;
	v51 =	vld.idx.msk [tilespmem:v61+s22+$0x0], $0xffff  }
0xfa: {  	vm14 =	veq.s32 v58, $0x0;
	v47 =	vld.idx.msk [tilespmem:v62+s22+$0x0], $0xffff;
	v59 =	vand.u32 $0x4000, v46  }
0xfb: {  	v50 =	vld.idx.msk [tilespmem:v63+s22+$0x0], $0xffff;
	vm15 =	veq.s32 v59, $0x0;
	v61 =	vsel vm14, $0x0, v54  }
0xfc: {  	s2 =	sor.u32 s3, s2;
	v60 =	vld.idx.msk [tilespmem:v57+s22+$0x0], $0xffff;
	v48 =	vsel vm14, $0x0, v48;
	v62 =	vsel vm15, v61, v43  }
0xfd: {  	v53 =	vld.idx.msk [tilespmem:v53+s22+$0x0], $0xffff;
	v63 =	vsel vm14, $0x0, v49;
	v48 =	vsel vm15, v48, v44;
	[tilespmem:s2+$0x11A00] =	vst v62  }
0xfe: {  	v52 =	vsel vm14, $0x0, v51;
	v49 =	vsel vm15, v63, v42;
	[tilespmem:s2+$0x11C80] =	vst v48  }
0xff: {  	v54 =	vsel vm14, $0x0, v47;
	v43 =	vsel vm15, v52, v45;
	[tilespmem:s2+$0x11B00] =	vst v49  }
0x100: {  	v55 =	vsel vm14, $0x0, v50;
	v56 =	vsel vm15, v54, v40;
	[tilespmem:s2+$0x11D80] =	vst v43  }
0x101: {  	v57 =	vsel vm15, v55, v39;
	[tilespmem:s2+$0x11C00] =	vst v56;
	v58 =	vsel vm14, $0x0, v60  }
0x102: {  	[tilespmem:s2+$0x11A80] =	vst v57;
	v40 =	vsel vm15, v58, v41;
	v59 =	vsel vm14, $0x0, v53  }
0x103: {  	[tilespmem:s2+$0x11D00] =	vst v40;
	v60 =	vsel vm15, v59, v38  }
0x104: {  	s12 =	rddreg [dreg:$0xa];
	[tilespmem:s2+$0x11B80] =	vst v60;
	s2 =	simm.s32 $0x0  }
0x105: {  	[hbm4b:s12+s2] =	stream.linear.scatter [tilespmem:s30], [sflag:$0x4], $0x4000, $0x38;
	[tilespmem:$0x19B00] =	vst v63  }
0x106: {  	_ =	swait.ge [sflag:s31], $0x8000  }
0x107: {  	[sflag:s31] =	ssyncset.done $0x0  }
0x108: {  	s13 =	rddreg [dreg:$0xb];
	[sflag:s31] =	ssyncadd.s32 $0xFFFF8000  }
0x109: {  	[tilespmem:s22], [sflag:$0x1] =	stream.linear.gather [hbm4b:s13+s2], $0x8000, $0x38;
	[tilespmem:$0x19B00] =	vst v63  }
0x10a: {  	v44 =	vld.idx.msk [tilespmem:v8+s24+$0x0], $0xffff  }
0x10b: {  	v39 =	vld.idx.msk [tilespmem:v9+s24+$0x0], $0xffff  }
0x10c: {  	v42 =	vld.idx.msk [tilespmem:v10+s24+$0x0], $0xffff  }
0x10d: {  	v38 =	vld.idx.msk [tilespmem:v11+s24+$0x0], $0xffff  }
0x10e: {  	v41 =	vld.idx.msk [tilespmem:v12+s24+$0x0], $0xffff  }
0x10f: {  	v45 =	vld.idx.msk [tilespmem:v13+s24+$0x0], $0xffff  }
0x110: {  	v40 =	vld.idx.msk [tilespmem:v14+s24+$0x0], $0xffff  }
0x111: {  	v43 =	vld.idx.msk [tilespmem:v15+s24+$0x0], $0xffff;
	_ =	swait.ge [sflag:s10], $0x4000  }
0x112: {  	[sflag:s10] =	ssyncset.done $0x0  }
0x113: {  	[sflag:s10] =	ssyncadd.s32 $0xFFFFC000  }
0x114: {  	v61 =	vld [tilespmem:$0x980];
	_ =	sdelay $0x4  }
0x115: {  	v62 =	vshll.u32 v61, $0x3  }
0x116: {  	v63 =	vand.u32 $0x7F, v61;
	v46 =	vand.u32 $0xFC00, v62  }
0x117: {  	v47 =	vor.u32 v63, v46  }
0x118: {  	s7 =	simm.s32 $0x990;
	v52 =	vor.u32 $0x180, v47  }
0x119: {  	s8 =	simm.s32 $0x20;
	s11 =	simm.s32 $0x990;
	s14 =	sand.u32 $0x7, s2  }
0x11a: {  	s9 =	simm.s32 $0x0;
	s6 =	simm.s32 $0x0;
	s3 =	sshll.u32 s14, $0x4;
	v50 =	vand.u32 $0x4000, v61;
	v46 =	vand.u32 $0x2000, v61  }
0x11b: {  	s4 =	simm.s32 $0x10;
	s5 =	sadd.s32 $0x0, s3;
	s3 =	simm.s32 $0x0;
	v49 =	vor.u32 $0x200, v47;
	v48 =	vor.u32 $0x300, v47;
	v51 =	vor.u32 $0x80, v47  }
.LBB2_8:
0x11c: {  	s2 =	sadd.s32 $0x80, s2  }
0x11d: {  	v52 =	vld.idx.msk [tilespmem:v52+s28+$0x0], $0xffff;
	s3 =	sadd.s32 $0x1, s3;
	s7 =	sadd.s32 $0x10, s7;
	s13 =	smov.u32 s8  }
0x11e: {  	p1 =	sne.s32 s8, $0x7F0;
	s8 =	sadd.s32 $0x10, s8;
	v54 =	vor.u32 $0x280, v47;
	s12 =	sand.u32 $0x7, s3;
	v53 =	vld.idx.msk [tilespmem:v47+s28+$0x0], $0xffff  }
0x11f: {  	v55 =	vor.u32 $0x100, v47;
	s12 =	sshll.u32 s12, $0x4;
	v56 =	vld [tilespmem:s11+$0x0];
	s11 =	smov.u32 s7  }
0x120: {  	v47 =	vor.u32 $0x380, v47;
	s12 =	sadd.s32 s12, s2;
	v49 =	vld.idx.msk [tilespmem:v49+s28+$0x0], $0xffff  }
0x121: {  	v51 =	vld.idx.msk [tilespmem:v51+s28+$0x0], $0xffff  }
0x122: {  	vm1 =	veq.s32 v46, $0x0;
	v48 =	vld.idx.msk [tilespmem:v48+s28+$0x0], $0xffff  }
0x123: {  	vm0 =	veq.s32 v50, $0x0;
	v46 =	vsel vm1, $0x0, v52;
	v50 =	vld.idx.msk [tilespmem:v54+s28+$0x0], $0xffff  }
0x124: {  	s9 =	sand.u32 $0x70, s9;
	s14 =	sand.u32 $0x3C00, s6;
	s6 =	smov.u32 s2;
	v53 =	vsel vm1, $0x0, v53;
	v52 =	vand.u32 $0x7F, v56;
	v54 =	vshll.u32 v56, $0x3;
	v55 =	vld.idx.msk [tilespmem:v55+s28+$0x0], $0xffff  }
0x125: {  	s14 =	sor.u32 s9, s14;
	s9 =	smov.u32 s4;
	s4 =	smov.u32 s13;
	v58 =	vsel vm0, v46, v38;
	v53 =	vsel vm0, v53, v44;
	v54 =	vand.u32 $0xFC00, v54;
	v57 =	vld.idx.msk [tilespmem:v47+s28+$0x0], $0xffff  }
0x126: {  	s13 =	sadd.s32 $0x11A00, s14;
	v46 =	vand.u32 $0x2000, v56;
	v49 =	vsel vm1, $0x0, v49;
	v47 =	vor.u32 v52, v54;
	[tilespmem:s14+$0x11A00] =	vst v53  }
0x127: {  	v51 =	vsel vm1, $0x0, v51;
	v53 =	vsel vm0, v49, v41;
	v52 =	vor.u32 $0x180, v47;
	[tilespmem:s13+$0x180] =	vst v58  }
0x128: {  	v49 =	vor.u32 $0x200, v47;
	v51 =	vsel vm0, v51, v39;
	[tilespmem:s13+$0x200] =	vst v53;
	v53 =	vsel vm1, $0x0, v48  }
.Ltmp3:
0x129: {  	v48 =	vor.u32 $0x300, v47;
	v50 =	vsel vm1, $0x0, v50;
	[tilespmem:s13+$0x80] =	vst v51;
	v53 =	vsel vm0, v53, v40;
	(pc) =	sbr.rel @p1 .LBB2_8-.Ltmp3, $4  }
0x12a: {  	v51 =	vor.u32 $0x80, v47;
	v54 =	vsel vm1, $0x0, v55;
	v55 =	vsel vm0, v50, v45;
	[tilespmem:s13+$0x300] =	vst v53  }
0x12b: {  	v50 =	vand.u32 $0x4000, v56;
	v53 =	vsel vm0, v54, v42;
	v54 =	vsel vm1, $0x0, v57;
	[tilespmem:s13+$0x280] =	vst v55  }
0x12c: {  	[tilespmem:s13+$0x100] =	vst v53;
	v53 =	vsel vm0, v54, v43;
	s13 =	sor.u32 $0x380, s5;
	s5 =	smov.u32 s12  }
0x12d: {  	[tilespmem:s13+$0x11A00] =	vst v53  }
0x12e: {  	_ =	sdelay $0x3  }
0x12f: {  	v52 =	vld.idx.msk [tilespmem:v52+s28+$0x0], $0xffff  }
0x130: {  	v53 =	vld.idx.msk [tilespmem:v47+s28+$0x0], $0xffff;
	v54 =	vor.u32 $0x280, v47  }
0x131: {  	v55 =	vor.u32 $0x100, v47;
	v56 =	vld [tilespmem:s11+$0x0]  }
0x132: {  	v49 =	vld.idx.msk [tilespmem:v49+s28+$0x0], $0xffff;
	v60 =	vor.u32 $0x380, v47  }
0x133: {  	v51 =	vld.idx.msk [tilespmem:v51+s28+$0x0], $0xffff  }
0x134: {  	v48 =	vld.idx.msk [tilespmem:v48+s28+$0x0], $0xffff;
	vm1 =	veq.s32 v46, $0x0  }
0x135: {  	vm0 =	veq.s32 v50, $0x0;
	s7 =	sand.u32 $0x70, s9;
	s6 =	sand.u32 $0x3C00, s6;
	v61 =	vld.idx.msk [tilespmem:v54+s28+$0x0], $0xffff;
	v53 =	vsel vm1, $0x0, v53  }
0x136: {  	s6 =	sor.u32 s7, s6;
	v62 =	vld.idx.msk [tilespmem:v55+s28+$0x0], $0xffff;
	v52 =	vsel vm1, $0x0, v52;
	v53 =	vsel vm0, v53, v44  }
0x137: {  	s7 =	sadd.s32 $0x11A00, s6;
	v63 =	vand.u32 $0x7F, v56;
	v47 =	vld.idx.msk [tilespmem:v60+s28+$0x0], $0xffff;
	v49 =	vsel vm1, $0x0, v49;
	v52 =	vsel vm0, v52, v38;
	[tilespmem:s6+$0x11A00] =	vst v53  }
0x138: {  	v57 =	vshll.u32 v56, $0x3;
	v51 =	vsel vm1, $0x0, v51;
	v49 =	vsel vm0, v49, v41;
	[tilespmem:s7+$0x180] =	vst v52  }
0x139: {  	v48 =	vsel vm1, $0x0, v48;
	v58 =	vand.u32 $0xFC00, v57;
	v51 =	vsel vm0, v51, v39;
	[tilespmem:s7+$0x200] =	vst v49  }
0x13a: {  	v48 =	vsel vm0, v48, v40;
	v59 =	vor.u32 v63, v58;
	[tilespmem:s7+$0x80] =	vst v51;
	v46 =	vsel vm1, $0x0, v61  }
0x13b: {  	[tilespmem:s7+$0x300] =	vst v48;
	v60 =	vor.u32 $0x180, v59;
	v50 =	vsel vm1, $0x0, v62;
	v46 =	vsel vm0, v46, v45  }
0x13c: {  	v63 =	vor.u32 $0x80, v59;
	v62 =	vsel vm1, $0x0, v47;
	v50 =	vsel vm0, v50, v42;
	[tilespmem:s7+$0x280] =	vst v46  }
0x13d: {  	s5 =	sor.u32 $0x380, s5;
	v53 =	vor.u32 $0x100, v59;
	[tilespmem:s7+$0x100] =	vst v50;
	v46 =	vsel vm0, v62, v43  }
0x13e: {  	v61 =	vor.u32 $0x200, v59;
	[tilespmem:s5+$0x11A00] =	vst v46  }
0x13f: {  	v57 =	vor.u32 $0x300, v59;
	v51 =	vld.idx.msk [tilespmem:v59+s28+$0x0], $0xffff  }
0x140: {  	v58 =	vor.u32 $0x280, v59;
	v46 =	vld.idx.msk [tilespmem:v60+s28+$0x0], $0xffff  }
0x141: {  	v52 =	vor.u32 $0x380, v59;
	v47 =	vld.idx.msk [tilespmem:v63+s28+$0x0], $0xffff  }
0x142: {  	v59 =	vand.u32 $0x2000, v56;
	v53 =	vld.idx.msk [tilespmem:v53+s28+$0x0], $0xffff  }
0x143: {  	s2 =	sadd.s32 $0x80, s2;
	v60 =	vand.u32 $0x4000, v56;
	v48 =	vld.idx.msk [tilespmem:v61+s28+$0x0], $0xffff;
	vm0 =	veq.s32 v59, $0x0  }
0x144: {  	s4 =	sand.u32 $0x70, s4;
	s8 =	sand.u32 $0x3C00, s2;
	v50 =	vld.idx.msk [tilespmem:v57+s28+$0x0], $0xffff;
	vm1 =	veq.s32 v60, $0x0;
	v51 =	vsel vm0, $0x0, v51  }
0x145: {  	s4 =	sor.u32 s4, s8;
	v49 =	vld.idx.msk [tilespmem:v58+s28+$0x0], $0xffff;
	v46 =	vsel vm0, $0x0, v46;
	v51 =	vsel vm1, v51, v44  }
0x146: {  	s5 =	sadd.s32 $0x11A00, s4;
	v52 =	vld.idx.msk [tilespmem:v52+s28+$0x0], $0xffff;
	v47 =	vsel vm0, $0x0, v47;
	v46 =	vsel vm1, v46, v38;
	[tilespmem:s4+$0x11A00] =	vst v51  }
0x147: {  	v54 =	vsel vm0, $0x0, v53;
	v47 =	vsel vm1, v47, v39;
	[tilespmem:s5+$0x180] =	vst v46  }
0x148: {  	s3 =	sadd.s32 $0x1, s3;
	v48 =	vsel vm0, $0x0, v48;
	v55 =	vsel vm1, v54, v42;
	[tilespmem:s5+$0x80] =	vst v47  }
0x149: {  	s3 =	sand.u32 $0x7, s3;
	v62 =	vsel vm0, $0x0, v50;
	v61 =	vsel vm1, v48, v41;
	[tilespmem:s5+$0x100] =	vst v55  }
0x14a: {  	s3 =	sshll.u32 s3, $0x4;
	v63 =	vsel vm0, $0x0, v49;
	v46 =	vsel vm1, v62, v40;
	[tilespmem:s5+$0x200] =	vst v61  }
0x14b: {  	s2 =	sadd.s32 s3, s2;
	v56 =	vsel vm0, $0x0, v52;
	v47 =	vsel vm1, v63, v45;
	[tilespmem:s5+$0x300] =	vst v46  }
0x14c: {  	s2 =	sor.u32 $0x380, s2;
	v57 =	vsel vm1, v56, v43;
	[tilespmem:s5+$0x280] =	vst v47  }
0x14d: {  	s9 =	rddreg [dreg:$0xc];
	[tilespmem:s2+$0x11A00] =	vst v57  }
0x14e: {  	[hbm4b:s9+s17] =	stream.linear.scatter [tilespmem:s29], [sflag:$0x3], $0x4000, $0x38;
	[tilespmem:$0x19B00] =	vst v63  }
0x14f: {  	_ =	swait.ge [sflag:s0], $0x4000  }
0x150: {  	[sflag:s0] =	ssyncset.done $0x0  }
0x151: {  	[sflag:s0] =	ssyncadd.s32 $0xFFFFC000  }
0x152: {  	v48 =	vld [tilespmem:$0x1180];
	_ =	sdelay $0x4  }
0x153: {  	v58 =	vshll.u32 v48, $0x3  }
0x154: {  	v59 =	vand.u32 $0x7F, v48;
	v46 =	vand.u32 $0xFC00, v58  }
0x155: {  	v49 =	vor.u32 v59, v46  }
0x156: {  	v46 =	vor.u32 $0x280, v49;
	_ =	sdelay $0x1  }
0x157: {  	v47 =	vor.u32 $0x100, v49  }
0x158: {  	v51 =	vor.u32 $0x380, v49  }
0x159: {  	v53 =	vld.idx.msk [tilespmem:v49+s28+$0x0], $0xffff  }
0x15a: {  	s11 =	simm.s32 $0x1190;
	v60 =	vor.u32 $0x200, v49;
	v61 =	vld.idx.msk [tilespmem:v46+s28+$0x0], $0xffff  }
0x15b: {  	v62 =	vor.u32 $0x80, v49;
	v46 =	vld [tilespmem:s11+$0x0]  }
0x15c: {  	v50 =	vld.idx.msk [tilespmem:v47+s28+$0x0], $0xffff  }
0x15d: {  	s13 =	simm.s32 $0x800;
	s14 =	simm.s32 $0x810;
	v47 =	vld.idx.msk [tilespmem:v51+s28+$0x0], $0xffff;
	v51 =	vor.u32 $0x300, v49  }
0x15e: {  	s12 =	simm.s32 $0x4000;
	s8 =	sand.u32 $0x70, s13;
	s3 =	sand.u32 $0x70, s14;
	v63 =	vand.u32 $0x2000, v48;
	v52 =	vor.u32 $0x180, v49  }
0x15f: {  	s6 =	simm.s32 $0x11A0;
	s7 =	simm.s32 $0x820;
	s5 =	simm.s32 $0x4080;
	v57 =	vand.u32 $0x4000, v48;
	vm1 =	veq.s32 v63, $0x0;
	v48 =	vld.idx.msk [tilespmem:v60+s28+$0x0], $0xffff  }
0x160: {  	s4 =	sand.u32 $0x7C00, s12;
	s2 =	sand.u32 $0x7C00, s5;
	s9 =	simm.s32 $0x11A0;
	vm0 =	veq.s32 v57, $0x0;
	v49 =	vld.idx.msk [tilespmem:v62+s28+$0x0], $0xffff;
	v54 =	vsel vm1, $0x0, v61  }
.LBB2_10:
0x161: {  	p1 =	sne.s32 s7, $0xFF0  }
0x162: {  	v55 =	vand.u32 $0x4000, v46;
	v56 =	vshll.u32 v46, $0x3;
	s5 =	sadd.s32 $0x80, s5;
	s6 =	sadd.s32 $0x10, s6;
	v57 =	vld.idx.msk [tilespmem:v51+s28+$0x0], $0xffff;
	v51 =	vsel vm1, $0x0, v53;
	v58 =	vmovc v46;
	s11 =	smov.u32 s7  }
0x163: {  	s7 =	sadd.s32 $0x10, s7;
	v46 =	vand.u32 $0x7F, v46;
	s13 =	sor.u32 s8, s4;
	s12 =	sand.u32 $0x7C00, s5;
	v53 =	vand.u32 $0xFC00, v56;
	v56 =	vld.idx.msk [tilespmem:v52+s28+$0x0], $0xffff;
	v51 =	vsel vm0, v51, v44  }
0x164: {  	s4 =	smov.u32 s2;
	s11 =	sand.u32 $0x70, s11;
	v50 =	vsel vm1, $0x0, v50;
	v46 =	vor.u32 v46, v53;
	[tilespmem:s13+$0x11A00] =	vst v51;
	v51 =	vsel vm0, v54, v45;
	s2 =	smov.u32 s12  }
0x165: {  	s8 =	smov.u32 s3;
	v50 =	vsel vm0, v50, v42;
	v47 =	vsel vm1, $0x0, v47;
	s3 =	smov.u32 s11;
	v54 =	vor.u32 $0x380, v46;
	[tilespmem:s13+$0x11C80] =	vst v51  }
0x166: {  	v53 =	vor.u32 $0x280, v46;
	v48 =	vsel vm1, $0x0, v48;
	v47 =	vsel vm0, v47, v43;
	[tilespmem:s13+$0x11B00] =	vst v50  }
0x167: {  	v51 =	vor.u32 $0x300, v46;
	v49 =	vsel vm1, $0x0, v49;
	v48 =	vsel vm0, v48, v41;
	[tilespmem:s13+$0x11D80] =	vst v47  }
0x168: {  	v47 =	vor.u32 $0x100, v46;
	v49 =	vsel vm0, v49, v39;
	[tilespmem:s13+$0x11C00] =	vst v48;
	v48 =	vsel vm1, $0x0, v57  }
0x169: {  	v52 =	vor.u32 $0x180, v46;
	[tilespmem:s13+$0x11A80] =	vst v49;
	v49 =	vsel vm1, $0x0, v56;
	v48 =	vsel vm0, v48, v40  }
0x16a: {  	v49 =	vsel vm0, v49, v38;
	vm0 =	veq.s32 v55, $0x0;
	[tilespmem:s13+$0x11D00] =	vst v48  }
0x16b: {  	[tilespmem:s13+$0x11B80] =	vst v49  }
0x16c: {  	v48 =	vor.u32 $0x200, v46;
	v55 =	vld.idx.msk [tilespmem:v53+s28+$0x0], $0xffff  }
0x16d: {  	v49 =	vor.u32 $0x80, v46;
	v53 =	vld.idx.msk [tilespmem:v46+s28+$0x0], $0xffff  }
.Ltmp4:
0x16e: {  	v46 =	vld [tilespmem:s9+$0x0];
	s9 =	smov.u32 s6;
	(pc) =	sbr.rel @p1 .LBB2_10-.Ltmp4, $4  }
0x16f: {  	v50 =	vld.idx.msk [tilespmem:v47+s28+$0x0], $0xffff  }
0x170: {  	v56 =	vand.u32 $0x2000, v58;
	v47 =	vld.idx.msk [tilespmem:v54+s28+$0x0], $0xffff  }
0x171: {  	vm1 =	veq.s32 v56, $0x0;
	v48 =	vld.idx.msk [tilespmem:v48+s28+$0x0], $0xffff  }
0x172: {  	v54 =	vsel vm1, $0x0, v55;
	v49 =	vld.idx.msk [tilespmem:v49+s28+$0x0], $0xffff  }
0x173: {  	_ =	sdelay $0x3  }
0x174: {  	v51 =	vld.idx.msk [tilespmem:v51+s28+$0x0], $0xffff;
	v53 =	vsel vm1, $0x0, v53;
	s4 =	sor.u32 s8, s4;
	v62 =	vsel vm0, v54, v45  }
0x175: {  	v55 =	vshll.u32 v46, $0x3;
	v52 =	vld.idx.msk [tilespmem:v52+s28+$0x0], $0xffff;
	v53 =	vsel vm0, v53, v44;
	v50 =	vsel vm1, $0x0, v50;
	[tilespmem:s4+$0x11C80] =	vst v62  }
0x176: {  	v56 =	vand.u32 $0x7F, v46;
	[tilespmem:s4+$0x11A00] =	vst v53;
	v50 =	vsel vm0, v50, v42;
	v47 =	vsel vm1, $0x0, v47  }
0x177: {  	v63 =	vand.u32 $0xFC00, v55;
	[tilespmem:s4+$0x11B00] =	vst v50;
	v48 =	vsel vm1, $0x0, v48;
	v47 =	vsel vm0, v47, v43  }
0x178: {  	v53 =	vor.u32 v56, v63;
	v49 =	vsel vm1, $0x0, v49;
	v48 =	vsel vm0, v48, v41;
	[tilespmem:s4+$0x11D80] =	vst v47  }
0x179: {  	v55 =	vor.u32 $0x280, v53;
	v56 =	vsel vm0, v49, v39;
	[tilespmem:s4+$0x11C00] =	vst v48;
	v57 =	vsel vm1, $0x0, v51  }
0x17a: {  	v58 =	vor.u32 $0x100, v53;
	v59 =	vsel vm1, $0x0, v52;
	[tilespmem:s4+$0x11A80] =	vst v56;
	v48 =	vsel vm0, v57, v40  }
0x17b: {  	v60 =	vor.u32 $0x380, v53;
	v47 =	vsel vm0, v59, v38;
	[tilespmem:s4+$0x11D00] =	vst v48  }
0x17c: {  	v61 =	vor.u32 $0x200, v53;
	[tilespmem:s4+$0x11B80] =	vst v47  }
0x17d: {  	v62 =	vor.u32 $0x80, v53;
	v54 =	vld.idx.msk [tilespmem:v53+s28+$0x0], $0xffff  }
0x17e: {  	v63 =	vor.u32 $0x300, v53;
	v48 =	vld.idx.msk [tilespmem:v55+s28+$0x0], $0xffff  }
0x17f: {  	v53 =	vor.u32 $0x180, v53;
	v49 =	vld.idx.msk [tilespmem:v58+s28+$0x0], $0xffff  }
0x180: {  	v57 =	vand.u32 $0x2000, v46;
	v51 =	vld.idx.msk [tilespmem:v60+s28+$0x0], $0xffff  }
0x181: {  	vm14 =	veq.s32 v57, $0x0;
	v47 =	vld.idx.msk [tilespmem:v61+s28+$0x0], $0xffff;
	v58 =	vand.u32 $0x4000, v46  }
0x182: {  	v50 =	vld.idx.msk [tilespmem:v62+s28+$0x0], $0xffff;
	vm15 =	veq.s32 v58, $0x0;
	v60 =	vsel vm14, $0x0, v54  }
0x183: {  	s2 =	sor.u32 s3, s2;
	v59 =	vld.idx.msk [tilespmem:v63+s28+$0x0], $0xffff;
	v48 =	vsel vm14, $0x0, v48;
	v61 =	vsel vm15, v60, v44  }
0x184: {  	v53 =	vld.idx.msk [tilespmem:v53+s28+$0x0], $0xffff;
	v62 =	vsel vm14, $0x0, v49;
	v63 =	vsel vm15, v48, v45;
	[tilespmem:s2+$0x11A00] =	vst v61  }
0x185: {  	v49 =	vsel vm14, $0x0, v51;
	v48 =	vsel vm15, v62, v42;
	[tilespmem:s2+$0x11C80] =	vst v63  }
0x186: {  	v51 =	vsel vm14, $0x0, v47;
	v52 =	vsel vm15, v49, v43;
	[tilespmem:s2+$0x11B00] =	vst v48  }
0x187: {  	v54 =	vsel vm14, $0x0, v50;
	v55 =	vsel vm15, v51, v41;
	[tilespmem:s2+$0x11D80] =	vst v52  }
0x188: {  	v57 =	vsel vm14, $0x0, v59;
	v56 =	vsel vm15, v54, v39;
	[tilespmem:s2+$0x11C00] =	vst v55  }
0x189: {  	v59 =	vsel vm15, v57, v40;
	[tilespmem:s2+$0x11A80] =	vst v56;
	v58 =	vsel vm14, $0x0, v53  }
0x18a: {  	[tilespmem:s2+$0x11D00] =	vst v59;
	v60 =	vsel vm15, v58, v38  }
0x18b: {  	s12 =	rddreg [dreg:$0xd];
	[tilespmem:s2+$0x11B80] =	vst v60;
	s2 =	simm.s32 $0x0  }
0x18c: {  	[hbm4b:s12+s2] =	stream.linear.scatter [tilespmem:s30], [sflag:$0x4], $0x4000, $0x38;
	[tilespmem:$0x19B00] =	vst v63  }
0x18d: {  	_ =	swait.ge [sflag:s21], $0x8000  }
0x18e: {  	[sflag:s21] =	ssyncset.done $0x0  }
0x18f: {  	s13 =	rddreg [dreg:$0xe];
	[sflag:s21] =	ssyncadd.s32 $0xFFFF8000  }
0x190: {  	[tilespmem:s28], [sflag:$0x2] =	stream.linear.gather [hbm4b:s13+s2], $0x8000, $0x38;
	[tilespmem:$0x19B00] =	vst v63  }
0x191: {  	v44 =	vld.idx.msk [tilespmem:v16+s24+$0x0], $0xffff  }
0x192: {  	v39 =	vld.idx.msk [tilespmem:v17+s24+$0x0], $0xffff  }
0x193: {  	v42 =	vld.idx.msk [tilespmem:v18+s24+$0x0], $0xffff  }
0x194: {  	v38 =	vld.idx.msk [tilespmem:v19+s24+$0x0], $0xffff  }
0x195: {  	v41 =	vld.idx.msk [tilespmem:v20+s24+$0x0], $0xffff  }
0x196: {  	v45 =	vld.idx.msk [tilespmem:v21+s24+$0x0], $0xffff  }
0x197: {  	v40 =	vld.idx.msk [tilespmem:v23+s24+$0x0], $0xffff  }
0x198: {  	v43 =	vld.idx.msk [tilespmem:v24+s24+$0x0], $0xffff;
	_ =	swait.ge [sflag:s10], $0x4000  }
0x199: {  	[sflag:s10] =	ssyncset.done $0x0  }
0x19a: {  	[sflag:s10] =	ssyncadd.s32 $0xFFFFC000  }
0x19b: {  	v61 =	vld [tilespmem:$0x980];
	_ =	sdelay $0x4  }
0x19c: {  	v62 =	vshll.u32 v61, $0x3  }
0x19d: {  	v63 =	vand.u32 $0x7F, v61;
	v46 =	vand.u32 $0xFC00, v62  }
0x19e: {  	v47 =	vor.u32 v63, v46  }
0x19f: {  	s7 =	simm.s32 $0x990;
	v52 =	vor.u32 $0x180, v47  }
0x1a0: {  	s8 =	simm.s32 $0x20;
	s11 =	simm.s32 $0x990;
	s14 =	sand.u32 $0x7, s2  }
0x1a1: {  	s9 =	simm.s32 $0x0;
	s6 =	simm.s32 $0x0;
	s3 =	sshll.u32 s14, $0x4;
	v50 =	vand.u32 $0x4000, v61;
	v46 =	vand.u32 $0x2000, v61  }
0x1a2: {  	s4 =	simm.s32 $0x10;
	s5 =	sadd.s32 $0x0, s3;
	s3 =	simm.s32 $0x0;
	v49 =	vor.u32 $0x200, v47;
	v48 =	vor.u32 $0x300, v47;
	v51 =	vor.u32 $0x80, v47  }
.LBB2_12:
0x1a3: {  	s2 =	sadd.s32 $0x80, s2  }
0x1a4: {  	v52 =	vld.idx.msk [tilespmem:v52+s22+$0x0], $0xffff;
	s3 =	sadd.s32 $0x1, s3;
	s7 =	sadd.s32 $0x10, s7;
	s13 =	smov.u32 s8  }
0x1a5: {  	p1 =	sne.s32 s8, $0x7F0;
	s8 =	sadd.s32 $0x10, s8;
	v54 =	vor.u32 $0x280, v47;
	s12 =	sand.u32 $0x7, s3;
	v53 =	vld.idx.msk [tilespmem:v47+s22+$0x0], $0xffff  }
0x1a6: {  	v55 =	vor.u32 $0x100, v47;
	s12 =	sshll.u32 s12, $0x4;
	v56 =	vld [tilespmem:s11+$0x0];
	s11 =	smov.u32 s7  }
0x1a7: {  	v47 =	vor.u32 $0x380, v47;
	s12 =	sadd.s32 s12, s2;
	v49 =	vld.idx.msk [tilespmem:v49+s22+$0x0], $0xffff  }
0x1a8: {  	v51 =	vld.idx.msk [tilespmem:v51+s22+$0x0], $0xffff  }
0x1a9: {  	vm1 =	veq.s32 v46, $0x0;
	v48 =	vld.idx.msk [tilespmem:v48+s22+$0x0], $0xffff  }
0x1aa: {  	vm0 =	veq.s32 v50, $0x0;
	v46 =	vsel vm1, $0x0, v52;
	v50 =	vld.idx.msk [tilespmem:v54+s22+$0x0], $0xffff  }
0x1ab: {  	s9 =	sand.u32 $0x70, s9;
	s14 =	sand.u32 $0x3C00, s6;
	s6 =	smov.u32 s2;
	v53 =	vsel vm1, $0x0, v53;
	v52 =	vand.u32 $0x7F, v56;
	v54 =	vshll.u32 v56, $0x3;
	v55 =	vld.idx.msk [tilespmem:v55+s22+$0x0], $0xffff  }
0x1ac: {  	s14 =	sor.u32 s9, s14;
	s9 =	smov.u32 s4;
	s4 =	smov.u32 s13;
	v58 =	vsel vm0, v46, v38;
	v53 =	vsel vm0, v53, v44;
	v54 =	vand.u32 $0xFC00, v54;
	v57 =	vld.idx.msk [tilespmem:v47+s22+$0x0], $0xffff  }
0x1ad: {  	s13 =	sadd.s32 $0x11A00, s14;
	v46 =	vand.u32 $0x2000, v56;
	v49 =	vsel vm1, $0x0, v49;
	v47 =	vor.u32 v52, v54;
	[tilespmem:s14+$0x11A00] =	vst v53  }
0x1ae: {  	v51 =	vsel vm1, $0x0, v51;
	v53 =	vsel vm0, v49, v41;
	v52 =	vor.u32 $0x180, v47;
	[tilespmem:s13+$0x180] =	vst v58  }
0x1af: {  	v49 =	vor.u32 $0x200, v47;
	v51 =	vsel vm0, v51, v39;
	[tilespmem:s13+$0x200] =	vst v53;
	v53 =	vsel vm1, $0x0, v48  }
.Ltmp5:
0x1b0: {  	v48 =	vor.u32 $0x300, v47;
	v50 =	vsel vm1, $0x0, v50;
	[tilespmem:s13+$0x80] =	vst v51;
	v53 =	vsel vm0, v53, v40;
	(pc) =	sbr.rel @p1 .LBB2_12-.Ltmp5, $4  }
0x1b1: {  	v51 =	vor.u32 $0x80, v47;
	v54 =	vsel vm1, $0x0, v55;
	v55 =	vsel vm0, v50, v45;
	[tilespmem:s13+$0x300] =	vst v53  }
0x1b2: {  	v50 =	vand.u32 $0x4000, v56;
	v53 =	vsel vm0, v54, v42;
	v54 =	vsel vm1, $0x0, v57;
	[tilespmem:s13+$0x280] =	vst v55  }
0x1b3: {  	[tilespmem:s13+$0x100] =	vst v53;
	v53 =	vsel vm0, v54, v43;
	s13 =	sor.u32 $0x380, s5;
	s5 =	smov.u32 s12  }
0x1b4: {  	[tilespmem:s13+$0x11A00] =	vst v53  }
0x1b5: {  	_ =	sdelay $0x3  }
0x1b6: {  	v52 =	vld.idx.msk [tilespmem:v52+s22+$0x0], $0xffff  }
0x1b7: {  	v53 =	vld.idx.msk [tilespmem:v47+s22+$0x0], $0xffff;
	v54 =	vor.u32 $0x280, v47  }
0x1b8: {  	v55 =	vor.u32 $0x100, v47;
	v56 =	vld [tilespmem:s11+$0x0]  }
0x1b9: {  	v49 =	vld.idx.msk [tilespmem:v49+s22+$0x0], $0xffff;
	v60 =	vor.u32 $0x380, v47  }
0x1ba: {  	v51 =	vld.idx.msk [tilespmem:v51+s22+$0x0], $0xffff  }
0x1bb: {  	v48 =	vld.idx.msk [tilespmem:v48+s22+$0x0], $0xffff;
	vm1 =	veq.s32 v46, $0x0  }
0x1bc: {  	vm0 =	veq.s32 v50, $0x0;
	s7 =	sand.u32 $0x70, s9;
	s6 =	sand.u32 $0x3C00, s6;
	v61 =	vld.idx.msk [tilespmem:v54+s22+$0x0], $0xffff;
	v53 =	vsel vm1, $0x0, v53  }
0x1bd: {  	s6 =	sor.u32 s7, s6;
	v62 =	vld.idx.msk [tilespmem:v55+s22+$0x0], $0xffff;
	v52 =	vsel vm1, $0x0, v52;
	v53 =	vsel vm0, v53, v44  }
0x1be: {  	s7 =	sadd.s32 $0x11A00, s6;
	v63 =	vand.u32 $0x7F, v56;
	v47 =	vld.idx.msk [tilespmem:v60+s22+$0x0], $0xffff;
	v49 =	vsel vm1, $0x0, v49;
	v52 =	vsel vm0, v52, v38;
	[tilespmem:s6+$0x11A00] =	vst v53  }
0x1bf: {  	v57 =	vshll.u32 v56, $0x3;
	v51 =	vsel vm1, $0x0, v51;
	v49 =	vsel vm0, v49, v41;
	[tilespmem:s7+$0x180] =	vst v52  }
0x1c0: {  	v48 =	vsel vm1, $0x0, v48;
	v58 =	vand.u32 $0xFC00, v57;
	v51 =	vsel vm0, v51, v39;
	[tilespmem:s7+$0x200] =	vst v49  }
0x1c1: {  	v48 =	vsel vm0, v48, v40;
	v59 =	vor.u32 v63, v58;
	[tilespmem:s7+$0x80] =	vst v51;
	v46 =	vsel vm1, $0x0, v61  }
0x1c2: {  	[tilespmem:s7+$0x300] =	vst v48;
	v60 =	vor.u32 $0x180, v59;
	v50 =	vsel vm1, $0x0, v62;
	v46 =	vsel vm0, v46, v45  }
0x1c3: {  	v63 =	vor.u32 $0x80, v59;
	v62 =	vsel vm1, $0x0, v47;
	v50 =	vsel vm0, v50, v42;
	[tilespmem:s7+$0x280] =	vst v46  }
0x1c4: {  	s5 =	sor.u32 $0x380, s5;
	v53 =	vor.u32 $0x100, v59;
	[tilespmem:s7+$0x100] =	vst v50;
	v46 =	vsel vm0, v62, v43  }
0x1c5: {  	v61 =	vor.u32 $0x200, v59;
	[tilespmem:s5+$0x11A00] =	vst v46  }
0x1c6: {  	v57 =	vor.u32 $0x300, v59;
	v51 =	vld.idx.msk [tilespmem:v59+s22+$0x0], $0xffff  }
0x1c7: {  	v58 =	vor.u32 $0x280, v59;
	v46 =	vld.idx.msk [tilespmem:v60+s22+$0x0], $0xffff  }
0x1c8: {  	v52 =	vor.u32 $0x380, v59;
	v47 =	vld.idx.msk [tilespmem:v63+s22+$0x0], $0xffff  }
0x1c9: {  	v59 =	vand.u32 $0x2000, v56;
	v53 =	vld.idx.msk [tilespmem:v53+s22+$0x0], $0xffff  }
0x1ca: {  	s2 =	sadd.s32 $0x80, s2;
	v60 =	vand.u32 $0x4000, v56;
	v48 =	vld.idx.msk [tilespmem:v61+s22+$0x0], $0xffff;
	vm0 =	veq.s32 v59, $0x0  }
0x1cb: {  	s4 =	sand.u32 $0x70, s4;
	s8 =	sand.u32 $0x3C00, s2;
	v50 =	vld.idx.msk [tilespmem:v57+s22+$0x0], $0xffff;
	vm1 =	veq.s32 v60, $0x0;
	v51 =	vsel vm0, $0x0, v51  }
0x1cc: {  	s4 =	sor.u32 s4, s8;
	v49 =	vld.idx.msk [tilespmem:v58+s22+$0x0], $0xffff;
	v46 =	vsel vm0, $0x0, v46;
	v51 =	vsel vm1, v51, v44  }
0x1cd: {  	s5 =	sadd.s32 $0x11A00, s4;
	v52 =	vld.idx.msk [tilespmem:v52+s22+$0x0], $0xffff;
	v47 =	vsel vm0, $0x0, v47;
	v46 =	vsel vm1, v46, v38;
	[tilespmem:s4+$0x11A00] =	vst v51  }
0x1ce: {  	v54 =	vsel vm0, $0x0, v53;
	v47 =	vsel vm1, v47, v39;
	[tilespmem:s5+$0x180] =	vst v46  }
0x1cf: {  	s3 =	sadd.s32 $0x1, s3;
	v48 =	vsel vm0, $0x0, v48;
	v55 =	vsel vm1, v54, v42;
	[tilespmem:s5+$0x80] =	vst v47  }
0x1d0: {  	s3 =	sand.u32 $0x7, s3;
	v62 =	vsel vm0, $0x0, v50;
	v61 =	vsel vm1, v48, v41;
	[tilespmem:s5+$0x100] =	vst v55  }
0x1d1: {  	s3 =	sshll.u32 s3, $0x4;
	v63 =	vsel vm0, $0x0, v49;
	v46 =	vsel vm1, v62, v40;
	[tilespmem:s5+$0x200] =	vst v61  }
0x1d2: {  	s2 =	sadd.s32 s3, s2;
	v56 =	vsel vm0, $0x0, v52;
	v47 =	vsel vm1, v63, v45;
	[tilespmem:s5+$0x300] =	vst v46  }
0x1d3: {  	s2 =	sor.u32 $0x380, s2;
	v57 =	vsel vm1, v56, v43;
	[tilespmem:s5+$0x280] =	vst v47  }
0x1d4: {  	s9 =	rddreg [dreg:$0xf];
	[tilespmem:s2+$0x11A00] =	vst v57  }
0x1d5: {  	[hbm4b:s9+s17] =	stream.linear.scatter [tilespmem:s29], [sflag:$0x3], $0x4000, $0x38;
	[tilespmem:$0x19B00] =	vst v63  }
0x1d6: {  	_ =	swait.ge [sflag:s0], $0x4000  }
0x1d7: {  	[sflag:s0] =	ssyncset.done $0x0  }
0x1d8: {  	[sflag:s0] =	ssyncadd.s32 $0xFFFFC000  }
0x1d9: {  	v48 =	vld [tilespmem:$0x1180];
	_ =	sdelay $0x4  }
0x1da: {  	v58 =	vshll.u32 v48, $0x3  }
0x1db: {  	v59 =	vand.u32 $0x7F, v48;
	v46 =	vand.u32 $0xFC00, v58  }
0x1dc: {  	v49 =	vor.u32 v59, v46  }
0x1dd: {  	v46 =	vor.u32 $0x280, v49;
	_ =	sdelay $0x1  }
0x1de: {  	v47 =	vor.u32 $0x100, v49  }
0x1df: {  	v51 =	vor.u32 $0x380, v49  }
0x1e0: {  	v53 =	vld.idx.msk [tilespmem:v49+s22+$0x0], $0xffff  }
0x1e1: {  	s11 =	simm.s32 $0x1190;
	v60 =	vor.u32 $0x200, v49;
	v61 =	vld.idx.msk [tilespmem:v46+s22+$0x0], $0xffff  }
0x1e2: {  	v62 =	vor.u32 $0x80, v49;
	v46 =	vld [tilespmem:s11+$0x0]  }
0x1e3: {  	v50 =	vld.idx.msk [tilespmem:v47+s22+$0x0], $0xffff  }
0x1e4: {  	s13 =	simm.s32 $0x800;
	s14 =	simm.s32 $0x810;
	v47 =	vld.idx.msk [tilespmem:v51+s22+$0x0], $0xffff;
	v51 =	vor.u32 $0x300, v49  }
0x1e5: {  	s12 =	simm.s32 $0x4000;
	s8 =	sand.u32 $0x70, s13;
	s3 =	sand.u32 $0x70, s14;
	v63 =	vand.u32 $0x2000, v48;
	v52 =	vor.u32 $0x180, v49  }
0x1e6: {  	s6 =	simm.s32 $0x11A0;
	s7 =	simm.s32 $0x820;
	s5 =	simm.s32 $0x4080;
	v57 =	vand.u32 $0x4000, v48;
	vm1 =	veq.s32 v63, $0x0;
	v48 =	vld.idx.msk [tilespmem:v60+s22+$0x0], $0xffff  }
0x1e7: {  	s4 =	sand.u32 $0x7C00, s12;
	s2 =	sand.u32 $0x7C00, s5;
	s9 =	simm.s32 $0x11A0;
	vm0 =	veq.s32 v57, $0x0;
	v49 =	vld.idx.msk [tilespmem:v62+s22+$0x0], $0xffff;
	v54 =	vsel vm1, $0x0, v61  }
.LBB2_14:
0x1e8: {  	p1 =	sne.s32 s7, $0xFF0  }
0x1e9: {  	v55 =	vand.u32 $0x4000, v46;
	v56 =	vshll.u32 v46, $0x3;
	s5 =	sadd.s32 $0x80, s5;
	s6 =	sadd.s32 $0x10, s6;
	v57 =	vld.idx.msk [tilespmem:v51+s22+$0x0], $0xffff;
	v51 =	vsel vm1, $0x0, v53;
	v58 =	vmovc v46;
	s11 =	smov.u32 s7  }
0x1ea: {  	s7 =	sadd.s32 $0x10, s7;
	v46 =	vand.u32 $0x7F, v46;
	s13 =	sor.u32 s8, s4;
	s12 =	sand.u32 $0x7C00, s5;
	v53 =	vand.u32 $0xFC00, v56;
	v56 =	vld.idx.msk [tilespmem:v52+s22+$0x0], $0xffff;
	v51 =	vsel vm0, v51, v44  }
0x1eb: {  	s4 =	smov.u32 s2;
	s11 =	sand.u32 $0x70, s11;
	v50 =	vsel vm1, $0x0, v50;
	v46 =	vor.u32 v46, v53;
	[tilespmem:s13+$0x11A00] =	vst v51;
	v51 =	vsel vm0, v54, v45;
	s2 =	smov.u32 s12  }
0x1ec: {  	s8 =	smov.u32 s3;
	v50 =	vsel vm0, v50, v42;
	v47 =	vsel vm1, $0x0, v47;
	s3 =	smov.u32 s11;
	v54 =	vor.u32 $0x380, v46;
	[tilespmem:s13+$0x11C80] =	vst v51  }
0x1ed: {  	v53 =	vor.u32 $0x280, v46;
	v48 =	vsel vm1, $0x0, v48;
	v47 =	vsel vm0, v47, v43;
	[tilespmem:s13+$0x11B00] =	vst v50  }
0x1ee: {  	v51 =	vor.u32 $0x300, v46;
	v49 =	vsel vm1, $0x0, v49;
	v48 =	vsel vm0, v48, v41;
	[tilespmem:s13+$0x11D80] =	vst v47  }
0x1ef: {  	v47 =	vor.u32 $0x100, v46;
	v49 =	vsel vm0, v49, v39;
	[tilespmem:s13+$0x11C00] =	vst v48;
	v48 =	vsel vm1, $0x0, v57  }
0x1f0: {  	v52 =	vor.u32 $0x180, v46;
	[tilespmem:s13+$0x11A80] =	vst v49;
	v49 =	vsel vm1, $0x0, v56;
	v48 =	vsel vm0, v48, v40  }
0x1f1: {  	v49 =	vsel vm0, v49, v38;
	vm0 =	veq.s32 v55, $0x0;
	[tilespmem:s13+$0x11D00] =	vst v48  }
0x1f2: {  	[tilespmem:s13+$0x11B80] =	vst v49  }
0x1f3: {  	v48 =	vor.u32 $0x200, v46;
	v55 =	vld.idx.msk [tilespmem:v53+s22+$0x0], $0xffff  }
0x1f4: {  	v49 =	vor.u32 $0x80, v46;
	v53 =	vld.idx.msk [tilespmem:v46+s22+$0x0], $0xffff  }
.Ltmp6:
0x1f5: {  	v46 =	vld [tilespmem:s9+$0x0];
	s9 =	smov.u32 s6;
	(pc) =	sbr.rel @p1 .LBB2_14-.Ltmp6, $4  }
0x1f6: {  	v50 =	vld.idx.msk [tilespmem:v47+s22+$0x0], $0xffff  }
0x1f7: {  	v56 =	vand.u32 $0x2000, v58;
	v47 =	vld.idx.msk [tilespmem:v54+s22+$0x0], $0xffff  }
0x1f8: {  	vm1 =	veq.s32 v56, $0x0;
	v48 =	vld.idx.msk [tilespmem:v48+s22+$0x0], $0xffff  }
0x1f9: {  	v54 =	vsel vm1, $0x0, v55;
	v49 =	vld.idx.msk [tilespmem:v49+s22+$0x0], $0xffff  }
0x1fa: {  	_ =	sdelay $0x3  }
0x1fb: {  	v51 =	vld.idx.msk [tilespmem:v51+s22+$0x0], $0xffff;
	v53 =	vsel vm1, $0x0, v53;
	s4 =	sor.u32 s8, s4;
	v62 =	vsel vm0, v54, v45  }
0x1fc: {  	v55 =	vshll.u32 v46, $0x3;
	v52 =	vld.idx.msk [tilespmem:v52+s22+$0x0], $0xffff;
	v53 =	vsel vm0, v53, v44;
	v50 =	vsel vm1, $0x0, v50;
	[tilespmem:s4+$0x11C80] =	vst v62  }
0x1fd: {  	v56 =	vand.u32 $0x7F, v46;
	[tilespmem:s4+$0x11A00] =	vst v53;
	v50 =	vsel vm0, v50, v42;
	v47 =	vsel vm1, $0x0, v47  }
0x1fe: {  	v63 =	vand.u32 $0xFC00, v55;
	[tilespmem:s4+$0x11B00] =	vst v50;
	v48 =	vsel vm1, $0x0, v48;
	v47 =	vsel vm0, v47, v43  }
0x1ff: {  	v53 =	vor.u32 v56, v63;
	v49 =	vsel vm1, $0x0, v49;
	v48 =	vsel vm0, v48, v41;
	[tilespmem:s4+$0x11D80] =	vst v47  }
0x200: {  	v55 =	vor.u32 $0x280, v53;
	v56 =	vsel vm0, v49, v39;
	[tilespmem:s4+$0x11C00] =	vst v48;
	v57 =	vsel vm1, $0x0, v51  }
0x201: {  	v58 =	vor.u32 $0x100, v53;
	v59 =	vsel vm1, $0x0, v52;
	[tilespmem:s4+$0x11A80] =	vst v56;
	v48 =	vsel vm0, v57, v40  }
0x202: {  	v60 =	vor.u32 $0x380, v53;
	v47 =	vsel vm0, v59, v38;
	[tilespmem:s4+$0x11D00] =	vst v48  }
0x203: {  	v61 =	vor.u32 $0x200, v53;
	[tilespmem:s4+$0x11B80] =	vst v47  }
0x204: {  	v62 =	vor.u32 $0x80, v53;
	v54 =	vld.idx.msk [tilespmem:v53+s22+$0x0], $0xffff  }
0x205: {  	v63 =	vor.u32 $0x300, v53;
	v48 =	vld.idx.msk [tilespmem:v55+s22+$0x0], $0xffff  }
0x206: {  	v53 =	vor.u32 $0x180, v53;
	v49 =	vld.idx.msk [tilespmem:v58+s22+$0x0], $0xffff  }
0x207: {  	v57 =	vand.u32 $0x2000, v46;
	v51 =	vld.idx.msk [tilespmem:v60+s22+$0x0], $0xffff  }
0x208: {  	vm14 =	veq.s32 v57, $0x0;
	v47 =	vld.idx.msk [tilespmem:v61+s22+$0x0], $0xffff;
	v58 =	vand.u32 $0x4000, v46  }
0x209: {  	v50 =	vld.idx.msk [tilespmem:v62+s22+$0x0], $0xffff;
	vm15 =	veq.s32 v58, $0x0;
	v60 =	vsel vm14, $0x0, v54  }
0x20a: {  	s2 =	sor.u32 s3, s2;
	v59 =	vld.idx.msk [tilespmem:v63+s22+$0x0], $0xffff;
	v48 =	vsel vm14, $0x0, v48;
	v61 =	vsel vm15, v60, v44  }
0x20b: {  	v53 =	vld.idx.msk [tilespmem:v53+s22+$0x0], $0xffff;
	v62 =	vsel vm14, $0x0, v49;
	v63 =	vsel vm15, v48, v45;
	[tilespmem:s2+$0x11A00] =	vst v61  }
0x20c: {  	v49 =	vsel vm14, $0x0, v51;
	v48 =	vsel vm15, v62, v42;
	[tilespmem:s2+$0x11C80] =	vst v63  }
0x20d: {  	v51 =	vsel vm14, $0x0, v47;
	v52 =	vsel vm15, v49, v43;
	[tilespmem:s2+$0x11B00] =	vst v48  }
0x20e: {  	v54 =	vsel vm14, $0x0, v50;
	v55 =	vsel vm15, v51, v41;
	[tilespmem:s2+$0x11D80] =	vst v52  }
0x20f: {  	v57 =	vsel vm14, $0x0, v59;
	v56 =	vsel vm15, v54, v39;
	[tilespmem:s2+$0x11C00] =	vst v55  }
0x210: {  	v59 =	vsel vm15, v57, v40;
	[tilespmem:s2+$0x11A80] =	vst v56;
	v58 =	vsel vm14, $0x0, v53  }
0x211: {  	[tilespmem:s2+$0x11D00] =	vst v59;
	v60 =	vsel vm15, v58, v38  }
0x212: {  	s13 =	rddreg [dreg:$0x10];
	[tilespmem:s2+$0x11B80] =	vst v60;
	s2 =	simm.s32 $0x0  }
0x213: {  	[hbm4b:s13+s2] =	stream.linear.scatter [tilespmem:s30], [sflag:$0x4], $0x4000, $0x38;
	[tilespmem:$0x19B00] =	vst v63  }
0x214: {  	_ =	swait.ge [sflag:s31], $0x8000  }
0x215: {  	[sflag:s31] =	ssyncset.done $0x0  }
0x216: {  	[sflag:s31] =	ssyncadd.s32 $0xFFFF8000  }
0x217: {  	v44 =	vld.idx.msk [tilespmem:v25+s24+$0x0], $0xffff  }
0x218: {  	v39 =	vld.idx.msk [tilespmem:v26+s24+$0x0], $0xffff  }
0x219: {  	v42 =	vld.idx.msk [tilespmem:v27+s24+$0x0], $0xffff  }
0x21a: {  	v38 =	vld.idx.msk [tilespmem:v28+s24+$0x0], $0xffff  }
0x21b: {  	v41 =	vld.idx.msk [tilespmem:v29+s24+$0x0], $0xffff  }
0x21c: {  	v45 =	vld.idx.msk [tilespmem:v30+s24+$0x0], $0xffff  }
0x21d: {  	v40 =	vld.idx.msk [tilespmem:v31+s24+$0x0], $0xffff  }
0x21e: {  	v43 =	vld.idx.msk [tilespmem:v32+s24+$0x0], $0xffff;
	_ =	swait.ge [sflag:s10], $0x4000  }
0x21f: {  	[sflag:s10] =	ssyncset.done $0x0  }
0x220: {  	[sflag:s10] =	ssyncadd.s32 $0xFFFFC000  }
0x221: {  	v61 =	vld [tilespmem:$0x980];
	_ =	sdelay $0x4  }
0x222: {  	v62 =	vshll.u32 v61, $0x3  }
0x223: {  	v63 =	vand.u32 $0x7F, v61;
	v46 =	vand.u32 $0xFC00, v62  }
0x224: {  	v47 =	vor.u32 v63, v46  }
0x225: {  	s7 =	simm.s32 $0x990;
	v52 =	vor.u32 $0x180, v47  }
0x226: {  	s8 =	simm.s32 $0x20;
	s11 =	simm.s32 $0x990;
	s14 =	sand.u32 $0x7, s2  }
0x227: {  	s9 =	simm.s32 $0x0;
	s6 =	simm.s32 $0x0;
	s3 =	sshll.u32 s14, $0x4;
	v50 =	vand.u32 $0x4000, v61;
	v46 =	vand.u32 $0x2000, v61  }
0x228: {  	s4 =	simm.s32 $0x10;
	s5 =	sadd.s32 $0x0, s3;
	s3 =	simm.s32 $0x0;
	v49 =	vor.u32 $0x200, v47;
	v48 =	vor.u32 $0x300, v47;
	v51 =	vor.u32 $0x80, v47  }
.LBB2_16:
0x229: {  	s2 =	sadd.s32 $0x80, s2  }
0x22a: {  	v52 =	vld.idx.msk [tilespmem:v52+s28+$0x0], $0xffff;
	s3 =	sadd.s32 $0x1, s3;
	s7 =	sadd.s32 $0x10, s7;
	s13 =	smov.u32 s8  }
0x22b: {  	p1 =	sne.s32 s8, $0x7F0;
	s8 =	sadd.s32 $0x10, s8;
	v54 =	vor.u32 $0x280, v47;
	s12 =	sand.u32 $0x7, s3;
	v53 =	vld.idx.msk [tilespmem:v47+s28+$0x0], $0xffff  }
0x22c: {  	v55 =	vor.u32 $0x100, v47;
	s12 =	sshll.u32 s12, $0x4;
	v56 =	vld [tilespmem:s11+$0x0];
	s11 =	smov.u32 s7  }
0x22d: {  	v47 =	vor.u32 $0x380, v47;
	s12 =	sadd.s32 s12, s2;
	v49 =	vld.idx.msk [tilespmem:v49+s28+$0x0], $0xffff  }
0x22e: {  	v51 =	vld.idx.msk [tilespmem:v51+s28+$0x0], $0xffff  }
0x22f: {  	vm1 =	veq.s32 v46, $0x0;
	v48 =	vld.idx.msk [tilespmem:v48+s28+$0x0], $0xffff  }
0x230: {  	vm0 =	veq.s32 v50, $0x0;
	v46 =	vsel vm1, $0x0, v52;
	v50 =	vld.idx.msk [tilespmem:v54+s28+$0x0], $0xffff  }
0x231: {  	s9 =	sand.u32 $0x70, s9;
	s14 =	sand.u32 $0x3C00, s6;
	s6 =	smov.u32 s2;
	v53 =	vsel vm1, $0x0, v53;
	v52 =	vand.u32 $0x7F, v56;
	v54 =	vshll.u32 v56, $0x3;
	v55 =	vld.idx.msk [tilespmem:v55+s28+$0x0], $0xffff  }
0x232: {  	s14 =	sor.u32 s9, s14;
	s9 =	smov.u32 s4;
	s4 =	smov.u32 s13;
	v58 =	vsel vm0, v46, v38;
	v53 =	vsel vm0, v53, v44;
	v54 =	vand.u32 $0xFC00, v54;
	v57 =	vld.idx.msk [tilespmem:v47+s28+$0x0], $0xffff  }
0x233: {  	s13 =	sadd.s32 $0x11A00, s14;
	v46 =	vand.u32 $0x2000, v56;
	v49 =	vsel vm1, $0x0, v49;
	v47 =	vor.u32 v52, v54;
	[tilespmem:s14+$0x11A00] =	vst v53  }
0x234: {  	v51 =	vsel vm1, $0x0, v51;
	v53 =	vsel vm0, v49, v41;
	v52 =	vor.u32 $0x180, v47;
	[tilespmem:s13+$0x180] =	vst v58  }
0x235: {  	v49 =	vor.u32 $0x200, v47;
	v51 =	vsel vm0, v51, v39;
	[tilespmem:s13+$0x200] =	vst v53;
	v53 =	vsel vm1, $0x0, v48  }
.Ltmp7:
0x236: {  	v48 =	vor.u32 $0x300, v47;
	v50 =	vsel vm1, $0x0, v50;
	[tilespmem:s13+$0x80] =	vst v51;
	v53 =	vsel vm0, v53, v40;
	(pc) =	sbr.rel @p1 .LBB2_16-.Ltmp7, $4  }
0x237: {  	v51 =	vor.u32 $0x80, v47;
	v54 =	vsel vm1, $0x0, v55;
	v55 =	vsel vm0, v50, v45;
	[tilespmem:s13+$0x300] =	vst v53  }
0x238: {  	v50 =	vand.u32 $0x4000, v56;
	v53 =	vsel vm0, v54, v42;
	v54 =	vsel vm1, $0x0, v57;
	[tilespmem:s13+$0x280] =	vst v55  }
0x239: {  	[tilespmem:s13+$0x100] =	vst v53;
	v53 =	vsel vm0, v54, v43;
	s13 =	sor.u32 $0x380, s5;
	s5 =	smov.u32 s12  }
0x23a: {  	[tilespmem:s13+$0x11A00] =	vst v53  }
0x23b: {  	_ =	sdelay $0x3  }
0x23c: {  	v52 =	vld.idx.msk [tilespmem:v52+s28+$0x0], $0xffff  }
0x23d: {  	v53 =	vld.idx.msk [tilespmem:v47+s28+$0x0], $0xffff;
	v54 =	vor.u32 $0x280, v47  }
0x23e: {  	v55 =	vor.u32 $0x100, v47;
	v56 =	vld [tilespmem:s11+$0x0]  }
0x23f: {  	v49 =	vld.idx.msk [tilespmem:v49+s28+$0x0], $0xffff;
	v60 =	vor.u32 $0x380, v47  }
0x240: {  	v51 =	vld.idx.msk [tilespmem:v51+s28+$0x0], $0xffff  }
0x241: {  	v48 =	vld.idx.msk [tilespmem:v48+s28+$0x0], $0xffff;
	vm1 =	veq.s32 v46, $0x0  }
0x242: {  	vm0 =	veq.s32 v50, $0x0;
	s7 =	sand.u32 $0x70, s9;
	s6 =	sand.u32 $0x3C00, s6;
	v61 =	vld.idx.msk [tilespmem:v54+s28+$0x0], $0xffff;
	v53 =	vsel vm1, $0x0, v53  }
0x243: {  	s6 =	sor.u32 s7, s6;
	v62 =	vld.idx.msk [tilespmem:v55+s28+$0x0], $0xffff;
	v52 =	vsel vm1, $0x0, v52;
	v53 =	vsel vm0, v53, v44  }
0x244: {  	s7 =	sadd.s32 $0x11A00, s6;
	v63 =	vand.u32 $0x7F, v56;
	v47 =	vld.idx.msk [tilespmem:v60+s28+$0x0], $0xffff;
	v49 =	vsel vm1, $0x0, v49;
	v52 =	vsel vm0, v52, v38;
	[tilespmem:s6+$0x11A00] =	vst v53  }
0x245: {  	v57 =	vshll.u32 v56, $0x3;
	v51 =	vsel vm1, $0x0, v51;
	v49 =	vsel vm0, v49, v41;
	[tilespmem:s7+$0x180] =	vst v52  }
0x246: {  	v48 =	vsel vm1, $0x0, v48;
	v58 =	vand.u32 $0xFC00, v57;
	v51 =	vsel vm0, v51, v39;
	[tilespmem:s7+$0x200] =	vst v49  }
0x247: {  	v48 =	vsel vm0, v48, v40;
	v59 =	vor.u32 v63, v58;
	[tilespmem:s7+$0x80] =	vst v51;
	v46 =	vsel vm1, $0x0, v61  }
0x248: {  	[tilespmem:s7+$0x300] =	vst v48;
	v60 =	vor.u32 $0x180, v59;
	v50 =	vsel vm1, $0x0, v62;
	v46 =	vsel vm0, v46, v45  }
0x249: {  	v63 =	vor.u32 $0x80, v59;
	v62 =	vsel vm1, $0x0, v47;
	v50 =	vsel vm0, v50, v42;
	[tilespmem:s7+$0x280] =	vst v46  }
0x24a: {  	s5 =	sor.u32 $0x380, s5;
	v53 =	vor.u32 $0x100, v59;
	[tilespmem:s7+$0x100] =	vst v50;
	v46 =	vsel vm0, v62, v43  }
0x24b: {  	v61 =	vor.u32 $0x200, v59;
	[tilespmem:s5+$0x11A00] =	vst v46  }
0x24c: {  	v57 =	vor.u32 $0x300, v59;
	v51 =	vld.idx.msk [tilespmem:v59+s28+$0x0], $0xffff  }
0x24d: {  	v58 =	vor.u32 $0x280, v59;
	v46 =	vld.idx.msk [tilespmem:v60+s28+$0x0], $0xffff  }
0x24e: {  	v52 =	vor.u32 $0x380, v59;
	v47 =	vld.idx.msk [tilespmem:v63+s28+$0x0], $0xffff  }
0x24f: {  	v59 =	vand.u32 $0x2000, v56;
	v53 =	vld.idx.msk [tilespmem:v53+s28+$0x0], $0xffff  }
0x250: {  	s2 =	sadd.s32 $0x80, s2;
	v60 =	vand.u32 $0x4000, v56;
	v48 =	vld.idx.msk [tilespmem:v61+s28+$0x0], $0xffff;
	vm0 =	veq.s32 v59, $0x0  }
0x251: {  	s4 =	sand.u32 $0x70, s4;
	s9 =	sand.u32 $0x3C00, s2;
	v50 =	vld.idx.msk [tilespmem:v57+s28+$0x0], $0xffff;
	vm1 =	veq.s32 v60, $0x0;
	v51 =	vsel vm0, $0x0, v51  }
0x252: {  	s4 =	sor.u32 s4, s9;
	v49 =	vld.idx.msk [tilespmem:v58+s28+$0x0], $0xffff;
	v46 =	vsel vm0, $0x0, v46;
	v51 =	vsel vm1, v51, v44  }
0x253: {  	s5 =	sadd.s32 $0x11A00, s4;
	v52 =	vld.idx.msk [tilespmem:v52+s28+$0x0], $0xffff;
	v47 =	vsel vm0, $0x0, v47;
	v46 =	vsel vm1, v46, v38;
	[tilespmem:s4+$0x11A00] =	vst v51  }
0x254: {  	v54 =	vsel vm0, $0x0, v53;
	v47 =	vsel vm1, v47, v39;
	[tilespmem:s5+$0x180] =	vst v46  }
0x255: {  	s3 =	sadd.s32 $0x1, s3;
	v48 =	vsel vm0, $0x0, v48;
	v55 =	vsel vm1, v54, v42;
	[tilespmem:s5+$0x80] =	vst v47  }
0x256: {  	s3 =	sand.u32 $0x7, s3;
	v62 =	vsel vm0, $0x0, v50;
	v61 =	vsel vm1, v48, v41;
	[tilespmem:s5+$0x100] =	vst v55  }
0x257: {  	s3 =	sshll.u32 s3, $0x4;
	v63 =	vsel vm0, $0x0, v49;
	v46 =	vsel vm1, v62, v40;
	[tilespmem:s5+$0x200] =	vst v61  }
0x258: {  	s2 =	sadd.s32 s3, s2;
	v56 =	vsel vm0, $0x0, v52;
	v47 =	vsel vm1, v63, v45;
	[tilespmem:s5+$0x300] =	vst v46  }
0x259: {  	s2 =	sor.u32 $0x380, s2;
	v57 =	vsel vm1, v56, v43;
	[tilespmem:s5+$0x280] =	vst v47  }
0x25a: {  	[tilespmem:s2+$0x11A00] =	vst v57  }
0x25b: {  	[hbm4b:s15+s17] =	stream.linear.scatter [tilespmem:s29], [sflag:$0x3], $0x4000, $0x38;
	[tilespmem:$0x19B00] =	vst v63  }
0x25c: {  	_ =	swait.ge [sflag:s0], $0x4000  }
0x25d: {  	[sflag:s0] =	ssyncset.done $0x0  }
0x25e: {  	[sflag:s0] =	ssyncadd.s32 $0xFFFFC000  }
0x25f: {  	v48 =	vld [tilespmem:$0x1180];
	_ =	sdelay $0x4  }
0x260: {  	v58 =	vshll.u32 v48, $0x3  }
0x261: {  	v59 =	vand.u32 $0x7F, v48;
	v46 =	vand.u32 $0xFC00, v58  }
0x262: {  	v49 =	vor.u32 v59, v46  }
0x263: {  	v46 =	vor.u32 $0x280, v49;
	_ =	sdelay $0x1  }
0x264: {  	v47 =	vor.u32 $0x100, v49  }
0x265: {  	v51 =	vor.u32 $0x380, v49  }
0x266: {  	v53 =	vld.idx.msk [tilespmem:v49+s28+$0x0], $0xffff  }
0x267: {  	s11 =	simm.s32 $0x1190;
	v60 =	vor.u32 $0x200, v49;
	v61 =	vld.idx.msk [tilespmem:v46+s28+$0x0], $0xffff  }
0x268: {  	v62 =	vor.u32 $0x80, v49;
	v46 =	vld [tilespmem:s11+$0x0]  }
0x269: {  	v50 =	vld.idx.msk [tilespmem:v47+s28+$0x0], $0xffff  }
0x26a: {  	s12 =	simm.s32 $0x4000;
	s13 =	simm.s32 $0x800;
	v47 =	vld.idx.msk [tilespmem:v51+s28+$0x0], $0xffff;
	v51 =	vor.u32 $0x300, v49  }
0x26b: {  	s14 =	simm.s32 $0x810;
	s8 =	sand.u32 $0x70, s13;
	s9 =	simm.s32 $0x11A0;
	v63 =	vand.u32 $0x2000, v48;
	v52 =	vor.u32 $0x180, v49  }
0x26c: {  	s3 =	sand.u32 $0x70, s14;
	s6 =	simm.s32 $0x11A0;
	s5 =	simm.s32 $0x4080;
	v57 =	vand.u32 $0x4000, v48;
	vm1 =	veq.s32 v63, $0x0;
	v48 =	vld.idx.msk [tilespmem:v60+s28+$0x0], $0xffff  }
0x26d: {  	s7 =	simm.s32 $0x820;
	s4 =	sand.u32 $0x7C00, s12;
	s2 =	sand.u32 $0x7C00, s5;
	vm0 =	veq.s32 v57, $0x0;
	v49 =	vld.idx.msk [tilespmem:v62+s28+$0x0], $0xffff;
	v54 =	vsel vm1, $0x0, v61  }
.LBB2_18:
0x26e: {  	p1 =	sne.s32 s7, $0xFF0  }
0x26f: {  	v55 =	vand.u32 $0x4000, v46;
	v56 =	vshll.u32 v46, $0x3;
	s5 =	sadd.s32 $0x80, s5;
	s6 =	sadd.s32 $0x10, s6;
	v57 =	vld.idx.msk [tilespmem:v51+s28+$0x0], $0xffff;
	v51 =	vsel vm1, $0x0, v53;
	v58 =	vmovc v46;
	s11 =	smov.u32 s7  }
0x270: {  	s7 =	sadd.s32 $0x10, s7;
	v46 =	vand.u32 $0x7F, v46;
	s13 =	sor.u32 s8, s4;
	s12 =	sand.u32 $0x7C00, s5;
	v53 =	vand.u32 $0xFC00, v56;
	v56 =	vld.idx.msk [tilespmem:v52+s28+$0x0], $0xffff;
	v51 =	vsel vm0, v51, v44  }
0x271: {  	s4 =	smov.u32 s2;
	s11 =	sand.u32 $0x70, s11;
	v50 =	vsel vm1, $0x0, v50;
	v46 =	vor.u32 v46, v53;
	[tilespmem:s13+$0x11A00] =	vst v51;
	v51 =	vsel vm0, v54, v45;
	s2 =	smov.u32 s12  }
0x272: {  	s8 =	smov.u32 s3;
	v50 =	vsel vm0, v50, v42;
	v47 =	vsel vm1, $0x0, v47;
	s3 =	smov.u32 s11;
	v54 =	vor.u32 $0x380, v46;
	[tilespmem:s13+$0x11C80] =	vst v51  }
0x273: {  	v53 =	vor.u32 $0x280, v46;
	v48 =	vsel vm1, $0x0, v48;
	v47 =	vsel vm0, v47, v43;
	[tilespmem:s13+$0x11B00] =	vst v50  }
0x274: {  	v51 =	vor.u32 $0x300, v46;
	v49 =	vsel vm1, $0x0, v49;
	v48 =	vsel vm0, v48, v41;
	[tilespmem:s13+$0x11D80] =	vst v47  }
0x275: {  	v47 =	vor.u32 $0x100, v46;
	v49 =	vsel vm0, v49, v39;
	[tilespmem:s13+$0x11C00] =	vst v48;
	v48 =	vsel vm1, $0x0, v57  }
0x276: {  	v52 =	vor.u32 $0x180, v46;
	[tilespmem:s13+$0x11A80] =	vst v49;
	v49 =	vsel vm1, $0x0, v56;
	v48 =	vsel vm0, v48, v40  }
0x277: {  	v49 =	vsel vm0, v49, v38;
	vm0 =	veq.s32 v55, $0x0;
	[tilespmem:s13+$0x11D00] =	vst v48  }
0x278: {  	[tilespmem:s13+$0x11B80] =	vst v49  }
0x279: {  	v48 =	vor.u32 $0x200, v46;
	v55 =	vld.idx.msk [tilespmem:v53+s28+$0x0], $0xffff  }
0x27a: {  	v49 =	vor.u32 $0x80, v46;
	v53 =	vld.idx.msk [tilespmem:v46+s28+$0x0], $0xffff  }
.Ltmp8:
0x27b: {  	v46 =	vld [tilespmem:s9+$0x0];
	s9 =	smov.u32 s6;
	(pc) =	sbr.rel @p1 .LBB2_18-.Ltmp8, $4  }
0x27c: {  	v50 =	vld.idx.msk [tilespmem:v47+s28+$0x0], $0xffff  }
0x27d: {  	v56 =	vand.u32 $0x2000, v58;
	v47 =	vld.idx.msk [tilespmem:v54+s28+$0x0], $0xffff  }
0x27e: {  	vm1 =	veq.s32 v56, $0x0;
	v48 =	vld.idx.msk [tilespmem:v48+s28+$0x0], $0xffff  }
0x27f: {  	v54 =	vsel vm1, $0x0, v55;
	v49 =	vld.idx.msk [tilespmem:v49+s28+$0x0], $0xffff  }
0x280: {  	_ =	sdelay $0x3  }
0x281: {  	v51 =	vld.idx.msk [tilespmem:v51+s28+$0x0], $0xffff;
	v53 =	vsel vm1, $0x0, v53;
	s4 =	sor.u32 s8, s4;
	v62 =	vsel vm0, v54, v45  }
0x282: {  	v55 =	vshll.u32 v46, $0x3;
	v52 =	vld.idx.msk [tilespmem:v52+s28+$0x0], $0xffff;
	v53 =	vsel vm0, v53, v44;
	v50 =	vsel vm1, $0x0, v50;
	[tilespmem:s4+$0x11C80] =	vst v62  }
0x283: {  	v56 =	vand.u32 $0x7F, v46;
	[tilespmem:s4+$0x11A00] =	vst v53;
	v50 =	vsel vm0, v50, v42;
	v47 =	vsel vm1, $0x0, v47  }
0x284: {  	v63 =	vand.u32 $0xFC00, v55;
	[tilespmem:s4+$0x11B00] =	vst v50;
	v48 =	vsel vm1, $0x0, v48;
	v47 =	vsel vm0, v47, v43  }
0x285: {  	v53 =	vor.u32 v56, v63;
	v49 =	vsel vm1, $0x0, v49;
	v48 =	vsel vm0, v48, v41;
	[tilespmem:s4+$0x11D80] =	vst v47  }
0x286: {  	v56 =	vor.u32 $0x280, v53;
	v57 =	vsel vm0, v49, v39;
	[tilespmem:s4+$0x11C00] =	vst v48;
	v58 =	vsel vm1, $0x0, v51  }
0x287: {  	v59 =	vor.u32 $0x100, v53;
	v60 =	vsel vm1, $0x0, v52;
	[tilespmem:s4+$0x11A80] =	vst v57;
	v48 =	vsel vm0, v58, v40  }
0x288: {  	v61 =	vor.u32 $0x380, v53;
	v47 =	vsel vm0, v60, v38;
	[tilespmem:s4+$0x11D00] =	vst v48  }
0x289: {  	v62 =	vor.u32 $0x200, v53;
	[tilespmem:s4+$0x11B80] =	vst v47  }
0x28a: {  	v63 =	vor.u32 $0x80, v53;
	v54 =	vld.idx.msk [tilespmem:v53+s28+$0x0], $0xffff  }
0x28b: {  	v57 =	vor.u32 $0x300, v53;
	v48 =	vld.idx.msk [tilespmem:v56+s28+$0x0], $0xffff  }
0x28c: {  	v53 =	vor.u32 $0x180, v53;
	v49 =	vld.idx.msk [tilespmem:v59+s28+$0x0], $0xffff  }
0x28d: {  	v58 =	vand.u32 $0x2000, v46;
	v51 =	vld.idx.msk [tilespmem:v61+s28+$0x0], $0xffff  }
0x28e: {  	vm14 =	veq.s32 v58, $0x0;
	v47 =	vld.idx.msk [tilespmem:v62+s28+$0x0], $0xffff;
	v59 =	vand.u32 $0x4000, v46  }
0x28f: {  	v50 =	vld.idx.msk [tilespmem:v63+s28+$0x0], $0xffff;
	vm15 =	veq.s32 v59, $0x0;
	v61 =	vsel vm14, $0x0, v54  }
0x290: {  	s2 =	sor.u32 s3, s2;
	v60 =	vld.idx.msk [tilespmem:v57+s28+$0x0], $0xffff;
	v48 =	vsel vm14, $0x0, v48;
	v62 =	vsel vm15, v61, v44  }
0x291: {  	v53 =	vld.idx.msk [tilespmem:v53+s28+$0x0], $0xffff;
	v63 =	vsel vm14, $0x0, v49;
	v49 =	vsel vm15, v48, v45;
	[tilespmem:s2+$0x11A00] =	vst v62  }
0x292: {  	v54 =	vsel vm14, $0x0, v51;
	v52 =	vsel vm15, v63, v42;
	[tilespmem:s2+$0x11C80] =	vst v49  }
0x293: {  	v55 =	vsel vm14, $0x0, v47;
	v56 =	vsel vm15, v54, v43;
	[tilespmem:s2+$0x11B00] =	vst v52  }
0x294: {  	v57 =	vsel vm14, $0x0, v50;
	v58 =	vsel vm15, v55, v41;
	[tilespmem:s2+$0x11D80] =	vst v56  }
0x295: {  	v59 =	vsel vm15, v57, v39;
	[tilespmem:s2+$0x11C00] =	vst v58;
	v60 =	vsel vm14, $0x0, v60  }
0x296: {  	[tilespmem:s2+$0x11A80] =	vst v59;
	v62 =	vsel vm15, v60, v40;
	v61 =	vsel vm14, $0x0, v53  }
0x297: {  	[tilespmem:s2+$0x11D00] =	vst v62;
	v63 =	vsel vm15, v61, v38  }
0x298: {  	s1 =	sadd.s32 $0x1, s1;
	[tilespmem:s2+$0x11B80] =	vst v63  }
0x299: {  	[hbm4b:s16+s17] =	stream.linear.scatter [tilespmem:s30], [sflag:$0x4], $0x4000, $0x38;
	[tilespmem:$0x19B00] =	vst v63  }
0x29a: {  	p1 =	sne.s32 s1, s20;
	_ =	swait.ge [sflag:s10], $0x4000  }
.Ltmp9:
0x29b: {  	[sflag:s10] =	ssyncset.done $0x0;
	(pc) =	sbr.rel @p1 .LBB2_1-.Ltmp9, $4  }
0x29c: {  	[sflag:s10] =	ssyncadd.s32 $0xFFFFC000  }
0x29d: {  	_ =	swait.ge [sflag:s0], $0x4000  }
0x29e: {  	[sflag:s0] =	ssyncset.done $0x0  }
0x29f: {  	[sflag:s0] =	ssyncadd.s32 $0xFFFFC000  }
0x2a0: {  	_ =	sfence.sel $0x180000  }
0x2a1: {  	[bflag:$0x0] =	sbarrier.arrive $0xFFFF  }
0x2a2: {  	_ =	strace $0x90000047  }
0x2a3: {  	s0 =	stileid.u32;
	[bflag:$0x2] =	sbarrier.arrive $0xFFFF  }
0x2a4: {  	p0 =	sne.s32 s0, $0x0;
	s0 =	rddreg [dreg:$0x6]  }
0x2a5: {  	s0 =	sadd.s32 @!p0 $0x100000, s0  }
0x2a6: {  	[sflag:s0] =	ssyncadd.tile.s32 @!p0 $0x1;
	_ =	shalt  }
.Lfunc_end2:
_tile_overlayer_lowered:
.L_overlay_start_2:
0x2a7: {  	(tag) =	ssettag $0x2  }
0x2a8: {  	s0 =	rddreg [dreg:$0x0];
	s2 =	stileid.u32  }
0x2a9: {  	s1 =	rddreg [dreg:$0x1];
	p0 =	sne.s32 s2, $0x0  }
0x2aa: {  	s3 =	rddreg [dreg:$0x2];
	[bflag:$0x3] =	sbarrier.arrive $0xFFFF;
	s2 =	simm.s32 @!p0 $0x1C05  }
0x2ab: {  	[timem:s3], [sflag:s2] =	dma.local @!p0 [hbm:s0], s1  }
0x2ac: {  	s0 =	simm.s32 @!p0 $0x5  }
0x2ad: {  	_ =	swait.ge @!p0 [sflag:s0], s1  }
0x2ae: {  	s1 =	ssub.s32 @!p0 $0x0, s1;
	[sflag:s0] =	ssyncset.done @!p0 $0x0  }
0x2af: {  	[sflag:s0] =	ssyncadd.s32 @!p0 s1  }
0x2b0: {  	[bflag:$0x3] =	sbarrier.arrive $0xFFFF  }
0x2b1: {  	_ =	shalt  }

</sc_bundles>
